<compile_context>
chip_gen: v7x
topology: tpu7x:2x2x1
jax: 0.10.2.dev20260603
libtpu: 0.0.44.dev20260713+nightly
codegen_flags: <defaults>
</compile_context>

<pallas_src>
import functools

import jax
import jax.numpy as jnp
from jax import lax
from jax.experimental import pallas as pl
from jax.experimental.pallas import tpu as pltpu
from jax.experimental.pallas import tpu_sc as plsc

NC = 2
NS = 16
LANE = 128
BM = 2000

def _mesh():
    return plsc.VectorSubcoreMesh(core_axis_name="c", subcore_axis_name="s",
                                  num_cores=NC, num_subcores=NS)


def _make_deg(NPAD, E):
    CH = 40
    EW = E // (NC * NS)
    NCHUNK = EW // CH
    RT = NPAD // NS

    out_t = tuple(jax.ShapeDtypeStruct((NPAD, 16), jnp.float32)
                  for _ in range(NC))
    scratch = [
        pltpu.VMEM((NCHUNK, CH), jnp.int32),
        pltpu.VMEM((CH, 16), jnp.float32),
        pltpu.VMEM_SHARED((NPAD, 16), jnp.float32),
    ]

    @functools.partial(pl.kernel, out_type=out_t, mesh=_mesh(),
                       scratch_types=scratch)
    def deg(dst_h, zeros_h, deg0_h, deg1_h, idx_v, ones_v, acc):
        c = lax.axis_index("c")
        s = lax.axis_index("s")
        w = s * NC + c
        pltpu.sync_copy(dst_h.at[w], idx_v)

        def fill(i, _):
            ones_v[i, :] = jnp.full((16,), 1.0, jnp.float32)
            return ()
        lax.fori_loop(0, CH, fill, ())

        pltpu.sync_copy(zeros_h, acc.at[pl.ds(s * RT, RT)])
        plsc.subcore_barrier()

        def body(j, _):
            pltpu.sync_copy(ones_v, acc.at[idx_v.at[j]], add=True)
            return ()
        lax.fori_loop(0, NCHUNK, body, ())
        plsc.subcore_barrier()

        @pl.when(c == 0)
        def _():
            pltpu.sync_copy(acc.at[pl.ds(s * RT, RT)],
                            deg0_h.at[pl.ds(s * RT, RT)])

        @pl.when(c == 1)
        def _():
            pltpu.sync_copy(acc.at[pl.ds(s * RT, RT)],
                            deg1_h.at[pl.ds(s * RT, RT)])

    return deg


def _make_agg(NPAD, E, P):
    PB = P // NC
    ET = E // NS
    CH = 80
    NCHUNK = -(-ET // CH)
    ETP = NCHUNK * CH
    PH = NCHUNK
    RT = NPAD // NS

    out_t = tuple(jax.ShapeDtypeStruct((NPAD, LANE), jnp.float32)
                  for _ in range(P))
    scratch = [
        pltpu.VMEM((PH * CH,), jnp.int32),
        pltpu.VMEM((NCHUNK, CH), jnp.int32),
        pltpu.VMEM((CH, LANE), jnp.float32),
        pltpu.VMEM((CH, LANE), jnp.float32),
        pltpu.VMEM_SHARED((NPAD, LANE), jnp.float32),
        pltpu.SemaphoreType.DMA,
        pltpu.SemaphoreType.DMA,
    ]

    @functools.partial(pl.kernel, out_type=out_t, mesh=_mesh(),
                       scratch_types=scratch)
    def agg(*refs):
        hps = refs[0:P]
        src_h, dst_h, zeros_h = refs[P:P + 3]
        outs = refs[P + 3:P + 3 + P]
        src_v, dst_v, buf_a, buf_b, acc, sem_a, sem_b = refs[P + 3 + P:]

        c = lax.axis_index("c")
        s = lax.axis_index("s")
        pltpu.sync_copy(dst_h.at[s], dst_v)

        def process(p):
            hp = hps[p]

            def phase(base, k):
                pltpu.sync_copy(
                    src_h.at[pl.ds(s * ETP + base * CH, k * CH)],
                    src_v.at[pl.ds(0, k * CH)])

                def start(j, buf, sem):
                    pltpu.async_copy(
                        hp.at[src_v.at[pl.ds(j * CH, CH)]], buf, sem)

                def drain(j, buf, sem):
                    pltpu.make_async_copy(
                        hp.at[src_v.at[pl.ds(j * CH, CH)]], buf, sem).wait()

                start(0, buf_a, sem_a)

                def body(i, _):
                    j0 = 2 * i
                    pl.when(j0 + 1 < k)(
                        lambda: start(j0 + 1, buf_b, sem_b))
                    drain(j0, buf_a, sem_a)
                    pltpu.sync_copy(buf_a, acc.at[dst_v.at[base + j0]],
                                    add=True)
                    pl.when(j0 + 2 < k)(
                        lambda: start(j0 + 2, buf_a, sem_a))

                    @pl.when(j0 + 1 < k)
                    def _():
                        drain(j0 + 1, buf_b, sem_b)
                        pltpu.sync_copy(buf_b,
                                        acc.at[dst_v.at[base + j0 + 1]],
                                        add=True)
                    return ()
                lax.fori_loop(0, (k + 1) // 2, body, ())

            pltpu.sync_copy(zeros_h, acc.at[pl.ds(s * RT, RT)])
            plsc.subcore_barrier()
            phase(0, PH)
            if NCHUNK > PH:
                phase(PH, NCHUNK - PH)
            plsc.subcore_barrier()
            pltpu.sync_copy(acc.at[pl.ds(s * RT, RT)],
                            outs[p].at[pl.ds(s * RT, RT)])
            plsc.subcore_barrier()

        for p in range(P):
            pl.when(c == p // PB)(lambda p=p: process(p))

    return agg


def _dinv_from(deg0, deg1):
    return lax.rsqrt(deg0[:, 0] + deg1[:, 0] + 1.0)


def _mm0_body(x_r, w_r, d0_r, d1_r, o0, o1, o2, o3):
    dinv = _dinv_from(d0_r[...], d1_r[...])[:, None]
    h = jnp.dot(x_r[...], w_r[...], preferred_element_type=jnp.float32)
    h = h * dinv
    for k, o in enumerate((o0, o1, o2, o3)):
        o[...] = h[:, k * LANE:(k + 1) * LANE]


def _mm1_body(a0, a1, a2, a3, h0, h1, h2, h3, d0_r, d1_r, b_r, w_r, o0, o1):
    dinv = _dinv_from(d0_r[...], d1_r[...])[:, None]
    b = b_r[...]
    cols = []
    for k, (a, h) in enumerate(zip((a0, a1, a2, a3), (h0, h1, h2, h3))):
        cols.append(jax.nn.relu(dinv * (a[...] + h[...])
                                + b[:, k * LANE:(k + 1) * LANE]))
    t = jnp.concatenate(cols, axis=1)
    g = jnp.dot(t, w_r[...], preferred_element_type=jnp.float32) * dinv
    o0[...] = g[:, :LANE]
    o1[...] = g[:, LANE:]


def _fin_body(a0, a1, h0, h1, d0_r, d1_r, b_r, o_r):
    dinv = _dinv_from(d0_r[...], d1_r[...])[:, None]
    b = b_r[...]
    left = jax.nn.relu(dinv * (a0[...] + h0[...]) + b[:, :LANE])
    right = jax.nn.relu(dinv * (a1[...] + h1[...]) + b[:, LANE:])
    o_r[...] = jnp.concatenate([left, right], axis=1)


def _row_spec(width):
    return pl.BlockSpec((BM, width), lambda i: (i, 0))


def _full_spec(shape):
    return pl.BlockSpec(shape, lambda i: tuple(0 for _ in shape))


def kernel(x, edge_index, W0, b0, W1, b1):
    N, D_IN = x.shape
    E = edge_index.shape[1]
    D_HID = W0.shape[1]
    D_OUT = W1.shape[1]

    NPAD = ((N + NS * 8 - 1) // (NS * 8)) * NS * 8

    src = edge_index[0]
    dst = edge_index[1]
    ET = E // NS
    ETP = -(-ET // 80) * 80
    src_t = jnp.pad(src.reshape(NS, ET),
                    ((0, 0), (0, ETP - ET))).reshape(-1)
    dst_t = jnp.pad(dst.reshape(NS, ET), ((0, 0), (0, ETP - ET)),
                    constant_values=N).reshape(NS, ETP // 80, 80)
    dst_w = dst.reshape(NC * NS, (E // (NC * NS)) // 40, 40)
    zeros16 = jnp.zeros((NPAD // NS, 16), jnp.float32)
    zeros128 = jnp.zeros((NPAD // NS, LANE), jnp.float32)
    b0r = b0.reshape(1, D_HID)
    b1r = b1.reshape(1, D_OUT)

    deg0, deg1 = _make_deg(NPAD, E)(dst_w, zeros16)

    grid = (N // BM,)
    h0 = pl.pallas_call(
        _mm0_body,
        grid=grid,
        in_specs=[_row_spec(D_IN), _full_spec((D_IN, D_HID)),
                  _row_spec(16), _row_spec(16)],
        out_specs=[_row_spec(LANE)] * 4,
        out_shape=[jax.ShapeDtypeStruct((N, LANE), jnp.float32)] * 4,
    )(x, W0, deg0, deg1)

    agg_fn4 = _make_agg(NPAD, E, D_HID // LANE)
    a0 = agg_fn4(*h0, src_t, dst_t, zeros128)

    h1 = pl.pallas_call(
        _mm1_body,
        grid=grid,
        in_specs=[_row_spec(LANE)] * 8
        + [_row_spec(16), _row_spec(16),
           _full_spec((1, D_HID)), _full_spec((D_HID, D_OUT))],
        out_specs=[_row_spec(LANE)] * 2,
        out_shape=[jax.ShapeDtypeStruct((N, LANE), jnp.float32)] * 2,
    )(*a0, *h0, deg0, deg1, b0r, W1)

    agg_fn2 = _make_agg(NPAD, E, D_OUT // LANE)
    a1 = agg_fn2(*h1, src_t, dst_t, zeros128)

    out = pl.pallas_call(
        _fin_body,
        grid=grid,
        in_specs=[_row_spec(LANE)] * 4
        + [_row_spec(16), _row_spec(16), _full_spec((1, D_OUT))],
        out_specs=_row_spec(D_OUT),
        out_shape=jax.ShapeDtypeStruct((N, D_OUT), jnp.float32),
    )(*a1, *h1, deg0, deg1, b1r)

    return out

# --- scband reference (transcript-rebuilt; emitter-appended) ---
"""Pipeline reference for scband-model-41308995453161 (READ-ONLY COPY).

The authoritative reference and input builder live on the scoring server;
editing this copy changes nothing except your own understanding.
"""

import jax, jax.numpy as jnp
import numpy as np

N = 10000
E = 160000
D_IN = 256
D_HID = 512  # 2 * out_channels
D_OUT = 256


def setup_inputs(seed: int = 0) -> dict:
    key = jax.random.key(seed)
    k1, k2, k3, k4 = jax.random.split(key, 4)
    x = jax.random.normal(k1, (N, D_IN), dtype=jnp.float32)
    edge_index = jax.random.randint(k2, (2, E), 0, N, dtype=jnp.int32)
    W0 = jax.random.normal(k3, (D_IN, D_HID), dtype=jnp.float32) * 0.05
    b0 = jnp.zeros((D_HID,), dtype=jnp.float32)
    W1 = jax.random.normal(k4, (D_HID, D_OUT), dtype=jnp.float32) * 0.05
    b1 = jnp.zeros((D_OUT,), dtype=jnp.float32)
    return {"x": x, "edge_index": edge_index, "W0": W0, "b0": b0, "W1": W1, "b1": b1}


def _gcn_conv(x, edge_index, W, b):
    # Faithful GCNConv: add self loops, sym-normalize, x @ W, scatter-add messages, + bias
    n = x.shape[0]
    loops = jnp.arange(n, dtype=edge_index.dtype)
    src = jnp.concatenate([edge_index[0], loops])
    dst = jnp.concatenate([edge_index[1], loops])
    deg = jax.ops.segment_sum(jnp.ones_like(dst, dtype=x.dtype), dst, num_segments=n)
    dinv = jnp.where(deg > 0, 1.0 / jnp.sqrt(deg), 0.0)
    norm = dinv[src] * dinv[dst]
    h = x @ W
    msg = h[src] * norm[:, None]
    out = jax.ops.segment_sum(msg, dst, num_segments=n)
    return out + b


def reference(x, edge_index, W0, b0, W1, b1):
    # Encoder with k=2: conv0 (in->2*out) then relu, conv1 (2*out->out) then relu
    h = jax.nn.relu(_gcn_conv(x, edge_index, W0, b0))
    h = jax.nn.relu(_gcn_conv(h, edge_index, W1, b1))
    return h

if __name__ == "__main__":
    import jax
    _d = setup_inputs()
    print(jax.jit(kernel)(*tuple(_d.values())))

</pallas_src>

<mosaic_0001>
#map = affine_map<(d0, d1) -> (0, 0)>
#map1 = affine_map<(d0, d1) -> (0)>
#map2 = affine_map<(d0, d1) -> (0, 0, 0)>
module attributes {stable_mosaic.version = 14 : i64} {
  func.func @agg(%arg0: i32, %arg1: i32, %arg2: memref<10000x128xf32, #tpu.memory_space<hbm>>, %arg3: memref<10000x128xf32, #tpu.memory_space<hbm>>, %arg4: memref<160000xi32, #tpu.memory_space<hbm>>, %arg5: memref<16x125x80xi32, #tpu.memory_space<hbm>>, %arg6: memref<632x128xf32, #tpu.memory_space<hbm>>, %arg7: memref<10112x128xf32, #tpu.memory_space<hbm>>, %arg8: memref<10112x128xf32, #tpu.memory_space<hbm>>, %arg9: memref<10000xi32, #tpu.memory_space<vmem>>, %arg10: memref<125x80xi32, #tpu.memory_space<vmem>>, %arg11: memref<80x128xf32, #tpu.memory_space<vmem>>, %arg12: memref<80x128xf32, #tpu.memory_space<vmem>>, %arg13: memref<10112x128xf32, #tpu.memory_space<vmem_shared>>, %arg14: memref<!tpu.dma_semaphore, #tpu.memory_space<semaphore_mem>>, %arg15: memref<!tpu.dma_semaphore, #tpu.memory_space<semaphore_mem>>) attributes {dimension_semantics = [#tpu.dimension_semantics<core_parallel>, #tpu.dimension_semantics<subcore_parallel>], iteration_bounds = array<i64: 2, 16>, scalar_prefetch = 0 : i64, scratch_operands = 7 : i64, tpu.core_type = #tpu.core_type<sc_vector_subcore>, window_params = [{transform_indices = #map}, {transform_indices = #map}, {transform_indices = #map1}, {transform_indices = #map2}, {transform_indices = #map}, {transform_indices = #map}, {transform_indices = #map}]} {
    "tpu.region"() ({
      %run_scoped3A = tpu.sem_alloc : memref<!tpu.dma_semaphore, #tpu.memory_space<semaphore_mem>>
      %dma_start3A = arith.constant 0 : i32
      %dma_start3A_7 = arith.constant 0 : i32
      %dma_start3A_8 = tpu.memref_slice %arg5[%arg1, %dma_start3A, %dma_start3A_7] : memref<16x125x80xi32, #tpu.memory_space<hbm>> -> memref<1x125x80xi32, #tpu.memory_space<hbm>>
      %dma_start3A_9 = tpu.memref_squeeze %dma_start3A_8 : memref<1x125x80xi32, #tpu.memory_space<hbm>> -> memref<125x80xi32, #tpu.memory_space<hbm>>
      %dma_start3A_10 = arith.constant 0 : i32
      %dma_start3A_11 = arith.constant 0 : i32
      %dma_start3A_12 = tpu.memref_slice %arg5[%arg1, %dma_start3A_10, %dma_start3A_11] : memref<16x125x80xi32, #tpu.memory_space<hbm>> -> memref<1x125x80xi32, #tpu.memory_space<hbm>>
      %dma_start3A_13 = tpu.memref_squeeze %dma_start3A_12 : memref<1x125x80xi32, #tpu.memory_space<hbm>> -> memref<125x80xi32, #tpu.memory_space<hbm>>
      tpu.enqueue_dma source(%dma_start3A_13 : memref<125x80xi32, #tpu.memory_space<hbm>>) target(%arg10 : memref<125x80xi32, #tpu.memory_space<vmem>>) target_semaphore(%run_scoped3A : memref<!tpu.dma_semaphore, #tpu.memory_space<semaphore_mem>>)
      %dma_wait3A = arith.constant 0 : i32
      %dma_wait3A_14 = arith.constant 0 : i32
      %dma_wait3A_15 = tpu.memref_slice %arg5[%arg1, %dma_wait3A, %dma_wait3A_14] : memref<16x125x80xi32, #tpu.memory_space<hbm>> -> memref<1x125x80xi32, #tpu.memory_space<hbm>>
      %dma_wait3A_16 = tpu.memref_squeeze %dma_wait3A_15 : memref<1x125x80xi32, #tpu.memory_space<hbm>> -> memref<125x80xi32, #tpu.memory_space<hbm>>
      %dma_wait3A_17 = arith.constant 0 : i32
      %dma_wait3A_18 = arith.constant 0 : i32
      %dma_wait3A_19 = tpu.memref_slice %arg5[%arg1, %dma_wait3A_17, %dma_wait3A_18] : memref<16x125x80xi32, #tpu.memory_space<hbm>> -> memref<1x125x80xi32, #tpu.memory_space<hbm>>
      %dma_wait3A_20 = tpu.memref_squeeze %dma_wait3A_19 : memref<1x125x80xi32, #tpu.memory_space<hbm>> -> memref<125x80xi32, #tpu.memory_space<hbm>>
      tpu.wait_dma2 semaphore(%run_scoped3A : memref<!tpu.dma_semaphore, #tpu.memory_space<semaphore_mem>>) src(%dma_wait3A_20 : memref<125x80xi32, #tpu.memory_space<hbm>>) dst(%arg10 : memref<125x80xi32, #tpu.memory_space<vmem>>)
      tpu.yield
    }) : () -> ()
    %eq3A = arith.constant 0 : i32
    %eq3A_0 = arith.cmpi eq, %arg0, %eq3A : i32
    %convert_element_type3A = arith.extui %eq3A_0 : i1 to i32
    %cond3A = arith.constant 0 : i32
    %cond3A_1 = arith.cmpi ne, %convert_element_type3A, %cond3A : i32
    scf.if %cond3A_1 {
      %mul3A = arith.constant 632 : i32
      %mul3A_7 = arith.muli %arg1, %mul3A : i32
      "tpu.region"() ({
        %run_scoped3A = tpu.sem_alloc : memref<!tpu.dma_semaphore, #tpu.memory_space<semaphore_mem>>
        %dma_start3A_25 = arith.constant 0 : i32
        %dma_start3A_26 = tpu.memref_slice %arg13[%mul3A_7, %dma_start3A_25] : memref<10112x128xf32, #tpu.memory_space<vmem_shared>> -> memref<632x128xf32, #tpu.memory_space<vmem_shared>>
        tpu.enqueue_dma source(%arg6 : memref<632x128xf32, #tpu.memory_space<hbm>>) target(%dma_start3A_26 : memref<632x128xf32, #tpu.memory_space<vmem_shared>>) target_semaphore(%run_scoped3A : memref<!tpu.dma_semaphore, #tpu.memory_space<semaphore_mem>>)
        %dma_wait3A = arith.constant 0 : i32
        %dma_wait3A_27 = tpu.memref_slice %arg13[%mul3A_7, %dma_wait3A] : memref<10112x128xf32, #tpu.memory_space<vmem_shared>> -> memref<632x128xf32, #tpu.memory_space<vmem_shared>>
        tpu.wait_dma2 semaphore(%run_scoped3A : memref<!tpu.dma_semaphore, #tpu.memory_space<semaphore_mem>>) src(%arg6 : memref<632x128xf32, #tpu.memory_space<hbm>>) dst(%dma_wait3A_27 : memref<632x128xf32, #tpu.memory_space<vmem_shared>>)
        tpu.yield
      }) : () -> ()
      %barrier3A = arith.constant 0 : index
      tpu.barrier barrier_id(%barrier3A)
      %mul3A_8 = arith.constant 10000 : i32
      %mul3A_9 = arith.muli %arg1, %mul3A_8 : i32
      %add3A = arith.constant 0 : i32
      %add3A_10 = arith.addi %mul3A_9, %add3A : i32
      "tpu.region"() ({
        %run_scoped3A = tpu.sem_alloc : memref<!tpu.dma_semaphore, #tpu.memory_space<semaphore_mem>>
        %dma_start3A_25 = arith.constant 0 : i32
        %dma_start3A_26 = tpu.memref_slice %arg9[%dma_start3A_25] : memref<10000xi32, #tpu.memory_space<vmem>> -> memref<10000xi32, #tpu.memory_space<vmem>>
        %dma_start3A_27 = tpu.memref_slice %arg4[%add3A_10] : memref<160000xi32, #tpu.memory_space<hbm>> -> memref<10000xi32, #tpu.memory_space<hbm>>
        %dma_start3A_28 = arith.constant 0 : i32
        %dma_start3A_29 = tpu.memref_slice %arg9[%dma_start3A_28] : memref<10000xi32, #tpu.memory_space<vmem>> -> memref<10000xi32, #tpu.memory_space<vmem>>
        %dma_start3A_30 = tpu.memref_slice %arg4[%add3A_10] : memref<160000xi32, #tpu.memory_space<hbm>> -> memref<10000xi32, #tpu.memory_space<hbm>>
        tpu.enqueue_dma source(%dma_start3A_30 : memref<10000xi32, #tpu.memory_space<hbm>>) target(%dma_start3A_29 : memref<10000xi32, #tpu.memory_space<vmem>>) target_semaphore(%run_scoped3A : memref<!tpu.dma_semaphore, #tpu.memory_space<semaphore_mem>>)
        %dma_wait3A = arith.constant 0 : i32
        %dma_wait3A_31 = tpu.memref_slice %arg9[%dma_wait3A] : memref<10000xi32, #tpu.memory_space<vmem>> -> memref<10000xi32, #tpu.memory_space<vmem>>
        %dma_wait3A_32 = tpu.memref_slice %arg4[%add3A_10] : memref<160000xi32, #tpu.memory_space<hbm>> -> memref<10000xi32, #tpu.memory_space<hbm>>
        %dma_wait3A_33 = arith.constant 0 : i32
        %dma_wait3A_34 = tpu.memref_slice %arg9[%dma_wait3A_33] : memref<10000xi32, #tpu.memory_space<vmem>> -> memref<10000xi32, #tpu.memory_space<vmem>>
        %dma_wait3A_35 = tpu.memref_slice %arg4[%add3A_10] : memref<160000xi32, #tpu.memory_space<hbm>> -> memref<10000xi32, #tpu.memory_space<hbm>>
        tpu.wait_dma2 semaphore(%run_scoped3A : memref<!tpu.dma_semaphore, #tpu.memory_space<semaphore_mem>>) src(%dma_wait3A_35 : memref<10000xi32, #tpu.memory_space<hbm>>) dst(%dma_wait3A_34 : memref<10000xi32, #tpu.memory_space<vmem>>)
        tpu.yield
      }) : () -> ()
      %dma_start3A = arith.constant 0 : i32
      %dma_start3A_11 = tpu.memref_slice %arg9[%dma_start3A] : memref<10000xi32, #tpu.memory_space<vmem>> -> memref<80xi32, #tpu.memory_space<vmem>>
      %dma_start3A_12 = arith.constant 0 : i32
      %dma_start3A_13 = arith.constant 0 : i32
      %dma_start3A_14 = tpu.memref_slice %arg2[%dma_start3A_12, %dma_start3A_13] : memref<10000x128xf32, #tpu.memory_space<hbm>> -> memref<10000x128xf32, #tpu.memory_space<hbm>>
      tpu.enqueue_indirect_dma source(%dma_start3A_14 : memref<10000x128xf32, #tpu.memory_space<hbm>>) target(%arg11 : memref<80x128xf32, #tpu.memory_space<vmem>>) offsets(%dma_start3A_11 : memref<80xi32, #tpu.memory_space<vmem>>) semaphore(%arg14 : memref<!tpu.dma_semaphore, #tpu.memory_space<semaphore_mem>>)
      %scan3A = arith.constant 0 : i32
      %scan3A_15 = arith.constant 63 : i32
      %scan3A_16 = arith.addi %scan3A, %scan3A_15 : i32
      %scan3A_17 = arith.constant 1 : i32
      scf.for %scan3A_25 = %scan3A to %scan3A_16 step %scan3A_17  : i32 {
        %mul3A_26 = arith.constant 2 : i32
        %mul3A_27 = arith.muli %mul3A_26, %scan3A_25 : i32
        %add3A_28 = arith.constant 1 : i32
        %add3A_29 = arith.addi %mul3A_27, %add3A_28 : i32
        %lt3A = arith.constant 125 : i32
        %lt3A_30 = arith.cmpi slt, %add3A_29, %lt3A : i32
        %convert_element_type3A_31 = arith.extui %lt3A_30 : i1 to i32
        %cond3A_32 = arith.constant 0 : i32
        %cond3A_33 = arith.cmpi ne, %convert_element_type3A_31, %cond3A_32 : i32
        scf.if %cond3A_33 {
          %add3A_55 = arith.constant 1 : i32
          %add3A_56 = arith.addi %mul3A_27, %add3A_55 : i32
          %mul3A_57 = arith.constant 80 : i32
          %mul3A_58 = arith.muli %add3A_56, %mul3A_57 : i32
          %dma_start3A_59 = tpu.memref_slice %arg9[%mul3A_58] : memref<10000xi32, #tpu.memory_space<vmem>> -> memref<80xi32, #tpu.memory_space<vmem>>
          %dma_start3A_60 = arith.constant 0 : i32
          %dma_start3A_61 = arith.constant 0 : i32
          %dma_start3A_62 = tpu.memref_slice %arg2[%dma_start3A_60, %dma_start3A_61] : memref<10000x128xf32, #tpu.memory_space<hbm>> -> memref<10000x128xf32, #tpu.memory_space<hbm>>
          tpu.enqueue_indirect_dma source(%dma_start3A_62 : memref<10000x128xf32, #tpu.memory_space<hbm>>) target(%arg12 : memref<80x128xf32, #tpu.memory_space<vmem>>) offsets(%dma_start3A_59 : memref<80xi32, #tpu.memory_space<vmem>>) semaphore(%arg15 : memref<!tpu.dma_semaphore, #tpu.memory_space<semaphore_mem>>)
        } else {
        }
        %mul3A_34 = arith.constant 80 : i32
        %mul3A_35 = arith.muli %mul3A_27, %mul3A_34 : i32
        %dma_wait3A = tpu.memref_slice %arg9[%mul3A_35] : memref<10000xi32, #tpu.memory_space<vmem>> -> memref<80xi32, #tpu.memory_space<vmem>>
        %dma_wait3A_36 = arith.constant 0 : i32
        %dma_wait3A_37 = arith.constant 0 : i32
        %dma_wait3A_38 = tpu.memref_slice %arg2[%dma_wait3A_36, %dma_wait3A_37] : memref<10000x128xf32, #tpu.memory_space<hbm>> -> memref<10000x128xf32, #tpu.memory_space<hbm>>
        tpu.wait_indirect_dma semaphore(%arg14 : memref<!tpu.dma_semaphore, #tpu.memory_space<semaphore_mem>>) src(%dma_wait3A_38 : memref<10000x128xf32, #tpu.memory_space<hbm>>) dst(%arg11 : memref<80x128xf32, #tpu.memory_space<vmem>>)
        %add3A_39 = arith.constant 0 : i32
        %add3A_40 = arith.addi %add3A_39, %mul3A_27 : i32
        "tpu.region"() ({
          %run_scoped3A = tpu.sem_alloc : memref<!tpu.dma_semaphore, #tpu.memory_space<semaphore_mem>>
          %dma_start3A_55 = arith.constant 0 : i32
          %dma_start3A_56 = tpu.memref_slice %arg10[%add3A_40, %dma_start3A_55] : memref<125x80xi32, #tpu.memory_space<vmem>> -> memref<1x80xi32, #tpu.memory_space<vmem>>
          %dma_start3A_57 = tpu.memref_squeeze %dma_start3A_56 : memref<1x80xi32, #tpu.memory_space<vmem>> -> memref<80xi32, #tpu.memory_space<vmem>>
          %dma_start3A_58 = arith.constant 0 : i32
          %dma_start3A_59 = arith.constant 0 : i32
          %dma_start3A_60 = tpu.memref_slice %arg13[%dma_start3A_58, %dma_start3A_59] : memref<10112x128xf32, #tpu.memory_space<vmem_shared>> -> memref<10112x128xf32, #tpu.memory_space<vmem_shared>>
          tpu.enqueue_indirect_dma source(%arg11 : memref<80x128xf32, #tpu.memory_space<vmem>>) target(%dma_start3A_60 : memref<10112x128xf32, #tpu.memory_space<vmem_shared>>) offsets(%dma_start3A_57 : memref<80xi32, #tpu.memory_space<vmem>>) semaphore(%run_scoped3A : memref<!tpu.dma_semaphore, #tpu.memory_space<semaphore_mem>>) {add = true}
          %dma_wait3A_61 = arith.constant 0 : i32
          %dma_wait3A_62 = tpu.memref_slice %arg10[%add3A_40, %dma_wait3A_61] : memref<125x80xi32, #tpu.memory_space<vmem>> -> memref<1x80xi32, #tpu.memory_space<vmem>>
          %dma_wait3A_63 = tpu.memref_squeeze %dma_wait3A_62 : memref<1x80xi32, #tpu.memory_space<vmem>> -> memref<80xi32, #tpu.memory_space<vmem>>
          %dma_wait3A_64 = arith.constant 0 : i32
          %dma_wait3A_65 = arith.constant 0 : i32
          %dma_wait3A_66 = tpu.memref_slice %arg13[%dma_wait3A_64, %dma_wait3A_65] : memref<10112x128xf32, #tpu.memory_space<vmem_shared>> -> memref<10112x128xf32, #tpu.memory_space<vmem_shared>>
          tpu.wait_indirect_dma semaphore(%run_scoped3A : memref<!tpu.dma_semaphore, #tpu.memory_space<semaphore_mem>>) src(%arg11 : memref<80x128xf32, #tpu.memory_space<vmem>>) dst(%dma_wait3A_66 : memref<10112x128xf32, #tpu.memory_space<vmem_shared>>)
          tpu.yield
        }) : () -> ()
        %add3A_41 = arith.constant 2 : i32
        %add3A_42 = arith.addi %mul3A_27, %add3A_41 : i32
        %lt3A_43 = arith.constant 125 : i32
        %lt3A_44 = arith.cmpi slt, %add3A_42, %lt3A_43 : i32
        %convert_element_type3A_45 = arith.extui %lt3A_44 : i1 to i32
        %cond3A_46 = arith.constant 0 : i32
        %cond3A_47 = arith.cmpi ne, %convert_element_type3A_45, %cond3A_46 : i32
        scf.if %cond3A_47 {
          %add3A_55 = arith.constant 2 : i32
          %add3A_56 = arith.addi %mul3A_27, %add3A_55 : i32
          %mul3A_57 = arith.constant 80 : i32
          %mul3A_58 = arith.muli %add3A_56, %mul3A_57 : i32
          %dma_start3A_59 = tpu.memref_slice %arg9[%mul3A_58] : memref<10000xi32, #tpu.memory_space<vmem>> -> memref<80xi32, #tpu.memory_space<vmem>>
          %dma_start3A_60 = arith.constant 0 : i32
          %dma_start3A_61 = arith.constant 0 : i32
          %dma_start3A_62 = tpu.memref_slice %arg2[%dma_start3A_60, %dma_start3A_61] : memref<10000x128xf32, #tpu.memory_space<hbm>> -> memref<10000x128xf32, #tpu.memory_space<hbm>>
          tpu.enqueue_indirect_dma source(%dma_start3A_62 : memref<10000x128xf32, #tpu.memory_space<hbm>>) target(%arg11 : memref<80x128xf32, #tpu.memory_space<vmem>>) offsets(%dma_start3A_59 : memref<80xi32, #tpu.memory_space<vmem>>) semaphore(%arg14 : memref<!tpu.dma_semaphore, #tpu.memory_space<semaphore_mem>>)
        } else {
        }
        %add3A_48 = arith.constant 1 : i32
        %add3A_49 = arith.addi %mul3A_27, %add3A_48 : i32
        %lt3A_50 = arith.constant 125 : i32
        %lt3A_51 = arith.cmpi slt, %add3A_49, %lt3A_50 : i32
        %convert_element_type3A_52 = arith.extui %lt3A_51 : i1 to i32
        %cond3A_53 = arith.constant 0 : i32
        %cond3A_54 = arith.cmpi ne, %convert_element_type3A_52, %cond3A_53 : i32
        scf.if %cond3A_54 {
          %add3A_55 = arith.constant 1 : i32
          %add3A_56 = arith.addi %mul3A_27, %add3A_55 : i32
          %mul3A_57 = arith.constant 80 : i32
          %mul3A_58 = arith.muli %add3A_56, %mul3A_57 : i32
          %dma_wait3A_59 = tpu.memref_slice %arg9[%mul3A_58] : memref<10000xi32, #tpu.memory_space<vmem>> -> memref<80xi32, #tpu.memory_space<vmem>>
          %dma_wait3A_60 = arith.constant 0 : i32
          %dma_wait3A_61 = arith.constant 0 : i32
          %dma_wait3A_62 = tpu.memref_slice %arg2[%dma_wait3A_60, %dma_wait3A_61] : memref<10000x128xf32, #tpu.memory_space<hbm>> -> memref<10000x128xf32, #tpu.memory_space<hbm>>
          tpu.wait_indirect_dma semaphore(%arg15 : memref<!tpu.dma_semaphore, #tpu.memory_space<semaphore_mem>>) src(%dma_wait3A_62 : memref<10000x128xf32, #tpu.memory_space<hbm>>) dst(%arg12 : memref<80x128xf32, #tpu.memory_space<vmem>>)
          %add3A_63 = arith.constant 0 : i32
          %add3A_64 = arith.addi %add3A_63, %mul3A_27 : i32
          %add3A_65 = arith.constant 1 : i32
          %add3A_66 = arith.addi %add3A_64, %add3A_65 : i32
          "tpu.region"() ({
            %run_scoped3A = tpu.sem_alloc : memref<!tpu.dma_semaphore, #tpu.memory_space<semaphore_mem>>
            %dma_start3A_67 = arith.constant 0 : i32
            %dma_start3A_68 = tpu.memref_slice %arg10[%add3A_66, %dma_start3A_67] : memref<125x80xi32, #tpu.memory_space<vmem>> -> memref<1x80xi32, #tpu.memory_space<vmem>>
            %dma_start3A_69 = tpu.memref_squeeze %dma_start3A_68 : memref<1x80xi32, #tpu.memory_space<vmem>> -> memref<80xi32, #tpu.memory_space<vmem>>
            %dma_start3A_70 = arith.constant 0 : i32
            %dma_start3A_71 = arith.constant 0 : i32
            %dma_start3A_72 = tpu.memref_slice %arg13[%dma_start3A_70, %dma_start3A_71] : memref<10112x128xf32, #tpu.memory_space<vmem_shared>> -> memref<10112x128xf32, #tpu.memory_space<vmem_shared>>
            tpu.enqueue_indirect_dma source(%arg12 : memref<80x128xf32, #tpu.memory_space<vmem>>) target(%dma_start3A_72 : memref<10112x128xf32, #tpu.memory_space<vmem_shared>>) offsets(%dma_start3A_69 : memref<80xi32, #tpu.memory_space<vmem>>) semaphore(%run_scoped3A : memref<!tpu.dma_semaphore, #tpu.memory_space<semaphore_mem>>) {add = true}
            %dma_wait3A_73 = arith.constant 0 : i32
            %dma_wait3A_74 = tpu.memref_slice %arg10[%add3A_66, %dma_wait3A_73] : memref<125x80xi32, #tpu.memory_space<vmem>> -> memref<1x80xi32, #tpu.memory_space<vmem>>
            %dma_wait3A_75 = tpu.memref_squeeze %dma_wait3A_74 : memref<1x80xi32, #tpu.memory_space<vmem>> -> memref<80xi32, #tpu.memory_space<vmem>>
            %dma_wait3A_76 = arith.constant 0 : i32
            %dma_wait3A_77 = arith.constant 0 : i32
            %dma_wait3A_78 = tpu.memref_slice %arg13[%dma_wait3A_76, %dma_wait3A_77] : memref<10112x128xf32, #tpu.memory_space<vmem_shared>> -> memref<10112x128xf32, #tpu.memory_space<vmem_shared>>
            tpu.wait_indirect_dma semaphore(%run_scoped3A : memref<!tpu.dma_semaphore, #tpu.memory_space<semaphore_mem>>) src(%arg12 : memref<80x128xf32, #tpu.memory_space<vmem>>) dst(%dma_wait3A_78 : memref<10112x128xf32, #tpu.memory_space<vmem_shared>>)
            tpu.yield
          }) : () -> ()
        } else {
        }
      }
      %scan3A_18 = arith.constant 63 : i32
      %barrier3A_19 = arith.constant 0 : index
      tpu.barrier barrier_id(%barrier3A_19)
      %mul3A_20 = arith.constant 632 : i32
      %mul3A_21 = arith.muli %arg1, %mul3A_20 : i32
      %mul3A_22 = arith.constant 632 : i32
      %mul3A_23 = arith.muli %arg1, %mul3A_22 : i32
      "tpu.region"() ({
        %run_scoped3A = tpu.sem_alloc : memref<!tpu.dma_semaphore, #tpu.memory_space<semaphore_mem>>
        %dma_start3A_25 = arith.constant 0 : i32
        %dma_start3A_26 = tpu.memref_slice %arg7[%mul3A_23, %dma_start3A_25] : memref<10112x128xf32, #tpu.memory_space<hbm>> -> memref<632x128xf32, #tpu.memory_space<hbm>>
        %dma_start3A_27 = arith.constant 0 : i32
        %dma_start3A_28 = tpu.memref_slice %arg13[%mul3A_21, %dma_start3A_27] : memref<10112x128xf32, #tpu.memory_space<vmem_shared>> -> memref<632x128xf32, #tpu.memory_space<vmem_shared>>
        tpu.enqueue_dma source(%dma_start3A_28 : memref<632x128xf32, #tpu.memory_space<vmem_shared>>) target(%dma_start3A_26 : memref<632x128xf32, #tpu.memory_space<hbm>>) target_semaphore(%run_scoped3A : memref<!tpu.dma_semaphore, #tpu.memory_space<semaphore_mem>>)
        %dma_wait3A = arith.constant 0 : i32
        %dma_wait3A_29 = tpu.memref_slice %arg7[%mul3A_23, %dma_wait3A] : memref<10112x128xf32, #tpu.memory_space<hbm>> -> memref<632x128xf32, #tpu.memory_space<hbm>>
        %dma_wait3A_30 = arith.constant 0 : i32
        %dma_wait3A_31 = tpu.memref_slice %arg13[%mul3A_21, %dma_wait3A_30] : memref<10112x128xf32, #tpu.memory_space<vmem_shared>> -> memref<632x128xf32, #tpu.memory_space<vmem_shared>>
        tpu.wait_dma2 semaphore(%run_scoped3A : memref<!tpu.dma_semaphore, #tpu.memory_space<semaphore_mem>>) src(%dma_wait3A_31 : memref<632x128xf32, #tpu.memory_space<vmem_shared>>) dst(%dma_wait3A_29 : memref<632x128xf32, #tpu.memory_space<hbm>>)
        tpu.yield
      }) : () -> ()
      %barrier3A_24 = arith.constant 0 : index
      tpu.barrier barrier_id(%barrier3A_24)
    } else {
    }
    %eq3A_2 = arith.constant 1 : i32
    %eq3A_3 = arith.cmpi eq, %arg0, %eq3A_2 : i32
    %convert_element_type3A_4 = arith.extui %eq3A_3 : i1 to i32
    %cond3A_5 = arith.constant 0 : i32
    %cond3A_6 = arith.cmpi ne, %convert_element_type3A_4, %cond3A_5 : i32
    scf.if %cond3A_6 {
      %mul3A = arith.constant 632 : i32
      %mul3A_7 = arith.muli %arg1, %mul3A : i32
      "tpu.region"() ({
        %run_scoped3A = tpu.sem_alloc : memref<!tpu.dma_semaphore, #tpu.memory_space<semaphore_mem>>
        %dma_start3A_25 = arith.constant 0 : i32
        %dma_start3A_26 = tpu.memref_slice %arg13[%mul3A_7, %dma_start3A_25] : memref<10112x128xf32, #tpu.memory_space<vmem_shared>> -> memref<632x128xf32, #tpu.memory_space<vmem_shared>>
        tpu.enqueue_dma source(%arg6 : memref<632x128xf32, #tpu.memory_space<hbm>>) target(%dma_start3A_26 : memref<632x128xf32, #tpu.memory_space<vmem_shared>>) target_semaphore(%run_scoped3A : memref<!tpu.dma_semaphore, #tpu.memory_space<semaphore_mem>>)
        %dma_wait3A = arith.constant 0 : i32
        %dma_wait3A_27 = tpu.memref_slice %arg13[%mul3A_7, %dma_wait3A] : memref<10112x128xf32, #tpu.memory_space<vmem_shared>> -> memref<632x128xf32, #tpu.memory_space<vmem_shared>>
        tpu.wait_dma2 semaphore(%run_scoped3A : memref<!tpu.dma_semaphore, #tpu.memory_space<semaphore_mem>>) src(%arg6 : memref<632x128xf32, #tpu.memory_space<hbm>>) dst(%dma_wait3A_27 : memref<632x128xf32, #tpu.memory_space<vmem_shared>>)
        tpu.yield
      }) : () -> ()
      %barrier3A = arith.constant 0 : index
      tpu.barrier barrier_id(%barrier3A)
      %mul3A_8 = arith.constant 10000 : i32
      %mul3A_9 = arith.muli %arg1, %mul3A_8 : i32
      %add3A = arith.constant 0 : i32
      %add3A_10 = arith.addi %mul3A_9, %add3A : i32
      "tpu.region"() ({
        %run_scoped3A = tpu.sem_alloc : memref<!tpu.dma_semaphore, #tpu.memory_space<semaphore_mem>>
        %dma_start3A_25 = arith.constant 0 : i32
        %dma_start3A_26 = tpu.memref_slice %arg9[%dma_start3A_25] : memref<10000xi32, #tpu.memory_space<vmem>> -> memref<10000xi32, #tpu.memory_space<vmem>>
        %dma_start3A_27 = tpu.memref_slice %arg4[%add3A_10] : memref<160000xi32, #tpu.memory_space<hbm>> -> memref<10000xi32, #tpu.memory_space<hbm>>
        %dma_start3A_28 = arith.constant 0 : i32
        %dma_start3A_29 = tpu.memref_slice %arg9[%dma_start3A_28] : memref<10000xi32, #tpu.memory_space<vmem>> -> memref<10000xi32, #tpu.memory_space<vmem>>
        %dma_start3A_30 = tpu.memref_slice %arg4[%add3A_10] : memref<160000xi32, #tpu.memory_space<hbm>> -> memref<10000xi32, #tpu.memory_space<hbm>>
        tpu.enqueue_dma source(%dma_start3A_30 : memref<10000xi32, #tpu.memory_space<hbm>>) target(%dma_start3A_29 : memref<10000xi32, #tpu.memory_space<vmem>>) target_semaphore(%run_scoped3A : memref<!tpu.dma_semaphore, #tpu.memory_space<semaphore_mem>>)
        %dma_wait3A = arith.constant 0 : i32
        %dma_wait3A_31 = tpu.memref_slice %arg9[%dma_wait3A] : memref<10000xi32, #tpu.memory_space<vmem>> -> memref<10000xi32, #tpu.memory_space<vmem>>
        %dma_wait3A_32 = tpu.memref_slice %arg4[%add3A_10] : memref<160000xi32, #tpu.memory_space<hbm>> -> memref<10000xi32, #tpu.memory_space<hbm>>
        %dma_wait3A_33 = arith.constant 0 : i32
        %dma_wait3A_34 = tpu.memref_slice %arg9[%dma_wait3A_33] : memref<10000xi32, #tpu.memory_space<vmem>> -> memref<10000xi32, #tpu.memory_space<vmem>>
        %dma_wait3A_35 = tpu.memref_slice %arg4[%add3A_10] : memref<160000xi32, #tpu.memory_space<hbm>> -> memref<10000xi32, #tpu.memory_space<hbm>>
        tpu.wait_dma2 semaphore(%run_scoped3A : memref<!tpu.dma_semaphore, #tpu.memory_space<semaphore_mem>>) src(%dma_wait3A_35 : memref<10000xi32, #tpu.memory_space<hbm>>) dst(%dma_wait3A_34 : memref<10000xi32, #tpu.memory_space<vmem>>)
        tpu.yield
      }) : () -> ()
      %dma_start3A = arith.constant 0 : i32
      %dma_start3A_11 = tpu.memref_slice %arg9[%dma_start3A] : memref<10000xi32, #tpu.memory_space<vmem>> -> memref<80xi32, #tpu.memory_space<vmem>>
      %dma_start3A_12 = arith.constant 0 : i32
      %dma_start3A_13 = arith.constant 0 : i32
      %dma_start3A_14 = tpu.memref_slice %arg3[%dma_start3A_12, %dma_start3A_13] : memref<10000x128xf32, #tpu.memory_space<hbm>> -> memref<10000x128xf32, #tpu.memory_space<hbm>>
      tpu.enqueue_indirect_dma source(%dma_start3A_14 : memref<10000x128xf32, #tpu.memory_space<hbm>>) target(%arg11 : memref<80x128xf32, #tpu.memory_space<vmem>>) offsets(%dma_start3A_11 : memref<80xi32, #tpu.memory_space<vmem>>) semaphore(%arg14 : memref<!tpu.dma_semaphore, #tpu.memory_space<semaphore_mem>>)
      %scan3A = arith.constant 0 : i32
      %scan3A_15 = arith.constant 63 : i32
      %scan3A_16 = arith.addi %scan3A, %scan3A_15 : i32
      %scan3A_17 = arith.constant 1 : i32
      scf.for %scan3A_25 = %scan3A to %scan3A_16 step %scan3A_17  : i32 {
        %mul3A_26 = arith.constant 2 : i32
        %mul3A_27 = arith.muli %mul3A_26, %scan3A_25 : i32
        %add3A_28 = arith.constant 1 : i32
        %add3A_29 = arith.addi %mul3A_27, %add3A_28 : i32
        %lt3A = arith.constant 125 : i32
        %lt3A_30 = arith.cmpi slt, %add3A_29, %lt3A : i32
        %convert_element_type3A_31 = arith.extui %lt3A_30 : i1 to i32
        %cond3A_32 = arith.constant 0 : i32
        %cond3A_33 = arith.cmpi ne, %convert_element_type3A_31, %cond3A_32 : i32
        scf.if %cond3A_33 {
          %add3A_55 = arith.constant 1 : i32
          %add3A_56 = arith.addi %mul3A_27, %add3A_55 : i32
          %mul3A_57 = arith.constant 80 : i32
          %mul3A_58 = arith.muli %add3A_56, %mul3A_57 : i32
          %dma_start3A_59 = tpu.memref_slice %arg9[%mul3A_58] : memref<10000xi32, #tpu.memory_space<vmem>> -> memref<80xi32, #tpu.memory_space<vmem>>
          %dma_start3A_60 = arith.constant 0 : i32
          %dma_start3A_61 = arith.constant 0 : i32
          %dma_start3A_62 = tpu.memref_slice %arg3[%dma_start3A_60, %dma_start3A_61] : memref<10000x128xf32, #tpu.memory_space<hbm>> -> memref<10000x128xf32, #tpu.memory_space<hbm>>
          tpu.enqueue_indirect_dma source(%dma_start3A_62 : memref<10000x128xf32, #tpu.memory_space<hbm>>) target(%arg12 : memref<80x128xf32, #tpu.memory_space<vmem>>) offsets(%dma_start3A_59 : memref<80xi32, #tpu.memory_space<vmem>>) semaphore(%arg15 : memref<!tpu.dma_semaphore, #tpu.memory_space<semaphore_mem>>)
        } else {
        }
        %mul3A_34 = arith.constant 80 : i32
        %mul3A_35 = arith.muli %mul3A_27, %mul3A_34 : i32
        %dma_wait3A = tpu.memref_slice %arg9[%mul3A_35] : memref<10000xi32, #tpu.memory_space<vmem>> -> memref<80xi32, #tpu.memory_space<vmem>>
        %dma_wait3A_36 = arith.constant 0 : i32
        %dma_wait3A_37 = arith.constant 0 : i32
        %dma_wait3A_38 = tpu.memref_slice %arg3[%dma_wait3A_36, %dma_wait3A_37] : memref<10000x128xf32, #tpu.memory_space<hbm>> -> memref<10000x128xf32, #tpu.memory_space<hbm>>
        tpu.wait_indirect_dma semaphore(%arg14 : memref<!tpu.dma_semaphore, #tpu.memory_space<semaphore_mem>>) src(%dma_wait3A_38 : memref<10000x128xf32, #tpu.memory_space<hbm>>) dst(%arg11 : memref<80x128xf32, #tpu.memory_space<vmem>>)
        %add3A_39 = arith.constant 0 : i32
        %add3A_40 = arith.addi %add3A_39, %mul3A_27 : i32
        "tpu.region"() ({
          %run_scoped3A = tpu.sem_alloc : memref<!tpu.dma_semaphore, #tpu.memory_space<semaphore_mem>>
          %dma_start3A_55 = arith.constant 0 : i32
          %dma_start3A_56 = tpu.memref_slice %arg10[%add3A_40, %dma_start3A_55] : memref<125x80xi32, #tpu.memory_space<vmem>> -> memref<1x80xi32, #tpu.memory_space<vmem>>
          %dma_start3A_57 = tpu.memref_squeeze %dma_start3A_56 : memref<1x80xi32, #tpu.memory_space<vmem>> -> memref<80xi32, #tpu.memory_space<vmem>>
          %dma_start3A_58 = arith.constant 0 : i32
          %dma_start3A_59 = arith.constant 0 : i32
          %dma_start3A_60 = tpu.memref_slice %arg13[%dma_start3A_58, %dma_start3A_59] : memref<10112x128xf32, #tpu.memory_space<vmem_shared>> -> memref<10112x128xf32, #tpu.memory_space<vmem_shared>>
          tpu.enqueue_indirect_dma source(%arg11 : memref<80x128xf32, #tpu.memory_space<vmem>>) target(%dma_start3A_60 : memref<10112x128xf32, #tpu.memory_space<vmem_shared>>) offsets(%dma_start3A_57 : memref<80xi32, #tpu.memory_space<vmem>>) semaphore(%run_scoped3A : memref<!tpu.dma_semaphore, #tpu.memory_space<semaphore_mem>>) {add = true}
          %dma_wait3A_61 = arith.constant 0 : i32
          %dma_wait3A_62 = tpu.memref_slice %arg10[%add3A_40, %dma_wait3A_61] : memref<125x80xi32, #tpu.memory_space<vmem>> -> memref<1x80xi32, #tpu.memory_space<vmem>>
          %dma_wait3A_63 = tpu.memref_squeeze %dma_wait3A_62 : memref<1x80xi32, #tpu.memory_space<vmem>> -> memref<80xi32, #tpu.memory_space<vmem>>
          %dma_wait3A_64 = arith.constant 0 : i32
          %dma_wait3A_65 = arith.constant 0 : i32
          %dma_wait3A_66 = tpu.memref_slice %arg13[%dma_wait3A_64, %dma_wait3A_65] : memref<10112x128xf32, #tpu.memory_space<vmem_shared>> -> memref<10112x128xf32, #tpu.memory_space<vmem_shared>>
          tpu.wait_indirect_dma semaphore(%run_scoped3A : memref<!tpu.dma_semaphore, #tpu.memory_space<semaphore_mem>>) src(%arg11 : memref<80x128xf32, #tpu.memory_space<vmem>>) dst(%dma_wait3A_66 : memref<10112x128xf32, #tpu.memory_space<vmem_shared>>)
          tpu.yield
        }) : () -> ()
        %add3A_41 = arith.constant 2 : i32
        %add3A_42 = arith.addi %mul3A_27, %add3A_41 : i32
        %lt3A_43 = arith.constant 125 : i32
        %lt3A_44 = arith.cmpi slt, %add3A_42, %lt3A_43 : i32
        %convert_element_type3A_45 = arith.extui %lt3A_44 : i1 to i32
        %cond3A_46 = arith.constant 0 : i32
        %cond3A_47 = arith.cmpi ne, %convert_element_type3A_45, %cond3A_46 : i32
        scf.if %cond3A_47 {
          %add3A_55 = arith.constant 2 : i32
          %add3A_56 = arith.addi %mul3A_27, %add3A_55 : i32
          %mul3A_57 = arith.constant 80 : i32
          %mul3A_58 = arith.muli %add3A_56, %mul3A_57 : i32
          %dma_start3A_59 = tpu.memref_slice %arg9[%mul3A_58] : memref<10000xi32, #tpu.memory_space<vmem>> -> memref<80xi32, #tpu.memory_space<vmem>>
          %dma_start3A_60 = arith.constant 0 : i32
          %dma_start3A_61 = arith.constant 0 : i32
          %dma_start3A_62 = tpu.memref_slice %arg3[%dma_start3A_60, %dma_start3A_61] : memref<10000x128xf32, #tpu.memory_space<hbm>> -> memref<10000x128xf32, #tpu.memory_space<hbm>>
          tpu.enqueue_indirect_dma source(%dma_start3A_62 : memref<10000x128xf32, #tpu.memory_space<hbm>>) target(%arg11 : memref<80x128xf32, #tpu.memory_space<vmem>>) offsets(%dma_start3A_59 : memref<80xi32, #tpu.memory_space<vmem>>) semaphore(%arg14 : memref<!tpu.dma_semaphore, #tpu.memory_space<semaphore_mem>>)
        } else {
        }
        %add3A_48 = arith.constant 1 : i32
        %add3A_49 = arith.addi %mul3A_27, %add3A_48 : i32
        %lt3A_50 = arith.constant 125 : i32
        %lt3A_51 = arith.cmpi slt, %add3A_49, %lt3A_50 : i32
        %convert_element_type3A_52 = arith.extui %lt3A_51 : i1 to i32
        %cond3A_53 = arith.constant 0 : i32
        %cond3A_54 = arith.cmpi ne, %convert_element_type3A_52, %cond3A_53 : i32
        scf.if %cond3A_54 {
          %add3A_55 = arith.constant 1 : i32
          %add3A_56 = arith.addi %mul3A_27, %add3A_55 : i32
          %mul3A_57 = arith.constant 80 : i32
          %mul3A_58 = arith.muli %add3A_56, %mul3A_57 : i32
          %dma_wait3A_59 = tpu.memref_slice %arg9[%mul3A_58] : memref<10000xi32, #tpu.memory_space<vmem>> -> memref<80xi32, #tpu.memory_space<vmem>>
          %dma_wait3A_60 = arith.constant 0 : i32
          %dma_wait3A_61 = arith.constant 0 : i32
          %dma_wait3A_62 = tpu.memref_slice %arg3[%dma_wait3A_60, %dma_wait3A_61] : memref<10000x128xf32, #tpu.memory_space<hbm>> -> memref<10000x128xf32, #tpu.memory_space<hbm>>
          tpu.wait_indirect_dma semaphore(%arg15 : memref<!tpu.dma_semaphore, #tpu.memory_space<semaphore_mem>>) src(%dma_wait3A_62 : memref<10000x128xf32, #tpu.memory_space<hbm>>) dst(%arg12 : memref<80x128xf32, #tpu.memory_space<vmem>>)
          %add3A_63 = arith.constant 0 : i32
          %add3A_64 = arith.addi %add3A_63, %mul3A_27 : i32
          %add3A_65 = arith.constant 1 : i32
          %add3A_66 = arith.addi %add3A_64, %add3A_65 : i32
          "tpu.region"() ({
            %run_scoped3A = tpu.sem_alloc : memref<!tpu.dma_semaphore, #tpu.memory_space<semaphore_mem>>
            %dma_start3A_67 = arith.constant 0 : i32
            %dma_start3A_68 = tpu.memref_slice %arg10[%add3A_66, %dma_start3A_67] : memref<125x80xi32, #tpu.memory_space<vmem>> -> memref<1x80xi32, #tpu.memory_space<vmem>>
            %dma_start3A_69 = tpu.memref_squeeze %dma_start3A_68 : memref<1x80xi32, #tpu.memory_space<vmem>> -> memref<80xi32, #tpu.memory_space<vmem>>
            %dma_start3A_70 = arith.constant 0 : i32
            %dma_start3A_71 = arith.constant 0 : i32
            %dma_start3A_72 = tpu.memref_slice %arg13[%dma_start3A_70, %dma_start3A_71] : memref<10112x128xf32, #tpu.memory_space<vmem_shared>> -> memref<10112x128xf32, #tpu.memory_space<vmem_shared>>
            tpu.enqueue_indirect_dma source(%arg12 : memref<80x128xf32, #tpu.memory_space<vmem>>) target(%dma_start3A_72 : memref<10112x128xf32, #tpu.memory_space<vmem_shared>>) offsets(%dma_start3A_69 : memref<80xi32, #tpu.memory_space<vmem>>) semaphore(%run_scoped3A : memref<!tpu.dma_semaphore, #tpu.memory_space<semaphore_mem>>) {add = true}
            %dma_wait3A_73 = arith.constant 0 : i32
            %dma_wait3A_74 = tpu.memref_slice %arg10[%add3A_66, %dma_wait3A_73] : memref<125x80xi32, #tpu.memory_space<vmem>> -> memref<1x80xi32, #tpu.memory_space<vmem>>
            %dma_wait3A_75 = tpu.memref_squeeze %dma_wait3A_74 : memref<1x80xi32, #tpu.memory_space<vmem>> -> memref<80xi32, #tpu.memory_space<vmem>>
            %dma_wait3A_76 = arith.constant 0 : i32
            %dma_wait3A_77 = arith.constant 0 : i32
            %dma_wait3A_78 = tpu.memref_slice %arg13[%dma_wait3A_76, %dma_wait3A_77] : memref<10112x128xf32, #tpu.memory_space<vmem_shared>> -> memref<10112x128xf32, #tpu.memory_space<vmem_shared>>
            tpu.wait_indirect_dma semaphore(%run_scoped3A : memref<!tpu.dma_semaphore, #tpu.memory_space<semaphore_mem>>) src(%arg12 : memref<80x128xf32, #tpu.memory_space<vmem>>) dst(%dma_wait3A_78 : memref<10112x128xf32, #tpu.memory_space<vmem_shared>>)
            tpu.yield
          }) : () -> ()
        } else {
        }
      }
      %scan3A_18 = arith.constant 63 : i32
      %barrier3A_19 = arith.constant 0 : index
      tpu.barrier barrier_id(%barrier3A_19)
      %mul3A_20 = arith.constant 632 : i32
      %mul3A_21 = arith.muli %arg1, %mul3A_20 : i32
      %mul3A_22 = arith.constant 632 : i32
      %mul3A_23 = arith.muli %arg1, %mul3A_22 : i32
      "tpu.region"() ({
        %run_scoped3A = tpu.sem_alloc : memref<!tpu.dma_semaphore, #tpu.memory_space<semaphore_mem>>
        %dma_start3A_25 = arith.constant 0 : i32
        %dma_start3A_26 = tpu.memref_slice %arg8[%mul3A_23, %dma_start3A_25] : memref<10112x128xf32, #tpu.memory_space<hbm>> -> memref<632x128xf32, #tpu.memory_space<hbm>>
        %dma_start3A_27 = arith.constant 0 : i32
        %dma_start3A_28 = tpu.memref_slice %arg13[%mul3A_21, %dma_start3A_27] : memref<10112x128xf32, #tpu.memory_space<vmem_shared>> -> memref<632x128xf32, #tpu.memory_space<vmem_shared>>
        tpu.enqueue_dma source(%dma_start3A_28 : memref<632x128xf32, #tpu.memory_space<vmem_shared>>) target(%dma_start3A_26 : memref<632x128xf32, #tpu.memory_space<hbm>>) target_semaphore(%run_scoped3A : memref<!tpu.dma_semaphore, #tpu.memory_space<semaphore_mem>>)
        %dma_wait3A = arith.constant 0 : i32
        %dma_wait3A_29 = tpu.memref_slice %arg8[%mul3A_23, %dma_wait3A] : memref<10112x128xf32, #tpu.memory_space<hbm>> -> memref<632x128xf32, #tpu.memory_space<hbm>>
        %dma_wait3A_30 = arith.constant 0 : i32
        %dma_wait3A_31 = tpu.memref_slice %arg13[%mul3A_21, %dma_wait3A_30] : memref<10112x128xf32, #tpu.memory_space<vmem_shared>> -> memref<632x128xf32, #tpu.memory_space<vmem_shared>>
        tpu.wait_dma2 semaphore(%run_scoped3A : memref<!tpu.dma_semaphore, #tpu.memory_space<semaphore_mem>>) src(%dma_wait3A_31 : memref<632x128xf32, #tpu.memory_space<vmem_shared>>) dst(%dma_wait3A_29 : memref<632x128xf32, #tpu.memory_space<hbm>>)
        tpu.yield
      }) : () -> ()
      %barrier3A_24 = arith.constant 0 : index
      tpu.barrier barrier_id(%barrier3A_24)
    } else {
    }
    return
  }
}

#map = affine_map<(d0, d1) -> (0, 0, 0)>
#map1 = affine_map<(d0, d1) -> (0, 0)>
module attributes {stable_mosaic.version = 14 : i64} {
  func.func @deg(%arg0: i32, %arg1: i32, %arg2: memref<32x125x40xi32, #tpu.memory_space<hbm>>, %arg3: memref<632x16xf32, #tpu.memory_space<hbm>>, %arg4: memref<10112x16xf32, #tpu.memory_space<hbm>>, %arg5: memref<10112x16xf32, #tpu.memory_space<hbm>>, %arg6: memref<125x40xi32, #tpu.memory_space<vmem>>, %arg7: memref<40x16xf32, #tpu.memory_space<vmem>>, %arg8: memref<10112x16xf32, #tpu.memory_space<vmem_shared>>) attributes {dimension_semantics = [#tpu.dimension_semantics<core_parallel>, #tpu.dimension_semantics<subcore_parallel>], iteration_bounds = array<i64: 2, 16>, scalar_prefetch = 0 : i64, scratch_operands = 3 : i64, tpu.core_type = #tpu.core_type<sc_vector_subcore>, window_params = [{transform_indices = #map}, {transform_indices = #map1}, {transform_indices = #map1}, {transform_indices = #map1}]} {
    %mul3A = arith.constant 2 : i32
    %mul3A_0 = arith.muli %arg1, %mul3A : i32
    %add3A = arith.addi %mul3A_0, %arg0 : i32
    "tpu.region"() ({
      %run_scoped3A = tpu.sem_alloc : memref<!tpu.dma_semaphore, #tpu.memory_space<semaphore_mem>>
      %dma_start3A = arith.constant 0 : i32
      %dma_start3A_20 = arith.constant 0 : i32
      %dma_start3A_21 = tpu.memref_slice %arg2[%add3A, %dma_start3A, %dma_start3A_20] : memref<32x125x40xi32, #tpu.memory_space<hbm>> -> memref<1x125x40xi32, #tpu.memory_space<hbm>>
      %dma_start3A_22 = tpu.memref_squeeze %dma_start3A_21 : memref<1x125x40xi32, #tpu.memory_space<hbm>> -> memref<125x40xi32, #tpu.memory_space<hbm>>
      %dma_start3A_23 = arith.constant 0 : i32
      %dma_start3A_24 = arith.constant 0 : i32
      %dma_start3A_25 = tpu.memref_slice %arg2[%add3A, %dma_start3A_23, %dma_start3A_24] : memref<32x125x40xi32, #tpu.memory_space<hbm>> -> memref<1x125x40xi32, #tpu.memory_space<hbm>>
      %dma_start3A_26 = tpu.memref_squeeze %dma_start3A_25 : memref<1x125x40xi32, #tpu.memory_space<hbm>> -> memref<125x40xi32, #tpu.memory_space<hbm>>
      tpu.enqueue_dma source(%dma_start3A_26 : memref<125x40xi32, #tpu.memory_space<hbm>>) target(%arg6 : memref<125x40xi32, #tpu.memory_space<vmem>>) target_semaphore(%run_scoped3A : memref<!tpu.dma_semaphore, #tpu.memory_space<semaphore_mem>>)
      %dma_wait3A = arith.constant 0 : i32
      %dma_wait3A_27 = arith.constant 0 : i32
      %dma_wait3A_28 = tpu.memref_slice %arg2[%add3A, %dma_wait3A, %dma_wait3A_27] : memref<32x125x40xi32, #tpu.memory_space<hbm>> -> memref<1x125x40xi32, #tpu.memory_space<hbm>>
      %dma_wait3A_29 = tpu.memref_squeeze %dma_wait3A_28 : memref<1x125x40xi32, #tpu.memory_space<hbm>> -> memref<125x40xi32, #tpu.memory_space<hbm>>
      %dma_wait3A_30 = arith.constant 0 : i32
      %dma_wait3A_31 = arith.constant 0 : i32
      %dma_wait3A_32 = tpu.memref_slice %arg2[%add3A, %dma_wait3A_30, %dma_wait3A_31] : memref<32x125x40xi32, #tpu.memory_space<hbm>> -> memref<1x125x40xi32, #tpu.memory_space<hbm>>
      %dma_wait3A_33 = tpu.memref_squeeze %dma_wait3A_32 : memref<1x125x40xi32, #tpu.memory_space<hbm>> -> memref<125x40xi32, #tpu.memory_space<hbm>>
      tpu.wait_dma2 semaphore(%run_scoped3A : memref<!tpu.dma_semaphore, #tpu.memory_space<semaphore_mem>>) src(%dma_wait3A_33 : memref<125x40xi32, #tpu.memory_space<hbm>>) dst(%arg6 : memref<125x40xi32, #tpu.memory_space<vmem>>)
      tpu.yield
    }) : () -> ()
    %scan3A = arith.constant 0 : i32
    %scan3A_1 = arith.constant 40 : i32
    %scan3A_2 = arith.addi %scan3A, %scan3A_1 : i32
    %scan3A_3 = arith.constant 1 : i32
    scf.for %scan3A_20 = %scan3A to %scan3A_2 step %scan3A_3  : i32 {
      %broadcast_in_dim3A = arith.constant 1.000000e+00 : f32
      %broadcast_in_dim3A_21 = vector.broadcast %broadcast_in_dim3A : f32 to vector<16xf32>
      %swap3A = arith.index_cast %scan3A_20 : i32 to index
      %swap3A_22 = arith.constant 0 : index
      %swap3A_23 = tpu.vector_load %arg7[%swap3A, %swap3A_22] {strides = array<i32>} : memref<40x16xf32, #tpu.memory_space<vmem>>, vector<1x16xf32>,
      %swap3A_24 = vector.shape_cast %swap3A_23 : vector<1x16xf32> to vector<16xf32>
      %swap3A_25 = vector.shape_cast %broadcast_in_dim3A_21 : vector<16xf32> to vector<1x16xf32>
      tpu.vector_store %arg7[%swap3A, %swap3A_22], %swap3A_25 {strides = array<i32>} : memref<40x16xf32, #tpu.memory_space<vmem>>, vector<1x16xf32>,
    }
    %scan3A_4 = arith.constant 40 : i32
    %mul3A_5 = arith.constant 632 : i32
    %mul3A_6 = arith.muli %arg1, %mul3A_5 : i32
    "tpu.region"() ({
      %run_scoped3A = tpu.sem_alloc : memref<!tpu.dma_semaphore, #tpu.memory_space<semaphore_mem>>
      %dma_start3A = arith.constant 0 : i32
      %dma_start3A_20 = tpu.memref_slice %arg8[%mul3A_6, %dma_start3A] : memref<10112x16xf32, #tpu.memory_space<vmem_shared>> -> memref<632x16xf32, #tpu.memory_space<vmem_shared>>
      tpu.enqueue_dma source(%arg3 : memref<632x16xf32, #tpu.memory_space<hbm>>) target(%dma_start3A_20 : memref<632x16xf32, #tpu.memory_space<vmem_shared>>) target_semaphore(%run_scoped3A : memref<!tpu.dma_semaphore, #tpu.memory_space<semaphore_mem>>)
      %dma_wait3A = arith.constant 0 : i32
      %dma_wait3A_21 = tpu.memref_slice %arg8[%mul3A_6, %dma_wait3A] : memref<10112x16xf32, #tpu.memory_space<vmem_shared>> -> memref<632x16xf32, #tpu.memory_space<vmem_shared>>
      tpu.wait_dma2 semaphore(%run_scoped3A : memref<!tpu.dma_semaphore, #tpu.memory_space<semaphore_mem>>) src(%arg3 : memref<632x16xf32, #tpu.memory_space<hbm>>) dst(%dma_wait3A_21 : memref<632x16xf32, #tpu.memory_space<vmem_shared>>)
      tpu.yield
    }) : () -> ()
    %barrier3A = arith.constant 0 : index
    tpu.barrier barrier_id(%barrier3A)
    %scan3A_7 = arith.constant 0 : i32
    %scan3A_8 = arith.constant 125 : i32
    %scan3A_9 = arith.addi %scan3A_7, %scan3A_8 : i32
    %scan3A_10 = arith.constant 1 : i32
    scf.for %scan3A_20 = %scan3A_7 to %scan3A_9 step %scan3A_10  : i32 {
      "tpu.region"() ({
        %run_scoped3A = tpu.sem_alloc : memref<!tpu.dma_semaphore, #tpu.memory_space<semaphore_mem>>
        %dma_start3A = arith.constant 0 : i32
        %dma_start3A_21 = tpu.memref_slice %arg6[%scan3A_20, %dma_start3A] : memref<125x40xi32, #tpu.memory_space<vmem>> -> memref<1x40xi32, #tpu.memory_space<vmem>>
        %dma_start3A_22 = tpu.memref_squeeze %dma_start3A_21 : memref<1x40xi32, #tpu.memory_space<vmem>> -> memref<40xi32, #tpu.memory_space<vmem>>
        %dma_start3A_23 = arith.constant 0 : i32
        %dma_start3A_24 = arith.constant 0 : i32
        %dma_start3A_25 = tpu.memref_slice %arg8[%dma_start3A_23, %dma_start3A_24] : memref<10112x16xf32, #tpu.memory_space<vmem_shared>> -> memref<10112x16xf32, #tpu.memory_space<vmem_shared>>
        tpu.enqueue_indirect_dma source(%arg7 : memref<40x16xf32, #tpu.memory_space<vmem>>) target(%dma_start3A_25 : memref<10112x16xf32, #tpu.memory_space<vmem_shared>>) offsets(%dma_start3A_22 : memref<40xi32, #tpu.memory_space<vmem>>) semaphore(%run_scoped3A : memref<!tpu.dma_semaphore, #tpu.memory_space<semaphore_mem>>) {add = true}
        %dma_wait3A = arith.constant 0 : i32
        %dma_wait3A_26 = tpu.memref_slice %arg6[%scan3A_20, %dma_wait3A] : memref<125x40xi32, #tpu.memory_space<vmem>> -> memref<1x40xi32, #tpu.memory_space<vmem>>
        %dma_wait3A_27 = tpu.memref_squeeze %dma_wait3A_26 : memref<1x40xi32, #tpu.memory_space<vmem>> -> memref<40xi32, #tpu.memory_space<vmem>>
        %dma_wait3A_28 = arith.constant 0 : i32
        %dma_wait3A_29 = arith.constant 0 : i32
        %dma_wait3A_30 = tpu.memref_slice %arg8[%dma_wait3A_28, %dma_wait3A_29] : memref<10112x16xf32, #tpu.memory_space<vmem_shared>> -> memref<10112x16xf32, #tpu.memory_space<vmem_shared>>
        tpu.wait_indirect_dma semaphore(%run_scoped3A : memref<!tpu.dma_semaphore, #tpu.memory_space<semaphore_mem>>) src(%arg7 : memref<40x16xf32, #tpu.memory_space<vmem>>) dst(%dma_wait3A_30 : memref<10112x16xf32, #tpu.memory_space<vmem_shared>>)
        tpu.yield
      }) : () -> ()
    }
    %scan3A_11 = arith.constant 125 : i32
    %barrier3A_12 = arith.constant 0 : index
    tpu.barrier barrier_id(%barrier3A_12)
    %eq3A = arith.constant 0 : i32
    %eq3A_13 = arith.cmpi eq, %arg0, %eq3A : i32
    %convert_element_type3A = arith.extui %eq3A_13 : i1 to i32
    %cond3A = arith.constant 0 : i32
    %cond3A_14 = arith.cmpi ne, %convert_element_type3A, %cond3A : i32
    scf.if %cond3A_14 {
      %mul3A_20 = arith.constant 632 : i32
      %mul3A_21 = arith.muli %arg1, %mul3A_20 : i32
      %mul3A_22 = arith.constant 632 : i32
      %mul3A_23 = arith.muli %arg1, %mul3A_22 : i32
      "tpu.region"() ({
        %run_scoped3A = tpu.sem_alloc : memref<!tpu.dma_semaphore, #tpu.memory_space<semaphore_mem>>
        %dma_start3A = arith.constant 0 : i32
        %dma_start3A_24 = tpu.memref_slice %arg4[%mul3A_23, %dma_start3A] : memref<10112x16xf32, #tpu.memory_space<hbm>> -> memref<632x16xf32, #tpu.memory_space<hbm>>
        %dma_start3A_25 = arith.constant 0 : i32
        %dma_start3A_26 = tpu.memref_slice %arg8[%mul3A_21, %dma_start3A_25] : memref<10112x16xf32, #tpu.memory_space<vmem_shared>> -> memref<632x16xf32, #tpu.memory_space<vmem_shared>>
        tpu.enqueue_dma source(%dma_start3A_26 : memref<632x16xf32, #tpu.memory_space<vmem_shared>>) target(%dma_start3A_24 : memref<632x16xf32, #tpu.memory_space<hbm>>) target_semaphore(%run_scoped3A : memref<!tpu.dma_semaphore, #tpu.memory_space<semaphore_mem>>)
        %dma_wait3A = arith.constant 0 : i32
        %dma_wait3A_27 = tpu.memref_slice %arg4[%mul3A_23, %dma_wait3A] : memref<10112x16xf32, #tpu.memory_space<hbm>> -> memref<632x16xf32, #tpu.memory_space<hbm>>
        %dma_wait3A_28 = arith.constant 0 : i32
        %dma_wait3A_29 = tpu.memref_slice %arg8[%mul3A_21, %dma_wait3A_28] : memref<10112x16xf32, #tpu.memory_space<vmem_shared>> -> memref<632x16xf32, #tpu.memory_space<vmem_shared>>
        tpu.wait_dma2 semaphore(%run_scoped3A : memref<!tpu.dma_semaphore, #tpu.memory_space<semaphore_mem>>) src(%dma_wait3A_29 : memref<632x16xf32, #tpu.memory_space<vmem_shared>>) dst(%dma_wait3A_27 : memref<632x16xf32, #tpu.memory_space<hbm>>)
        tpu.yield
      }) : () -> ()
    } else {
    }
    %eq3A_15 = arith.constant 1 : i32
    %eq3A_16 = arith.cmpi eq, %arg0, %eq3A_15 : i32
    %convert_element_type3A_17 = arith.extui %eq3A_16 : i1 to i32
    %cond3A_18 = arith.constant 0 : i32
    %cond3A_19 = arith.cmpi ne, %convert_element_type3A_17, %cond3A_18 : i32
    scf.if %cond3A_19 {
      %mul3A_20 = arith.constant 632 : i32
      %mul3A_21 = arith.muli %arg1, %mul3A_20 : i32
      %mul3A_22 = arith.constant 632 : i32
      %mul3A_23 = arith.muli %arg1, %mul3A_22 : i32
      "tpu.region"() ({
        %run_scoped3A = tpu.sem_alloc : memref<!tpu.dma_semaphore, #tpu.memory_space<semaphore_mem>>
        %dma_start3A = arith.constant 0 : i32
        %dma_start3A_24 = tpu.memref_slice %arg5[%mul3A_23, %dma_start3A] : memref<10112x16xf32, #tpu.memory_space<hbm>> -> memref<632x16xf32, #tpu.memory_space<hbm>>
        %dma_start3A_25 = arith.constant 0 : i32
        %dma_start3A_26 = tpu.memref_slice %arg8[%mul3A_21, %dma_start3A_25] : memref<10112x16xf32, #tpu.memory_space<vmem_shared>> -> memref<632x16xf32, #tpu.memory_space<vmem_shared>>
        tpu.enqueue_dma source(%dma_start3A_26 : memref<632x16xf32, #tpu.memory_space<vmem_shared>>) target(%dma_start3A_24 : memref<632x16xf32, #tpu.memory_space<hbm>>) target_semaphore(%run_scoped3A : memref<!tpu.dma_semaphore, #tpu.memory_space<semaphore_mem>>)
        %dma_wait3A = arith.constant 0 : i32
        %dma_wait3A_27 = tpu.memref_slice %arg5[%mul3A_23, %dma_wait3A] : memref<10112x16xf32, #tpu.memory_space<hbm>> -> memref<632x16xf32, #tpu.memory_space<hbm>>
        %dma_wait3A_28 = arith.constant 0 : i32
        %dma_wait3A_29 = tpu.memref_slice %arg8[%mul3A_21, %dma_wait3A_28] : memref<10112x16xf32, #tpu.memory_space<vmem_shared>> -> memref<632x16xf32, #tpu.memory_space<vmem_shared>>
        tpu.wait_dma2 semaphore(%run_scoped3A : memref<!tpu.dma_semaphore, #tpu.memory_space<semaphore_mem>>) src(%dma_wait3A_29 : memref<632x16xf32, #tpu.memory_space<vmem_shared>>) dst(%dma_wait3A_27 : memref<632x16xf32, #tpu.memory_space<hbm>>)
        tpu.yield
      }) : () -> ()
    } else {
    }
    return
  }
}

#map = affine_map<(d0, d1) -> (0, 0)>
#map1 = affine_map<(d0, d1) -> (0)>
#map2 = affine_map<(d0, d1) -> (0, 0, 0)>
module attributes {stable_mosaic.version = 14 : i64} {
  func.func @agg(%arg0: i32, %arg1: i32, %arg2: memref<10000x128xf32, #tpu.memory_space<hbm>>, %arg3: memref<10000x128xf32, #tpu.memory_space<hbm>>, %arg4: memref<10000x128xf32, #tpu.memory_space<hbm>>, %arg5: memref<10000x128xf32, #tpu.memory_space<hbm>>, %arg6: memref<160000xi32, #tpu.memory_space<hbm>>, %arg7: memref<16x125x80xi32, #tpu.memory_space<hbm>>, %arg8: memref<632x128xf32, #tpu.memory_space<hbm>>, %arg9: memref<10112x128xf32, #tpu.memory_space<hbm>>, %arg10: memref<10112x128xf32, #tpu.memory_space<hbm>>, %arg11: memref<10112x128xf32, #tpu.memory_space<hbm>>, %arg12: memref<10112x128xf32, #tpu.memory_space<hbm>>, %arg13: memref<10000xi32, #tpu.memory_space<vmem>>, %arg14: memref<125x80xi32, #tpu.memory_space<vmem>>, %arg15: memref<80x128xf32, #tpu.memory_space<vmem>>, %arg16: memref<80x128xf32, #tpu.memory_space<vmem>>, %arg17: memref<10112x128xf32, #tpu.memory_space<vmem_shared>>, %arg18: memref<!tpu.dma_semaphore, #tpu.memory_space<semaphore_mem>>, %arg19: memref<!tpu.dma_semaphore, #tpu.memory_space<semaphore_mem>>) attributes {dimension_semantics = [#tpu.dimension_semantics<core_parallel>, #tpu.dimension_semantics<subcore_parallel>], iteration_bounds = array<i64: 2, 16>, scalar_prefetch = 0 : i64, scratch_operands = 7 : i64, tpu.core_type = #tpu.core_type<sc_vector_subcore>, window_params = [{transform_indices = #map}, {transform_indices = #map}, {transform_indices = #map}, {transform_indices = #map}, {transform_indices = #map1}, {transform_indices = #map2}, {transform_indices = #map}, {transform_indices = #map}, {transform_indices = #map}, {transform_indices = #map}, {transform_indices = #map}]} {
    "tpu.region"() ({
      %run_scoped3A = tpu.sem_alloc : memref<!tpu.dma_semaphore, #tpu.memory_space<semaphore_mem>>
      %dma_start3A = arith.constant 0 : i32
      %dma_start3A_17 = arith.constant 0 : i32
      %dma_start3A_18 = tpu.memref_slice %arg7[%arg1, %dma_start3A, %dma_start3A_17] : memref<16x125x80xi32, #tpu.memory_space<hbm>> -> memref<1x125x80xi32, #tpu.memory_space<hbm>>
      %dma_start3A_19 = tpu.memref_squeeze %dma_start3A_18 : memref<1x125x80xi32, #tpu.memory_space<hbm>> -> memref<125x80xi32, #tpu.memory_space<hbm>>
      %dma_start3A_20 = arith.constant 0 : i32
      %dma_start3A_21 = arith.constant 0 : i32
      %dma_start3A_22 = tpu.memref_slice %arg7[%arg1, %dma_start3A_20, %dma_start3A_21] : memref<16x125x80xi32, #tpu.memory_space<hbm>> -> memref<1x125x80xi32, #tpu.memory_space<hbm>>
      %dma_start3A_23 = tpu.memref_squeeze %dma_start3A_22 : memref<1x125x80xi32, #tpu.memory_space<hbm>> -> memref<125x80xi32, #tpu.memory_space<hbm>>
      tpu.enqueue_dma source(%dma_start3A_23 : memref<125x80xi32, #tpu.memory_space<hbm>>) target(%arg14 : memref<125x80xi32, #tpu.memory_space<vmem>>) target_semaphore(%run_scoped3A : memref<!tpu.dma_semaphore, #tpu.memory_space<semaphore_mem>>)
      %dma_wait3A = arith.constant 0 : i32
      %dma_wait3A_24 = arith.constant 0 : i32
      %dma_wait3A_25 = tpu.memref_slice %arg7[%arg1, %dma_wait3A, %dma_wait3A_24] : memref<16x125x80xi32, #tpu.memory_space<hbm>> -> memref<1x125x80xi32, #tpu.memory_space<hbm>>
      %dma_wait3A_26 = tpu.memref_squeeze %dma_wait3A_25 : memref<1x125x80xi32, #tpu.memory_space<hbm>> -> memref<125x80xi32, #tpu.memory_space<hbm>>
      %dma_wait3A_27 = arith.constant 0 : i32
      %dma_wait3A_28 = arith.constant 0 : i32
      %dma_wait3A_29 = tpu.memref_slice %arg7[%arg1, %dma_wait3A_27, %dma_wait3A_28] : memref<16x125x80xi32, #tpu.memory_space<hbm>> -> memref<1x125x80xi32, #tpu.memory_space<hbm>>
      %dma_wait3A_30 = tpu.memref_squeeze %dma_wait3A_29 : memref<1x125x80xi32, #tpu.memory_space<hbm>> -> memref<125x80xi32, #tpu.memory_space<hbm>>
      tpu.wait_dma2 semaphore(%run_scoped3A : memref<!tpu.dma_semaphore, #tpu.memory_space<semaphore_mem>>) src(%dma_wait3A_30 : memref<125x80xi32, #tpu.memory_space<hbm>>) dst(%arg14 : memref<125x80xi32, #tpu.memory_space<vmem>>)
      tpu.yield
    }) : () -> ()
    %eq3A = arith.constant 0 : i32
    %eq3A_0 = arith.cmpi eq, %arg0, %eq3A : i32
    %convert_element_type3A = arith.extui %eq3A_0 : i1 to i32
    %cond3A = arith.constant 0 : i32
    %cond3A_1 = arith.cmpi ne, %convert_element_type3A, %cond3A : i32
    scf.if %cond3A_1 {
      %mul3A = arith.constant 632 : i32
      %mul3A_17 = arith.muli %arg1, %mul3A : i32
      "tpu.region"() ({
        %run_scoped3A = tpu.sem_alloc : memref<!tpu.dma_semaphore, #tpu.memory_space<semaphore_mem>>
        %dma_start3A_35 = arith.constant 0 : i32
        %dma_start3A_36 = tpu.memref_slice %arg17[%mul3A_17, %dma_start3A_35] : memref<10112x128xf32, #tpu.memory_space<vmem_shared>> -> memref<632x128xf32, #tpu.memory_space<vmem_shared>>
        tpu.enqueue_dma source(%arg8 : memref<632x128xf32, #tpu.memory_space<hbm>>) target(%dma_start3A_36 : memref<632x128xf32, #tpu.memory_space<vmem_shared>>) target_semaphore(%run_scoped3A : memref<!tpu.dma_semaphore, #tpu.memory_space<semaphore_mem>>)
        %dma_wait3A = arith.constant 0 : i32
        %dma_wait3A_37 = tpu.memref_slice %arg17[%mul3A_17, %dma_wait3A] : memref<10112x128xf32, #tpu.memory_space<vmem_shared>> -> memref<632x128xf32, #tpu.memory_space<vmem_shared>>
        tpu.wait_dma2 semaphore(%run_scoped3A : memref<!tpu.dma_semaphore, #tpu.memory_space<semaphore_mem>>) src(%arg8 : memref<632x128xf32, #tpu.memory_space<hbm>>) dst(%dma_wait3A_37 : memref<632x128xf32, #tpu.memory_space<vmem_shared>>)
        tpu.yield
      }) : () -> ()
      %barrier3A = arith.constant 0 : index
      tpu.barrier barrier_id(%barrier3A)
      %mul3A_18 = arith.constant 10000 : i32
      %mul3A_19 = arith.muli %arg1, %mul3A_18 : i32
      %add3A = arith.constant 0 : i32
      %add3A_20 = arith.addi %mul3A_19, %add3A : i32
      "tpu.region"() ({
        %run_scoped3A = tpu.sem_alloc : memref<!tpu.dma_semaphore, #tpu.memory_space<semaphore_mem>>
        %dma_start3A_35 = arith.constant 0 : i32
        %dma_start3A_36 = tpu.memref_slice %arg13[%dma_start3A_35] : memref<10000xi32, #tpu.memory_space<vmem>> -> memref<10000xi32, #tpu.memory_space<vmem>>
        %dma_start3A_37 = tpu.memref_slice %arg6[%add3A_20] : memref<160000xi32, #tpu.memory_space<hbm>> -> memref<10000xi32, #tpu.memory_space<hbm>>
        %dma_start3A_38 = arith.constant 0 : i32
        %dma_start3A_39 = tpu.memref_slice %arg13[%dma_start3A_38] : memref<10000xi32, #tpu.memory_space<vmem>> -> memref<10000xi32, #tpu.memory_space<vmem>>
        %dma_start3A_40 = tpu.memref_slice %arg6[%add3A_20] : memref<160000xi32, #tpu.memory_space<hbm>> -> memref<10000xi32, #tpu.memory_space<hbm>>
        tpu.enqueue_dma source(%dma_start3A_40 : memref<10000xi32, #tpu.memory_space<hbm>>) target(%dma_start3A_39 : memref<10000xi32, #tpu.memory_space<vmem>>) target_semaphore(%run_scoped3A : memref<!tpu.dma_semaphore, #tpu.memory_space<semaphore_mem>>)
        %dma_wait3A = arith.constant 0 : i32
        %dma_wait3A_41 = tpu.memref_slice %arg13[%dma_wait3A] : memref<10000xi32, #tpu.memory_space<vmem>> -> memref<10000xi32, #tpu.memory_space<vmem>>
        %dma_wait3A_42 = tpu.memref_slice %arg6[%add3A_20] : memref<160000xi32, #tpu.memory_space<hbm>> -> memref<10000xi32, #tpu.memory_space<hbm>>
        %dma_wait3A_43 = arith.constant 0 : i32
        %dma_wait3A_44 = tpu.memref_slice %arg13[%dma_wait3A_43] : memref<10000xi32, #tpu.memory_space<vmem>> -> memref<10000xi32, #tpu.memory_space<vmem>>
        %dma_wait3A_45 = tpu.memref_slice %arg6[%add3A_20] : memref<160000xi32, #tpu.memory_space<hbm>> -> memref<10000xi32, #tpu.memory_space<hbm>>
        tpu.wait_dma2 semaphore(%run_scoped3A : memref<!tpu.dma_semaphore, #tpu.memory_space<semaphore_mem>>) src(%dma_wait3A_45 : memref<10000xi32, #tpu.memory_space<hbm>>) dst(%dma_wait3A_44 : memref<10000xi32, #tpu.memory_space<vmem>>)
        tpu.yield
      }) : () -> ()
      %dma_start3A = arith.constant 0 : i32
      %dma_start3A_21 = tpu.memref_slice %arg13[%dma_start3A] : memref<10000xi32, #tpu.memory_space<vmem>> -> memref<80xi32, #tpu.memory_space<vmem>>
      %dma_start3A_22 = arith.constant 0 : i32
      %dma_start3A_23 = arith.constant 0 : i32
      %dma_start3A_24 = tpu.memref_slice %arg2[%dma_start3A_22, %dma_start3A_23] : memref<10000x128xf32, #tpu.memory_space<hbm>> -> memref<10000x128xf32, #tpu.memory_space<hbm>>
      tpu.enqueue_indirect_dma source(%dma_start3A_24 : memref<10000x128xf32, #tpu.memory_space<hbm>>) target(%arg15 : memref<80x128xf32, #tpu.memory_space<vmem>>) offsets(%dma_start3A_21 : memref<80xi32, #tpu.memory_space<vmem>>) semaphore(%arg18 : memref<!tpu.dma_semaphore, #tpu.memory_space<semaphore_mem>>)
      %scan3A = arith.constant 0 : i32
      %scan3A_25 = arith.constant 63 : i32
      %scan3A_26 = arith.addi %scan3A, %scan3A_25 : i32
      %scan3A_27 = arith.constant 1 : i32
      scf.for %scan3A_35 = %scan3A to %scan3A_26 step %scan3A_27  : i32 {
        %mul3A_36 = arith.constant 2 : i32
        %mul3A_37 = arith.muli %mul3A_36, %scan3A_35 : i32
        %add3A_38 = arith.constant 1 : i32
        %add3A_39 = arith.addi %mul3A_37, %add3A_38 : i32
        %lt3A = arith.constant 125 : i32
        %lt3A_40 = arith.cmpi slt, %add3A_39, %lt3A : i32
        %convert_element_type3A_41 = arith.extui %lt3A_40 : i1 to i32
        %cond3A_42 = arith.constant 0 : i32
        %cond3A_43 = arith.cmpi ne, %convert_element_type3A_41, %cond3A_42 : i32
        scf.if %cond3A_43 {
          %add3A_65 = arith.constant 1 : i32
          %add3A_66 = arith.addi %mul3A_37, %add3A_65 : i32
          %mul3A_67 = arith.constant 80 : i32
          %mul3A_68 = arith.muli %add3A_66, %mul3A_67 : i32
          %dma_start3A_69 = tpu.memref_slice %arg13[%mul3A_68] : memref<10000xi32, #tpu.memory_space<vmem>> -> memref<80xi32, #tpu.memory_space<vmem>>
          %dma_start3A_70 = arith.constant 0 : i32
          %dma_start3A_71 = arith.constant 0 : i32
          %dma_start3A_72 = tpu.memref_slice %arg2[%dma_start3A_70, %dma_start3A_71] : memref<10000x128xf32, #tpu.memory_space<hbm>> -> memref<10000x128xf32, #tpu.memory_space<hbm>>
          tpu.enqueue_indirect_dma source(%dma_start3A_72 : memref<10000x128xf32, #tpu.memory_space<hbm>>) target(%arg16 : memref<80x128xf32, #tpu.memory_space<vmem>>) offsets(%dma_start3A_69 : memref<80xi32, #tpu.memory_space<vmem>>) semaphore(%arg19 : memref<!tpu.dma_semaphore, #tpu.memory_space<semaphore_mem>>)
        } else {
        }
        %mul3A_44 = arith.constant 80 : i32
        %mul3A_45 = arith.muli %mul3A_37, %mul3A_44 : i32
        %dma_wait3A = tpu.memref_slice %arg13[%mul3A_45] : memref<10000xi32, #tpu.memory_space<vmem>> -> memref<80xi32, #tpu.memory_space<vmem>>
        %dma_wait3A_46 = arith.constant 0 : i32
        %dma_wait3A_47 = arith.constant 0 : i32
        %dma_wait3A_48 = tpu.memref_slice %arg2[%dma_wait3A_46, %dma_wait3A_47] : memref<10000x128xf32, #tpu.memory_space<hbm>> -> memref<10000x128xf32, #tpu.memory_space<hbm>>
        tpu.wait_indirect_dma semaphore(%arg18 : memref<!tpu.dma_semaphore, #tpu.memory_space<semaphore_mem>>) src(%dma_wait3A_48 : memref<10000x128xf32, #tpu.memory_space<hbm>>) dst(%arg15 : memref<80x128xf32, #tpu.memory_space<vmem>>)
        %add3A_49 = arith.constant 0 : i32
        %add3A_50 = arith.addi %add3A_49, %mul3A_37 : i32
        "tpu.region"() ({
          %run_scoped3A = tpu.sem_alloc : memref<!tpu.dma_semaphore, #tpu.memory_space<semaphore_mem>>
          %dma_start3A_65 = arith.constant 0 : i32
          %dma_start3A_66 = tpu.memref_slice %arg14[%add3A_50, %dma_start3A_65] : memref<125x80xi32, #tpu.memory_space<vmem>> -> memref<1x80xi32, #tpu.memory_space<vmem>>
          %dma_start3A_67 = tpu.memref_squeeze %dma_start3A_66 : memref<1x80xi32, #tpu.memory_space<vmem>> -> memref<80xi32, #tpu.memory_space<vmem>>
          %dma_start3A_68 = arith.constant 0 : i32
          %dma_start3A_69 = arith.constant 0 : i32
          %dma_start3A_70 = tpu.memref_slice %arg17[%dma_start3A_68, %dma_start3A_69] : memref<10112x128xf32, #tpu.memory_space<vmem_shared>> -> memref<10112x128xf32, #tpu.memory_space<vmem_shared>>
          tpu.enqueue_indirect_dma source(%arg15 : memref<80x128xf32, #tpu.memory_space<vmem>>) target(%dma_start3A_70 : memref<10112x128xf32, #tpu.memory_space<vmem_shared>>) offsets(%dma_start3A_67 : memref<80xi32, #tpu.memory_space<vmem>>) semaphore(%run_scoped3A : memref<!tpu.dma_semaphore, #tpu.memory_space<semaphore_mem>>) {add = true}
          %dma_wait3A_71 = arith.constant 0 : i32
          %dma_wait3A_72 = tpu.memref_slice %arg14[%add3A_50, %dma_wait3A_71] : memref<125x80xi32, #tpu.memory_space<vmem>> -> memref<1x80xi32, #tpu.memory_space<vmem>>
          %dma_wait3A_73 = tpu.memref_squeeze %dma_wait3A_72 : memref<1x80xi32, #tpu.memory_space<vmem>> -> memref<80xi32, #tpu.memory_space<vmem>>
          %dma_wait3A_74 = arith.constant 0 : i32
          %dma_wait3A_75 = arith.constant 0 : i32
          %dma_wait3A_76 = tpu.memref_slice %arg17[%dma_wait3A_74, %dma_wait3A_75] : memref<10112x128xf32, #tpu.memory_space<vmem_shared>> -> memref<10112x128xf32, #tpu.memory_space<vmem_shared>>
          tpu.wait_indirect_dma semaphore(%run_scoped3A : memref<!tpu.dma_semaphore, #tpu.memory_space<semaphore_mem>>) src(%arg15 : memref<80x128xf32, #tpu.memory_space<vmem>>) dst(%dma_wait3A_76 : memref<10112x128xf32, #tpu.memory_space<vmem_shared>>)
          tpu.yield
        }) : () -> ()
        %add3A_51 = arith.constant 2 : i32
        %add3A_52 = arith.addi %mul3A_37, %add3A_51 : i32
        %lt3A_53 = arith.constant 125 : i32
        %lt3A_54 = arith.cmpi slt, %add3A_52, %lt3A_53 : i32
        %convert_element_type3A_55 = arith.extui %lt3A_54 : i1 to i32
        %cond3A_56 = arith.constant 0 : i32
        %cond3A_57 = arith.cmpi ne, %convert_element_type3A_55, %cond3A_56 : i32
        scf.if %cond3A_57 {
          %add3A_65 = arith.constant 2 : i32
          %add3A_66 = arith.addi %mul3A_37, %add3A_65 : i32
          %mul3A_67 = arith.constant 80 : i32
          %mul3A_68 = arith.muli %add3A_66, %mul3A_67 : i32
          %dma_start3A_69 = tpu.memref_slice %arg13[%mul3A_68] : memref<10000xi32, #tpu.memory_space<vmem>> -> memref<80xi32, #tpu.memory_space<vmem>>
          %dma_start3A_70 = arith.constant 0 : i32
          %dma_start3A_71 = arith.constant 0 : i32
          %dma_start3A_72 = tpu.memref_slice %arg2[%dma_start3A_70, %dma_start3A_71] : memref<10000x128xf32, #tpu.memory_space<hbm>> -> memref<10000x128xf32, #tpu.memory_space<hbm>>
          tpu.enqueue_indirect_dma source(%dma_start3A_72 : memref<10000x128xf32, #tpu.memory_space<hbm>>) target(%arg15 : memref<80x128xf32, #tpu.memory_space<vmem>>) offsets(%dma_start3A_69 : memref<80xi32, #tpu.memory_space<vmem>>) semaphore(%arg18 : memref<!tpu.dma_semaphore, #tpu.memory_space<semaphore_mem>>)
        } else {
        }
        %add3A_58 = arith.constant 1 : i32
        %add3A_59 = arith.addi %mul3A_37, %add3A_58 : i32
        %lt3A_60 = arith.constant 125 : i32
        %lt3A_61 = arith.cmpi slt, %add3A_59, %lt3A_60 : i32
        %convert_element_type3A_62 = arith.extui %lt3A_61 : i1 to i32
        %cond3A_63 = arith.constant 0 : i32
        %cond3A_64 = arith.cmpi ne, %convert_element_type3A_62, %cond3A_63 : i32
        scf.if %cond3A_64 {
          %add3A_65 = arith.constant 1 : i32
          %add3A_66 = arith.addi %mul3A_37, %add3A_65 : i32
          %mul3A_67 = arith.constant 80 : i32
          %mul3A_68 = arith.muli %add3A_66, %mul3A_67 : i32
          %dma_wait3A_69 = tpu.memref_slice %arg13[%mul3A_68] : memref<10000xi32, #tpu.memory_space<vmem>> -> memref<80xi32, #tpu.memory_space<vmem>>
          %dma_wait3A_70 = arith.constant 0 : i32
          %dma_wait3A_71 = arith.constant 0 : i32
          %dma_wait3A_72 = tpu.memref_slice %arg2[%dma_wait3A_70, %dma_wait3A_71] : memref<10000x128xf32, #tpu.memory_space<hbm>> -> memref<10000x128xf32, #tpu.memory_space<hbm>>
          tpu.wait_indirect_dma semaphore(%arg19 : memref<!tpu.dma_semaphore, #tpu.memory_space<semaphore_mem>>) src(%dma_wait3A_72 : memref<10000x128xf32, #tpu.memory_space<hbm>>) dst(%arg16 : memref<80x128xf32, #tpu.memory_space<vmem>>)
          %add3A_73 = arith.constant 0 : i32
          %add3A_74 = arith.addi %add3A_73, %mul3A_37 : i32
          %add3A_75 = arith.constant 1 : i32
          %add3A_76 = arith.addi %add3A_74, %add3A_75 : i32
          "tpu.region"() ({
            %run_scoped3A = tpu.sem_alloc : memref<!tpu.dma_semaphore, #tpu.memory_space<semaphore_mem>>
            %dma_start3A_77 = arith.constant 0 : i32
            %dma_start3A_78 = tpu.memref_slice %arg14[%add3A_76, %dma_start3A_77] : memref<125x80xi32, #tpu.memory_space<vmem>> -> memref<1x80xi32, #tpu.memory_space<vmem>>
            %dma_start3A_79 = tpu.memref_squeeze %dma_start3A_78 : memref<1x80xi32, #tpu.memory_space<vmem>> -> memref<80xi32, #tpu.memory_space<vmem>>
            %dma_start3A_80 = arith.constant 0 : i32
            %dma_start3A_81 = arith.constant 0 : i32
            %dma_start3A_82 = tpu.memref_slice %arg17[%dma_start3A_80, %dma_start3A_81] : memref<10112x128xf32, #tpu.memory_space<vmem_shared>> -> memref<10112x128xf32, #tpu.memory_space<vmem_shared>>
            tpu.enqueue_indirect_dma source(%arg16 : memref<80x128xf32, #tpu.memory_space<vmem>>) target(%dma_start3A_82 : memref<10112x128xf32, #tpu.memory_space<vmem_shared>>) offsets(%dma_start3A_79 : memref<80xi32, #tpu.memory_space<vmem>>) semaphore(%run_scoped3A : memref<!tpu.dma_semaphore, #tpu.memory_space<semaphore_mem>>) {add = true}
            %dma_wait3A_83 = arith.constant 0 : i32
            %dma_wait3A_84 = tpu.memref_slice %arg14[%add3A_76, %dma_wait3A_83] : memref<125x80xi32, #tpu.memory_space<vmem>> -> memref<1x80xi32, #tpu.memory_space<vmem>>
            %dma_wait3A_85 = tpu.memref_squeeze %dma_wait3A_84 : memref<1x80xi32, #tpu.memory_space<vmem>> -> memref<80xi32, #tpu.memory_space<vmem>>
            %dma_wait3A_86 = arith.constant 0 : i32
            %dma_wait3A_87 = arith.constant 0 : i32
            %dma_wait3A_88 = tpu.memref_slice %arg17[%dma_wait3A_86, %dma_wait3A_87] : memref<10112x128xf32, #tpu.memory_space<vmem_shared>> -> memref<10112x128xf32, #tpu.memory_space<vmem_shared>>
            tpu.wait_indirect_dma semaphore(%run_scoped3A : memref<!tpu.dma_semaphore, #tpu.memory_space<semaphore_mem>>) src(%arg16 : memref<80x128xf32, #tpu.memory_space<vmem>>) dst(%dma_wait3A_88 : memref<10112x128xf32, #tpu.memory_space<vmem_shared>>)
            tpu.yield
          }) : () -> ()
        } else {
        }
      }
      %scan3A_28 = arith.constant 63 : i32
      %barrier3A_29 = arith.constant 0 : index
      tpu.barrier barrier_id(%barrier3A_29)
      %mul3A_30 = arith.constant 632 : i32
      %mul3A_31 = arith.muli %arg1, %mul3A_30 : i32
      %mul3A_32 = arith.constant 632 : i32
      %mul3A_33 = arith.muli %arg1, %mul3A_32 : i32
      "tpu.region"() ({
        %run_scoped3A = tpu.sem_alloc : memref<!tpu.dma_semaphore, #tpu.memory_space<semaphore_mem>>
        %dma_start3A_35 = arith.constant 0 : i32
        %dma_start3A_36 = tpu.memref_slice %arg9[%mul3A_33, %dma_start3A_35] : memref<10112x128xf32, #tpu.memory_space<hbm>> -> memref<632x128xf32, #tpu.memory_space<hbm>>
        %dma_start3A_37 = arith.constant 0 : i32
        %dma_start3A_38 = tpu.memref_slice %arg17[%mul3A_31, %dma_start3A_37] : memref<10112x128xf32, #tpu.memory_space<vmem_shared>> -> memref<632x128xf32, #tpu.memory_space<vmem_shared>>
        tpu.enqueue_dma source(%dma_start3A_38 : memref<632x128xf32, #tpu.memory_space<vmem_shared>>) target(%dma_start3A_36 : memref<632x128xf32, #tpu.memory_space<hbm>>) target_semaphore(%run_scoped3A : memref<!tpu.dma_semaphore, #tpu.memory_space<semaphore_mem>>)
        %dma_wait3A = arith.constant 0 : i32
        %dma_wait3A_39 = tpu.memref_slice %arg9[%mul3A_33, %dma_wait3A] : memref<10112x128xf32, #tpu.memory_space<hbm>> -> memref<632x128xf32, #tpu.memory_space<hbm>>
        %dma_wait3A_40 = arith.constant 0 : i32
        %dma_wait3A_41 = tpu.memref_slice %arg17[%mul3A_31, %dma_wait3A_40] : memref<10112x128xf32, #tpu.memory_space<vmem_shared>> -> memref<632x128xf32, #tpu.memory_space<vmem_shared>>
        tpu.wait_dma2 semaphore(%run_scoped3A : memref<!tpu.dma_semaphore, #tpu.memory_space<semaphore_mem>>) src(%dma_wait3A_41 : memref<632x128xf32, #tpu.memory_space<vmem_shared>>) dst(%dma_wait3A_39 : memref<632x128xf32, #tpu.memory_space<hbm>>)
        tpu.yield
      }) : () -> ()
      %barrier3A_34 = arith.constant 0 : index
      tpu.barrier barrier_id(%barrier3A_34)
    } else {
    }
    %eq3A_2 = arith.constant 0 : i32
    %eq3A_3 = arith.cmpi eq, %arg0, %eq3A_2 : i32
    %convert_element_type3A_4 = arith.extui %eq3A_3 : i1 to i32
    %cond3A_5 = arith.constant 0 : i32
    %cond3A_6 = arith.cmpi ne, %convert_element_type3A_4, %cond3A_5 : i32
    scf.if %cond3A_6 {
      %mul3A = arith.constant 632 : i32
      %mul3A_17 = arith.muli %arg1, %mul3A : i32
      "tpu.region"() ({
        %run_scoped3A = tpu.sem_alloc : memref<!tpu.dma_semaphore, #tpu.memory_space<semaphore_mem>>
        %dma_start3A_35 = arith.constant 0 : i32
        %dma_start3A_36 = tpu.memref_slice %arg17[%mul3A_17, %dma_start3A_35] : memref<10112x128xf32, #tpu.memory_space<vmem_shared>> -> memref<632x128xf32, #tpu.memory_space<vmem_shared>>
        tpu.enqueue_dma source(%arg8 : memref<632x128xf32, #tpu.memory_space<hbm>>) target(%dma_start3A_36 : memref<632x128xf32, #tpu.memory_space<vmem_shared>>) target_semaphore(%run_scoped3A : memref<!tpu.dma_semaphore, #tpu.memory_space<semaphore_mem>>)
        %dma_wait3A = arith.constant 0 : i32
        %dma_wait3A_37 = tpu.memref_slice %arg17[%mul3A_17, %dma_wait3A] : memref<10112x128xf32, #tpu.memory_space<vmem_shared>> -> memref<632x128xf32, #tpu.memory_space<vmem_shared>>
        tpu.wait_dma2 semaphore(%run_scoped3A : memref<!tpu.dma_semaphore, #tpu.memory_space<semaphore_mem>>) src(%arg8 : memref<632x128xf32, #tpu.memory_space<hbm>>) dst(%dma_wait3A_37 : memref<632x128xf32, #tpu.memory_space<vmem_shared>>)
        tpu.yield
      }) : () -> ()
      %barrier3A = arith.constant 0 : index
      tpu.barrier barrier_id(%barrier3A)
      %mul3A_18 = arith.constant 10000 : i32
      %mul3A_19 = arith.muli %arg1, %mul3A_18 : i32
      %add3A = arith.constant 0 : i32
      %add3A_20 = arith.addi %mul3A_19, %add3A : i32
      "tpu.region"() ({
        %run_scoped3A = tpu.sem_alloc : memref<!tpu.dma_semaphore, #tpu.memory_space<semaphore_mem>>
        %dma_start3A_35 = arith.constant 0 : i32
        %dma_start3A_36 = tpu.memref_slice %arg13[%dma_start3A_35] : memref<10000xi32, #tpu.memory_space<vmem>> -> memref<10000xi32, #tpu.memory_space<vmem>>
        %dma_start3A_37 = tpu.memref_slice %arg6[%add3A_20] : memref<160000xi32, #tpu.memory_space<hbm>> -> memref<10000xi32, #tpu.memory_space<hbm>>
        %dma_start3A_38 = arith.constant 0 : i32
        %dma_start3A_39 = tpu.memref_slice %arg13[%dma_start3A_38] : memref<10000xi32, #tpu.memory_space<vmem>> -> memref<10000xi32, #tpu.memory_space<vmem>>
        %dma_start3A_40 = tpu.memref_slice %arg6[%add3A_20] : memref<160000xi32, #tpu.memory_space<hbm>> -> memref<10000xi32, #tpu.memory_space<hbm>>
        tpu.enqueue_dma source(%dma_start3A_40 : memref<10000xi32, #tpu.memory_space<hbm>>) target(%dma_start3A_39 : memref<10000xi32, #tpu.memory_space<vmem>>) target_semaphore(%run_scoped3A : memref<!tpu.dma_semaphore, #tpu.memory_space<semaphore_mem>>)
        %dma_wait3A = arith.constant 0 : i32
        %dma_wait3A_41 = tpu.memref_slice %arg13[%dma_wait3A] : memref<10000xi32, #tpu.memory_space<vmem>> -> memref<10000xi32, #tpu.memory_space<vmem>>
        %dma_wait3A_42 = tpu.memref_slice %arg6[%add3A_20] : memref<160000xi32, #tpu.memory_space<hbm>> -> memref<10000xi32, #tpu.memory_space<hbm>>
        %dma_wait3A_43 = arith.constant 0 : i32
        %dma_wait3A_44 = tpu.memref_slice %arg13[%dma_wait3A_43] : memref<10000xi32, #tpu.memory_space<vmem>> -> memref<10000xi32, #tpu.memory_space<vmem>>
        %dma_wait3A_45 = tpu.memref_slice %arg6[%add3A_20] : memref<160000xi32, #tpu.memory_space<hbm>> -> memref<10000xi32, #tpu.memory_space<hbm>>
        tpu.wait_dma2 semaphore(%run_scoped3A : memref<!tpu.dma_semaphore, #tpu.memory_space<semaphore_mem>>) src(%dma_wait3A_45 : memref<10000xi32, #tpu.memory_space<hbm>>) dst(%dma_wait3A_44 : memref<10000xi32, #tpu.memory_space<vmem>>)
        tpu.yield
      }) : () -> ()
      %dma_start3A = arith.constant 0 : i32
      %dma_start3A_21 = tpu.memref_slice %arg13[%dma_start3A] : memref<10000xi32, #tpu.memory_space<vmem>> -> memref<80xi32, #tpu.memory_space<vmem>>
      %dma_start3A_22 = arith.constant 0 : i32
      %dma_start3A_23 = arith.constant 0 : i32
      %dma_start3A_24 = tpu.memref_slice %arg3[%dma_start3A_22, %dma_start3A_23] : memref<10000x128xf32, #tpu.memory_space<hbm>> -> memref<10000x128xf32, #tpu.memory_space<hbm>>
      tpu.enqueue_indirect_dma source(%dma_start3A_24 : memref<10000x128xf32, #tpu.memory_space<hbm>>) target(%arg15 : memref<80x128xf32, #tpu.memory_space<vmem>>) offsets(%dma_start3A_21 : memref<80xi32, #tpu.memory_space<vmem>>) semaphore(%arg18 : memref<!tpu.dma_semaphore, #tpu.memory_space<semaphore_mem>>)
      %scan3A = arith.constant 0 : i32
      %scan3A_25 = arith.constant 63 : i32
      %scan3A_26 = arith.addi %scan3A, %scan3A_25 : i32
      %scan3A_27 = arith.constant 1 : i32
      scf.for %scan3A_35 = %scan3A to %scan3A_26 step %scan3A_27  : i32 {
        %mul3A_36 = arith.constant 2 : i32
        %mul3A_37 = arith.muli %mul3A_36, %scan3A_35 : i32
        %add3A_38 = arith.constant 1 : i32
        %add3A_39 = arith.addi %mul3A_37, %add3A_38 : i32
        %lt3A = arith.constant 125 : i32
        %lt3A_40 = arith.cmpi slt, %add3A_39, %lt3A : i32
        %convert_element_type3A_41 = arith.extui %lt3A_40 : i1 to i32
        %cond3A_42 = arith.constant 0 : i32
        %cond3A_43 = arith.cmpi ne, %convert_element_type3A_41, %cond3A_42 : i32
        scf.if %cond3A_43 {
          %add3A_65 = arith.constant 1 : i32
          %add3A_66 = arith.addi %mul3A_37, %add3A_65 : i32
          %mul3A_67 = arith.constant 80 : i32
          %mul3A_68 = arith.muli %add3A_66, %mul3A_67 : i32
          %dma_start3A_69 = tpu.memref_slice %arg13[%mul3A_68] : memref<10000xi32, #tpu.memory_space<vmem>> -> memref<80xi32, #tpu.memory_space<vmem>>
          %dma_start3A_70 = arith.constant 0 : i32
          %dma_start3A_71 = arith.constant 0 : i32
          %dma_start3A_72 = tpu.memref_slice %arg3[%dma_start3A_70, %dma_start3A_71] : memref<10000x128xf32, #tpu.memory_space<hbm>> -> memref<10000x128xf32, #tpu.memory_space<hbm>>
          tpu.enqueue_indirect_dma source(%dma_start3A_72 : memref<10000x128xf32, #tpu.memory_space<hbm>>) target(%arg16 : memref<80x128xf32, #tpu.memory_space<vmem>>) offsets(%dma_start3A_69 : memref<80xi32, #tpu.memory_space<vmem>>) semaphore(%arg19 : memref<!tpu.dma_semaphore, #tpu.memory_space<semaphore_mem>>)
        } else {
        }
        %mul3A_44 = arith.constant 80 : i32
        %mul3A_45 = arith.muli %mul3A_37, %mul3A_44 : i32
        %dma_wait3A = tpu.memref_slice %arg13[%mul3A_45] : memref<10000xi32, #tpu.memory_space<vmem>> -> memref<80xi32, #tpu.memory_space<vmem>>
        %dma_wait3A_46 = arith.constant 0 : i32
        %dma_wait3A_47 = arith.constant 0 : i32
        %dma_wait3A_48 = tpu.memref_slice %arg3[%dma_wait3A_46, %dma_wait3A_47] : memref<10000x128xf32, #tpu.memory_space<hbm>> -> memref<10000x128xf32, #tpu.memory_space<hbm>>
        tpu.wait_indirect_dma semaphore(%arg18 : memref<!tpu.dma_semaphore, #tpu.memory_space<semaphore_mem>>) src(%dma_wait3A_48 : memref<10000x128xf32, #tpu.memory_space<hbm>>) dst(%arg15 : memref<80x128xf32, #tpu.memory_space<vmem>>)
        %add3A_49 = arith.constant 0 : i32
        %add3A_50 = arith.addi %add3A_49, %mul3A_37 : i32
        "tpu.region"() ({
          %run_scoped3A = tpu.sem_alloc : memref<!tpu.dma_semaphore, #tpu.memory_space<semaphore_mem>>
          %dma_start3A_65 = arith.constant 0 : i32
          %dma_start3A_66 = tpu.memref_slice %arg14[%add3A_50, %dma_start3A_65] : memref<125x80xi32, #tpu.memory_space<vmem>> -> memref<1x80xi32, #tpu.memory_space<vmem>>
          %dma_start3A_67 = tpu.memref_squeeze %dma_start3A_66 : memref<1x80xi32, #tpu.memory_space<vmem>> -> memref<80xi32, #tpu.memory_space<vmem>>
          %dma_start3A_68 = arith.constant 0 : i32
          %dma_start3A_69 = arith.constant 0 : i32
          %dma_start3A_70 = tpu.memref_slice %arg17[%dma_start3A_68, %dma_start3A_69] : memref<10112x128xf32, #tpu.memory_space<vmem_shared>> -> memref<10112x128xf32, #tpu.memory_space<vmem_shared>>
          tpu.enqueue_indirect_dma source(%arg15 : memref<80x128xf32, #tpu.memory_space<vmem>>) target(%dma_start3A_70 : memref<10112x128xf32, #tpu.memory_space<vmem_shared>>) offsets(%dma_start3A_67 : memref<80xi32, #tpu.memory_space<vmem>>) semaphore(%run_scoped3A : memref<!tpu.dma_semaphore, #tpu.memory_space<semaphore_mem>>) {add = true}
          %dma_wait3A_71 = arith.constant 0 : i32
          %dma_wait3A_72 = tpu.memref_slice %arg14[%add3A_50, %dma_wait3A_71] : memref<125x80xi32, #tpu.memory_space<vmem>> -> memref<1x80xi32, #tpu.memory_space<vmem>>
          %dma_wait3A_73 = tpu.memref_squeeze %dma_wait3A_72 : memref<1x80xi32, #tpu.memory_space<vmem>> -> memref<80xi32, #tpu.memory_space<vmem>>
          %dma_wait3A_74 = arith.constant 0 : i32
          %dma_wait3A_75 = arith.constant 0 : i32
          %dma_wait3A_76 = tpu.memref_slice %arg17[%dma_wait3A_74, %dma_wait3A_75] : memref<10112x128xf32, #tpu.memory_space<vmem_shared>> -> memref<10112x128xf32, #tpu.memory_space<vmem_shared>>
          tpu.wait_indirect_dma semaphore(%run_scoped3A : memref<!tpu.dma_semaphore, #tpu.memory_space<semaphore_mem>>) src(%arg15 : memref<80x128xf32, #tpu.memory_space<vmem>>) dst(%dma_wait3A_76 : memref<10112x128xf32, #tpu.memory_space<vmem_shared>>)
          tpu.yield
        }) : () -> ()
        %add3A_51 = arith.constant 2 : i32
        %add3A_52 = arith.addi %mul3A_37, %add3A_51 : i32
        %lt3A_53 = arith.constant 125 : i32
        %lt3A_54 = arith.cmpi slt, %add3A_52, %lt3A_53 : i32
        %convert_element_type3A_55 = arith.extui %lt3A_54 : i1 to i32
        %cond3A_56 = arith.constant 0 : i32
        %cond3A_57 = arith.cmpi ne, %convert_element_type3A_55, %cond3A_56 : i32
        scf.if %cond3A_57 {
          %add3A_65 = arith.constant 2 : i32
          %add3A_66 = arith.addi %mul3A_37, %add3A_65 : i32
          %mul3A_67 = arith.constant 80 : i32
          %mul3A_68 = arith.muli %add3A_66, %mul3A_67 : i32
          %dma_start3A_69 = tpu.memref_slice %arg13[%mul3A_68] : memref<10000xi32, #tpu.memory_space<vmem>> -> memref<80xi32, #tpu.memory_space<vmem>>
          %dma_start3A_70 = arith.constant 0 : i32
          %dma_start3A_71 = arith.constant 0 : i32
          %dma_start3A_72 = tpu.memref_slice %arg3[%dma_start3A_70, %dma_start3A_71] : memref<10000x128xf32, #tpu.memory_space<hbm>> -> memref<10000x128xf32, #tpu.memory_space<hbm>>
          tpu.enqueue_indirect_dma source(%dma_start3A_72 : memref<10000x128xf32, #tpu.memory_space<hbm>>) target(%arg15 : memref<80x128xf32, #tpu.memory_space<vmem>>) offsets(%dma_start3A_69 : memref<80xi32, #tpu.memory_space<vmem>>) semaphore(%arg18 : memref<!tpu.dma_semaphore, #tpu.memory_space<semaphore_mem>>)
        } else {
        }
        %add3A_58 = arith.constant 1 : i32
        %add3A_59 = arith.addi %mul3A_37, %add3A_58 : i32
        %lt3A_60 = arith.constant 125 : i32
        %lt3A_61 = arith.cmpi slt, %add3A_59, %lt3A_60 : i32
        %convert_element_type3A_62 = arith.extui %lt3A_61 : i1 to i32
        %cond3A_63 = arith.constant 0 : i32
        %cond3A_64 = arith.cmpi ne, %convert_element_type3A_62, %cond3A_63 : i32
        scf.if %cond3A_64 {
          %add3A_65 = arith.constant 1 : i32
          %add3A_66 = arith.addi %mul3A_37, %add3A_65 : i32
          %mul3A_67 = arith.constant 80 : i32
          %mul3A_68 = arith.muli %add3A_66, %mul3A_67 : i32
          %dma_wait3A_69 = tpu.memref_slice %arg13[%mul3A_68] : memref<10000xi32, #tpu.memory_space<vmem>> -> memref<80xi32, #tpu.memory_space<vmem>>
          %dma_wait3A_70 = arith.constant 0 : i32
          %dma_wait3A_71 = arith.constant 0 : i32
          %dma_wait3A_72 = tpu.memref_slice %arg3[%dma_wait3A_70, %dma_wait3A_71] : memref<10000x128xf32, #tpu.memory_space<hbm>> -> memref<10000x128xf32, #tpu.memory_space<hbm>>
          tpu.wait_indirect_dma semaphore(%arg19 : memref<!tpu.dma_semaphore, #tpu.memory_space<semaphore_mem>>) src(%dma_wait3A_72 : memref<10000x128xf32, #tpu.memory_space<hbm>>) dst(%arg16 : memref<80x128xf32, #tpu.memory_space<vmem>>)
          %add3A_73 = arith.constant 0 : i32
          %add3A_74 = arith.addi %add3A_73, %mul3A_37 : i32
          %add3A_75 = arith.constant 1 : i32
          %add3A_76 = arith.addi %add3A_74, %add3A_75 : i32
          "tpu.region"() ({
            %run_scoped3A = tpu.sem_alloc : memref<!tpu.dma_semaphore, #tpu.memory_space<semaphore_mem>>
            %dma_start3A_77 = arith.constant 0 : i32
            %dma_start3A_78 = tpu.memref_slice %arg14[%add3A_76, %dma_start3A_77] : memref<125x80xi32, #tpu.memory_space<vmem>> -> memref<1x80xi32, #tpu.memory_space<vmem>>
            %dma_start3A_79 = tpu.memref_squeeze %dma_start3A_78 : memref<1x80xi32, #tpu.memory_space<vmem>> -> memref<80xi32, #tpu.memory_space<vmem>>
            %dma_start3A_80 = arith.constant 0 : i32
            %dma_start3A_81 = arith.constant 0 : i32
            %dma_start3A_82 = tpu.memref_slice %arg17[%dma_start3A_80, %dma_start3A_81] : memref<10112x128xf32, #tpu.memory_space<vmem_shared>> -> memref<10112x128xf32, #tpu.memory_space<vmem_shared>>
            tpu.enqueue_indirect_dma source(%arg16 : memref<80x128xf32, #tpu.memory_space<vmem>>) target(%dma_start3A_82 : memref<10112x128xf32, #tpu.memory_space<vmem_shared>>) offsets(%dma_start3A_79 : memref<80xi32, #tpu.memory_space<vmem>>) semaphore(%run_scoped3A : memref<!tpu.dma_semaphore, #tpu.memory_space<semaphore_mem>>) {add = true}
            %dma_wait3A_83 = arith.constant 0 : i32
            %dma_wait3A_84 = tpu.memref_slice %arg14[%add3A_76, %dma_wait3A_83] : memref<125x80xi32, #tpu.memory_space<vmem>> -> memref<1x80xi32, #tpu.memory_space<vmem>>
            %dma_wait3A_85 = tpu.memref_squeeze %dma_wait3A_84 : memref<1x80xi32, #tpu.memory_space<vmem>> -> memref<80xi32, #tpu.memory_space<vmem>>
            %dma_wait3A_86 = arith.constant 0 : i32
            %dma_wait3A_87 = arith.constant 0 : i32
            %dma_wait3A_88 = tpu.memref_slice %arg17[%dma_wait3A_86, %dma_wait3A_87] : memref<10112x128xf32, #tpu.memory_space<vmem_shared>> -> memref<10112x128xf32, #tpu.memory_space<vmem_shared>>
            tpu.wait_indirect_dma semaphore(%run_scoped3A : memref<!tpu.dma_semaphore, #tpu.memory_space<semaphore_mem>>) src(%arg16 : memref<80x128xf32, #tpu.memory_space<vmem>>) dst(%dma_wait3A_88 : memref<10112x128xf32, #tpu.memory_space<vmem_shared>>)
            tpu.yield
          }) : () -> ()
        } else {
        }
      }
      %scan3A_28 = arith.constant 63 : i32
      %barrier3A_29 = arith.constant 0 : index
      tpu.barrier barrier_id(%barrier3A_29)
      %mul3A_30 = arith.constant 632 : i32
      %mul3A_31 = arith.muli %arg1, %mul3A_30 : i32
      %mul3A_32 = arith.constant 632 : i32
      %mul3A_33 = arith.muli %arg1, %mul3A_32 : i32
      "tpu.region"() ({
        %run_scoped3A = tpu.sem_alloc : memref<!tpu.dma_semaphore, #tpu.memory_space<semaphore_mem>>
        %dma_start3A_35 = arith.constant 0 : i32
        %dma_start3A_36 = tpu.memref_slice %arg10[%mul3A_33, %dma_start3A_35] : memref<10112x128xf32, #tpu.memory_space<hbm>> -> memref<632x128xf32, #tpu.memory_space<hbm>>
        %dma_start3A_37 = arith.constant 0 : i32
        %dma_start3A_38 = tpu.memref_slice %arg17[%mul3A_31, %dma_start3A_37] : memref<10112x128xf32, #tpu.memory_space<vmem_shared>> -> memref<632x128xf32, #tpu.memory_space<vmem_shared>>
        tpu.enqueue_dma source(%dma_start3A_38 : memref<632x128xf32, #tpu.memory_space<vmem_shared>>) target(%dma_start3A_36 : memref<632x128xf32, #tpu.memory_space<hbm>>) target_semaphore(%run_scoped3A : memref<!tpu.dma_semaphore, #tpu.memory_space<semaphore_mem>>)
        %dma_wait3A = arith.constant 0 : i32
        %dma_wait3A_39 = tpu.memref_slice %arg10[%mul3A_33, %dma_wait3A] : memref<10112x128xf32, #tpu.memory_space<hbm>> -> memref<632x128xf32, #tpu.memory_space<hbm>>
        %dma_wait3A_40 = arith.constant 0 : i32
        %dma_wait3A_41 = tpu.memref_slice %arg17[%mul3A_31, %dma_wait3A_40] : memref<10112x128xf32, #tpu.memory_space<vmem_shared>> -> memref<632x128xf32, #tpu.memory_space<vmem_shared>>
        tpu.wait_dma2 semaphore(%run_scoped3A : memref<!tpu.dma_semaphore, #tpu.memory_space<semaphore_mem>>) src(%dma_wait3A_41 : memref<632x128xf32, #tpu.memory_space<vmem_shared>>) dst(%dma_wait3A_39 : memref<632x128xf32, #tpu.memory_space<hbm>>)
        tpu.yield
      }) : () -> ()
      %barrier3A_34 = arith.constant 0 : index
      tpu.barrier barrier_id(%barrier3A_34)
    } else {
    }
    %eq3A_7 = arith.constant 1 : i32
    %eq3A_8 = arith.cmpi eq, %arg0, %eq3A_7 : i32
    %convert_element_type3A_9 = arith.extui %eq3A_8 : i1 to i32
    %cond3A_10 = arith.constant 0 : i32
    %cond3A_11 = arith.cmpi ne, %convert_element_type3A_9, %cond3A_10 : i32
    scf.if %cond3A_11 {
      %mul3A = arith.constant 632 : i32
      %mul3A_17 = arith.muli %arg1, %mul3A : i32
      "tpu.region"() ({
        %run_scoped3A = tpu.sem_alloc : memref<!tpu.dma_semaphore, #tpu.memory_space<semaphore_mem>>
        %dma_start3A_35 = arith.constant 0 : i32
        %dma_start3A_36 = tpu.memref_slice %arg17[%mul3A_17, %dma_start3A_35] : memref<10112x128xf32, #tpu.memory_space<vmem_shared>> -> memref<632x128xf32, #tpu.memory_space<vmem_shared>>
        tpu.enqueue_dma source(%arg8 : memref<632x128xf32, #tpu.memory_space<hbm>>) target(%dma_start3A_36 : memref<632x128xf32, #tpu.memory_space<vmem_shared>>) target_semaphore(%run_scoped3A : memref<!tpu.dma_semaphore, #tpu.memory_space<semaphore_mem>>)
        %dma_wait3A = arith.constant 0 : i32
        %dma_wait3A_37 = tpu.memref_slice %arg17[%mul3A_17, %dma_wait3A] : memref<10112x128xf32, #tpu.memory_space<vmem_shared>> -> memref<632x128xf32, #tpu.memory_space<vmem_shared>>
        tpu.wait_dma2 semaphore(%run_scoped3A : memref<!tpu.dma_semaphore, #tpu.memory_space<semaphore_mem>>) src(%arg8 : memref<632x128xf32, #tpu.memory_space<hbm>>) dst(%dma_wait3A_37 : memref<632x128xf32, #tpu.memory_space<vmem_shared>>)
        tpu.yield
      }) : () -> ()
      %barrier3A = arith.constant 0 : index
      tpu.barrier barrier_id(%barrier3A)
      %mul3A_18 = arith.constant 10000 : i32
      %mul3A_19 = arith.muli %arg1, %mul3A_18 : i32
      %add3A = arith.constant 0 : i32
      %add3A_20 = arith.addi %mul3A_19, %add3A : i32
      "tpu.region"() ({
        %run_scoped3A = tpu.sem_alloc : memref<!tpu.dma_semaphore, #tpu.memory_space<semaphore_mem>>
        %dma_start3A_35 = arith.constant 0 : i32
        %dma_start3A_36 = tpu.memref_slice %arg13[%dma_start3A_35] : memref<10000xi32, #tpu.memory_space<vmem>> -> memref<10000xi32, #tpu.memory_space<vmem>>
        %dma_start3A_37 = tpu.memref_slice %arg6[%add3A_20] : memref<160000xi32, #tpu.memory_space<hbm>> -> memref<10000xi32, #tpu.memory_space<hbm>>
        %dma_start3A_38 = arith.constant 0 : i32
        %dma_start3A_39 = tpu.memref_slice %arg13[%dma_start3A_38] : memref<10000xi32, #tpu.memory_space<vmem>> -> memref<10000xi32, #tpu.memory_space<vmem>>
        %dma_start3A_40 = tpu.memref_slice %arg6[%add3A_20] : memref<160000xi32, #tpu.memory_space<hbm>> -> memref<10000xi32, #tpu.memory_space<hbm>>
        tpu.enqueue_dma source(%dma_start3A_40 : memref<10000xi32, #tpu.memory_space<hbm>>) target(%dma_start3A_39 : memref<10000xi32, #tpu.memory_space<vmem>>) target_semaphore(%run_scoped3A : memref<!tpu.dma_semaphore, #tpu.memory_space<semaphore_mem>>)
        %dma_wait3A = arith.constant 0 : i32
        %dma_wait3A_41 = tpu.memref_slice %arg13[%dma_wait3A] : memref<10000xi32, #tpu.memory_space<vmem>> -> memref<10000xi32, #tpu.memory_space<vmem>>
        %dma_wait3A_42 = tpu.memref_slice %arg6[%add3A_20] : memref<160000xi32, #tpu.memory_space<hbm>> -> memref<10000xi32, #tpu.memory_space<hbm>>
        %dma_wait3A_43 = arith.constant 0 : i32
        %dma_wait3A_44 = tpu.memref_slice %arg13[%dma_wait3A_43] : memref<10000xi32, #tpu.memory_space<vmem>> -> memref<10000xi32, #tpu.memory_space<vmem>>
        %dma_wait3A_45 = tpu.memref_slice %arg6[%add3A_20] : memref<160000xi32, #tpu.memory_space<hbm>> -> memref<10000xi32, #tpu.memory_space<hbm>>
        tpu.wait_dma2 semaphore(%run_scoped3A : memref<!tpu.dma_semaphore, #tpu.memory_space<semaphore_mem>>) src(%dma_wait3A_45 : memref<10000xi32, #tpu.memory_space<hbm>>) dst(%dma_wait3A_44 : memref<10000xi32, #tpu.memory_space<vmem>>)
        tpu.yield
      }) : () -> ()
      %dma_start3A = arith.constant 0 : i32
      %dma_start3A_21 = tpu.memref_slice %arg13[%dma_start3A] : memref<10000xi32, #tpu.memory_space<vmem>> -> memref<80xi32, #tpu.memory_space<vmem>>
      %dma_start3A_22 = arith.constant 0 : i32
      %dma_start3A_23 = arith.constant 0 : i32
      %dma_start3A_24 = tpu.memref_slice %arg4[%dma_start3A_22, %dma_start3A_23] : memref<10000x128xf32, #tpu.memory_space<hbm>> -> memref<10000x128xf32, #tpu.memory_space<hbm>>
      tpu.enqueue_indirect_dma source(%dma_start3A_24 : memref<10000x128xf32, #tpu.memory_space<hbm>>) target(%arg15 : memref<80x128xf32, #tpu.memory_space<vmem>>) offsets(%dma_start3A_21 : memref<80xi32, #tpu.memory_space<vmem>>) semaphore(%arg18 : memref<!tpu.dma_semaphore, #tpu.memory_space<semaphore_mem>>)
      %scan3A = arith.constant 0 : i32
      %scan3A_25 = arith.constant 63 : i32
      %scan3A_26 = arith.addi %scan3A, %scan3A_25 : i32
      %scan3A_27 = arith.constant 1 : i32
      scf.for %scan3A_35 = %scan3A to %scan3A_26 step %scan3A_27  : i32 {
        %mul3A_36 = arith.constant 2 : i32
        %mul3A_37 = arith.muli %mul3A_36, %scan3A_35 : i32
        %add3A_38 = arith.constant 1 : i32
        %add3A_39 = arith.addi %mul3A_37, %add3A_38 : i32
        %lt3A = arith.constant 125 : i32
        %lt3A_40 = arith.cmpi slt, %add3A_39, %lt3A : i32
        %convert_element_type3A_41 = arith.extui %lt3A_40 : i1 to i32
        %cond3A_42 = arith.constant 0 : i32
        %cond3A_43 = arith.cmpi ne, %convert_element_type3A_41, %cond3A_42 : i32
        scf.if %cond3A_43 {
          %add3A_65 = arith.constant 1 : i32
          %add3A_66 = arith.addi %mul3A_37, %add3A_65 : i32
          %mul3A_67 = arith.constant 80 : i32
          %mul3A_68 = arith.muli %add3A_66, %mul3A_67 : i32
          %dma_start3A_69 = tpu.memref_slice %arg13[%mul3A_68] : memref<10000xi32, #tpu.memory_space<vmem>> -> memref<80xi32, #tpu.memory_space<vmem>>
          %dma_start3A_70 = arith.constant 0 : i32
          %dma_start3A_71 = arith.constant 0 : i32
          %dma_start3A_72 = tpu.memref_slice %arg4[%dma_start3A_70, %dma_start3A_71] : memref<10000x128xf32, #tpu.memory_space<hbm>> -> memref<10000x128xf32, #tpu.memory_space<hbm>>
          tpu.enqueue_indirect_dma source(%dma_start3A_72 : memref<10000x128xf32, #tpu.memory_space<hbm>>) target(%arg16 : memref<80x128xf32, #tpu.memory_space<vmem>>) offsets(%dma_start3A_69 : memref<80xi32, #tpu.memory_space<vmem>>) semaphore(%arg19 : memref<!tpu.dma_semaphore, #tpu.memory_space<semaphore_mem>>)
        } else {
        }
        %mul3A_44 = arith.constant 80 : i32
        %mul3A_45 = arith.muli %mul3A_37, %mul3A_44 : i32
        %dma_wait3A = tpu.memref_slice %arg13[%mul3A_45] : memref<10000xi32, #tpu.memory_space<vmem>> -> memref<80xi32, #tpu.memory_space<vmem>>
        %dma_wait3A_46 = arith.constant 0 : i32
        %dma_wait3A_47 = arith.constant 0 : i32
        %dma_wait3A_48 = tpu.memref_slice %arg4[%dma_wait3A_46, %dma_wait3A_47] : memref<10000x128xf32, #tpu.memory_space<hbm>> -> memref<10000x128xf32, #tpu.memory_space<hbm>>
        tpu.wait_indirect_dma semaphore(%arg18 : memref<!tpu.dma_semaphore, #tpu.memory_space<semaphore_mem>>) src(%dma_wait3A_48 : memref<10000x128xf32, #tpu.memory_space<hbm>>) dst(%arg15 : memref<80x128xf32, #tpu.memory_space<vmem>>)
        %add3A_49 = arith.constant 0 : i32
        %add3A_50 = arith.addi %add3A_49, %mul3A_37 : i32
        "tpu.region"() ({
          %run_scoped3A = tpu.sem_alloc : memref<!tpu.dma_semaphore, #tpu.memory_space<semaphore_mem>>
          %dma_start3A_65 = arith.constant 0 : i32
          %dma_start3A_66 = tpu.memref_slice %arg14[%add3A_50, %dma_start3A_65] : memref<125x80xi32, #tpu.memory_space<vmem>> -> memref<1x80xi32, #tpu.memory_space<vmem>>
          %dma_start3A_67 = tpu.memref_squeeze %dma_start3A_66 : memref<1x80xi32, #tpu.memory_space<vmem>> -> memref<80xi32, #tpu.memory_space<vmem>>
          %dma_start3A_68 = arith.constant 0 : i32
          %dma_start3A_69 = arith.constant 0 : i32
          %dma_start3A_70 = tpu.memref_slice %arg17[%dma_start3A_68, %dma_start3A_69] : memref<10112x128xf32, #tpu.memory_space<vmem_shared>> -> memref<10112x128xf32, #tpu.memory_space<vmem_shared>>
          tpu.enqueue_indirect_dma source(%arg15 : memref<80x128xf32, #tpu.memory_space<vmem>>) target(%dma_start3A_70 : memref<10112x128xf32, #tpu.memory_space<vmem_shared>>) offsets(%dma_start3A_67 : memref<80xi32, #tpu.memory_space<vmem>>) semaphore(%run_scoped3A : memref<!tpu.dma_semaphore, #tpu.memory_space<semaphore_mem>>) {add = true}
          %dma_wait3A_71 = arith.constant 0 : i32
          %dma_wait3A_72 = tpu.memref_slice %arg14[%add3A_50, %dma_wait3A_71] : memref<125x80xi32, #tpu.memory_space<vmem>> -> memref<1x80xi32, #tpu.memory_space<vmem>>
          %dma_wait3A_73 = tpu.memref_squeeze %dma_wait3A_72 : memref<1x80xi32, #tpu.memory_space<vmem>> -> memref<80xi32, #tpu.memory_space<vmem>>
          %dma_wait3A_74 = arith.constant 0 : i32
          %dma_wait3A_75 = arith.constant 0 : i32
          %dma_wait3A_76 = tpu.memref_slice %arg17[%dma_wait3A_74, %dma_wait3A_75] : memref<10112x128xf32, #tpu.memory_space<vmem_shared>> -> memref<10112x128xf32, #tpu.memory_space<vmem_shared>>
          tpu.wait_indirect_dma semaphore(%run_scoped3A : memref<!tpu.dma_semaphore, #tpu.memory_space<semaphore_mem>>) src(%arg15 : memref<80x128xf32, #tpu.memory_space<vmem>>) dst(%dma_wait3A_76 : memref<10112x128xf32, #tpu.memory_space<vmem_shared>>)
          tpu.yield
        }) : () -> ()
        %add3A_51 = arith.constant 2 : i32
        %add3A_52 = arith.addi %mul3A_37, %add3A_51 : i32
        %lt3A_53 = arith.constant 125 : i32
        %lt3A_54 = arith.cmpi slt, %add3A_52, %lt3A_53 : i32
        %convert_element_type3A_55 = arith.extui %lt3A_54 : i1 to i32
        %cond3A_56 = arith.constant 0 : i32
        %cond3A_57 = arith.cmpi ne, %convert_element_type3A_55, %cond3A_56 : i32
        scf.if %cond3A_57 {
          %add3A_65 = arith.constant 2 : i32
          %add3A_66 = arith.addi %mul3A_37, %add3A_65 : i32
          %mul3A_67 = arith.constant 80 : i32
          %mul3A_68 = arith.muli %add3A_66, %mul3A_67 : i32
          %dma_start3A_69 = tpu.memref_slice %arg13[%mul3A_68] : memref<10000xi32, #tpu.memory_space<vmem>> -> memref<80xi32, #tpu.memory_space<vmem>>
          %dma_start3A_70 = arith.constant 0 : i32
          %dma_start3A_71 = arith.constant 0 : i32
          %dma_start3A_72 = tpu.memref_slice %arg4[%dma_start3A_70, %dma_start3A_71] : memref<10000x128xf32, #tpu.memory_space<hbm>> -> memref<10000x128xf32, #tpu.memory_space<hbm>>
          tpu.enqueue_indirect_dma source(%dma_start3A_72 : memref<10000x128xf32, #tpu.memory_space<hbm>>) target(%arg15 : memref<80x128xf32, #tpu.memory_space<vmem>>) offsets(%dma_start3A_69 : memref<80xi32, #tpu.memory_space<vmem>>) semaphore(%arg18 : memref<!tpu.dma_semaphore, #tpu.memory_space<semaphore_mem>>)
        } else {
        }
        %add3A_58 = arith.constant 1 : i32
        %add3A_59 = arith.addi %mul3A_37, %add3A_58 : i32
        %lt3A_60 = arith.constant 125 : i32
        %lt3A_61 = arith.cmpi slt, %add3A_59, %lt3A_60 : i32
        %convert_element_type3A_62 = arith.extui %lt3A_61 : i1 to i32
        %cond3A_63 = arith.constant 0 : i32
        %cond3A_64 = arith.cmpi ne, %convert_element_type3A_62, %cond3A_63 : i32
        scf.if %cond3A_64 {
          %add3A_65 = arith.constant 1 : i32
          %add3A_66 = arith.addi %mul3A_37, %add3A_65 : i32
          %mul3A_67 = arith.constant 80 : i32
          %mul3A_68 = arith.muli %add3A_66, %mul3A_67 : i32
          %dma_wait3A_69 = tpu.memref_slice %arg13[%mul3A_68] : memref<10000xi32, #tpu.memory_space<vmem>> -> memref<80xi32, #tpu.memory_space<vmem>>
          %dma_wait3A_70 = arith.constant 0 : i32
          %dma_wait3A_71 = arith.constant 0 : i32
          %dma_wait3A_72 = tpu.memref_slice %arg4[%dma_wait3A_70, %dma_wait3A_71] : memref<10000x128xf32, #tpu.memory_space<hbm>> -> memref<10000x128xf32, #tpu.memory_space<hbm>>
          tpu.wait_indirect_dma semaphore(%arg19 : memref<!tpu.dma_semaphore, #tpu.memory_space<semaphore_mem>>) src(%dma_wait3A_72 : memref<10000x128xf32, #tpu.memory_space<hbm>>) dst(%arg16 : memref<80x128xf32, #tpu.memory_space<vmem>>)
          %add3A_73 = arith.constant 0 : i32
          %add3A_74 = arith.addi %add3A_73, %mul3A_37 : i32
          %add3A_75 = arith.constant 1 : i32
          %add3A_76 = arith.addi %add3A_74, %add3A_75 : i32
          "tpu.region"() ({
            %run_scoped3A = tpu.sem_alloc : memref<!tpu.dma_semaphore, #tpu.memory_space<semaphore_mem>>
            %dma_start3A_77 = arith.constant 0 : i32
            %dma_start3A_78 = tpu.memref_slice %arg14[%add3A_76, %dma_start3A_77] : memref<125x80xi32, #tpu.memory_space<vmem>> -> memref<1x80xi32, #tpu.memory_space<vmem>>
            %dma_start3A_79 = tpu.memref_squeeze %dma_start3A_78 : memref<1x80xi32, #tpu.memory_space<vmem>> -> memref<80xi32, #tpu.memory_space<vmem>>
            %dma_start3A_80 = arith.constant 0 : i32
            %dma_start3A_81 = arith.constant 0 : i32
            %dma_start3A_82 = tpu.memref_slice %arg17[%dma_start3A_80, %dma_start3A_81] : memref<10112x128xf32, #tpu.memory_space<vmem_shared>> -> memref<10112x128xf32, #tpu.memory_space<vmem_shared>>
            tpu.enqueue_indirect_dma source(%arg16 : memref<80x128xf32, #tpu.memory_space<vmem>>) target(%dma_start3A_82 : memref<10112x128xf32, #tpu.memory_space<vmem_shared>>) offsets(%dma_start3A_79 : memref<80xi32, #tpu.memory_space<vmem>>) semaphore(%run_scoped3A : memref<!tpu.dma_semaphore, #tpu.memory_space<semaphore_mem>>) {add = true}
            %dma_wait3A_83 = arith.constant 0 : i32
            %dma_wait3A_84 = tpu.memref_slice %arg14[%add3A_76, %dma_wait3A_83] : memref<125x80xi32, #tpu.memory_space<vmem>> -> memref<1x80xi32, #tpu.memory_space<vmem>>
            %dma_wait3A_85 = tpu.memref_squeeze %dma_wait3A_84 : memref<1x80xi32, #tpu.memory_space<vmem>> -> memref<80xi32, #tpu.memory_space<vmem>>
            %dma_wait3A_86 = arith.constant 0 : i32
            %dma_wait3A_87 = arith.constant 0 : i32
            %dma_wait3A_88 = tpu.memref_slice %arg17[%dma_wait3A_86, %dma_wait3A_87] : memref<10112x128xf32, #tpu.memory_space<vmem_shared>> -> memref<10112x128xf32, #tpu.memory_space<vmem_shared>>
            tpu.wait_indirect_dma semaphore(%run_scoped3A : memref<!tpu.dma_semaphore, #tpu.memory_space<semaphore_mem>>) src(%arg16 : memref<80x128xf32, #tpu.memory_space<vmem>>) dst(%dma_wait3A_88 : memref<10112x128xf32, #tpu.memory_space<vmem_shared>>)
            tpu.yield
          }) : () -> ()
        } else {
        }
      }
      %scan3A_28 = arith.constant 63 : i32
      %barrier3A_29 = arith.constant 0 : index
      tpu.barrier barrier_id(%barrier3A_29)
      %mul3A_30 = arith.constant 632 : i32
      %mul3A_31 = arith.muli %arg1, %mul3A_30 : i32
      %mul3A_32 = arith.constant 632 : i32
      %mul3A_33 = arith.muli %arg1, %mul3A_32 : i32
      "tpu.region"() ({
        %run_scoped3A = tpu.sem_alloc : memref<!tpu.dma_semaphore, #tpu.memory_space<semaphore_mem>>
        %dma_start3A_35 = arith.constant 0 : i32
        %dma_start3A_36 = tpu.memref_slice %arg11[%mul3A_33, %dma_start3A_35] : memref<10112x128xf32, #tpu.memory_space<hbm>> -> memref<632x128xf32, #tpu.memory_space<hbm>>
        %dma_start3A_37 = arith.constant 0 : i32
        %dma_start3A_38 = tpu.memref_slice %arg17[%mul3A_31, %dma_start3A_37] : memref<10112x128xf32, #tpu.memory_space<vmem_shared>> -> memref<632x128xf32, #tpu.memory_space<vmem_shared>>
        tpu.enqueue_dma source(%dma_start3A_38 : memref<632x128xf32, #tpu.memory_space<vmem_shared>>) target(%dma_start3A_36 : memref<632x128xf32, #tpu.memory_space<hbm>>) target_semaphore(%run_scoped3A : memref<!tpu.dma_semaphore, #tpu.memory_space<semaphore_mem>>)
        %dma_wait3A = arith.constant 0 : i32
        %dma_wait3A_39 = tpu.memref_slice %arg11[%mul3A_33, %dma_wait3A] : memref<10112x128xf32, #tpu.memory_space<hbm>> -> memref<632x128xf32, #tpu.memory_space<hbm>>
        %dma_wait3A_40 = arith.constant 0 : i32
        %dma_wait3A_41 = tpu.memref_slice %arg17[%mul3A_31, %dma_wait3A_40] : memref<10112x128xf32, #tpu.memory_space<vmem_shared>> -> memref<632x128xf32, #tpu.memory_space<vmem_shared>>
        tpu.wait_dma2 semaphore(%run_scoped3A : memref<!tpu.dma_semaphore, #tpu.memory_space<semaphore_mem>>) src(%dma_wait3A_41 : memref<632x128xf32, #tpu.memory_space<vmem_shared>>) dst(%dma_wait3A_39 : memref<632x128xf32, #tpu.memory_space<hbm>>)
        tpu.yield
      }) : () -> ()
      %barrier3A_34 = arith.constant 0 : index
      tpu.barrier barrier_id(%barrier3A_34)
    } else {
    }
    %eq3A_12 = arith.constant 1 : i32
    %eq3A_13 = arith.cmpi eq, %arg0, %eq3A_12 : i32
    %convert_element_type3A_14 = arith.extui %eq3A_13 : i1 to i32
    %cond3A_15 = arith.constant 0 : i32
    %cond3A_16 = arith.cmpi ne, %convert_element_type3A_14, %cond3A_15 : i32
    scf.if %cond3A_16 {
      %mul3A = arith.constant 632 : i32
      %mul3A_17 = arith.muli %arg1, %mul3A : i32
      "tpu.region"() ({
        %run_scoped3A = tpu.sem_alloc : memref<!tpu.dma_semaphore, #tpu.memory_space<semaphore_mem>>
        %dma_start3A_35 = arith.constant 0 : i32
        %dma_start3A_36 = tpu.memref_slice %arg17[%mul3A_17, %dma_start3A_35] : memref<10112x128xf32, #tpu.memory_space<vmem_shared>> -> memref<632x128xf32, #tpu.memory_space<vmem_shared>>
        tpu.enqueue_dma source(%arg8 : memref<632x128xf32, #tpu.memory_space<hbm>>) target(%dma_start3A_36 : memref<632x128xf32, #tpu.memory_space<vmem_shared>>) target_semaphore(%run_scoped3A : memref<!tpu.dma_semaphore, #tpu.memory_space<semaphore_mem>>)
        %dma_wait3A = arith.constant 0 : i32
        %dma_wait3A_37 = tpu.memref_slice %arg17[%mul3A_17, %dma_wait3A] : memref<10112x128xf32, #tpu.memory_space<vmem_shared>> -> memref<632x128xf32, #tpu.memory_space<vmem_shared>>
        tpu.wait_dma2 semaphore(%run_scoped3A : memref<!tpu.dma_semaphore, #tpu.memory_space<semaphore_mem>>) src(%arg8 : memref<632x128xf32, #tpu.memory_space<hbm>>) dst(%dma_wait3A_37 : memref<632x128xf32, #tpu.memory_space<vmem_shared>>)
        tpu.yield
      }) : () -> ()
      %barrier3A = arith.constant 0 : index
      tpu.barrier barrier_id(%barrier3A)
      %mul3A_18 = arith.constant 10000 : i32
      %mul3A_19 = arith.muli %arg1, %mul3A_18 : i32
      %add3A = arith.constant 0 : i32
      %add3A_20 = arith.addi %mul3A_19, %add3A : i32
      "tpu.region"() ({
        %run_scoped3A = tpu.sem_alloc : memref<!tpu.dma_semaphore, #tpu.memory_space<semaphore_mem>>
        %dma_start3A_35 = arith.constant 0 : i32
        %dma_start3A_36 = tpu.memref_slice %arg13[%dma_start3A_35] : memref<10000xi32, #tpu.memory_space<vmem>> -> memref<10000xi32, #tpu.memory_space<vmem>>
        %dma_start3A_37 = tpu.memref_slice %arg6[%add3A_20] : memref<160000xi32, #tpu.memory_space<hbm>> -> memref<10000xi32, #tpu.memory_space<hbm>>
        %dma_start3A_38 = arith.constant 0 : i32
        %dma_start3A_39 = tpu.memref_slice %arg13[%dma_start3A_38] : memref<10000xi32, #tpu.memory_space<vmem>> -> memref<10000xi32, #tpu.memory_space<vmem>>
        %dma_start3A_40 = tpu.memref_slice %arg6[%add3A_20] : memref<160000xi32, #tpu.memory_space<hbm>> -> memref<10000xi32, #tpu.memory_space<hbm>>
        tpu.enqueue_dma source(%dma_start3A_40 : memref<10000xi32, #tpu.memory_space<hbm>>) target(%dma_start3A_39 : memref<10000xi32, #tpu.memory_space<vmem>>) target_semaphore(%run_scoped3A : memref<!tpu.dma_semaphore, #tpu.memory_space<semaphore_mem>>)
        %dma_wait3A = arith.constant 0 : i32
        %dma_wait3A_41 = tpu.memref_slice %arg13[%dma_wait3A] : memref<10000xi32, #tpu.memory_space<vmem>> -> memref<10000xi32, #tpu.memory_space<vmem>>
        %dma_wait3A_42 = tpu.memref_slice %arg6[%add3A_20] : memref<160000xi32, #tpu.memory_space<hbm>> -> memref<10000xi32, #tpu.memory_space<hbm>>
        %dma_wait3A_43 = arith.constant 0 : i32
        %dma_wait3A_44 = tpu.memref_slice %arg13[%dma_wait3A_43] : memref<10000xi32, #tpu.memory_space<vmem>> -> memref<10000xi32, #tpu.memory_space<vmem>>
        %dma_wait3A_45 = tpu.memref_slice %arg6[%add3A_20] : memref<160000xi32, #tpu.memory_space<hbm>> -> memref<10000xi32, #tpu.memory_space<hbm>>
        tpu.wait_dma2 semaphore(%run_scoped3A : memref<!tpu.dma_semaphore, #tpu.memory_space<semaphore_mem>>) src(%dma_wait3A_45 : memref<10000xi32, #tpu.memory_space<hbm>>) dst(%dma_wait3A_44 : memref<10000xi32, #tpu.memory_space<vmem>>)
        tpu.yield
      }) : () -> ()
      %dma_start3A = arith.constant 0 : i32
      %dma_start3A_21 = tpu.memref_slice %arg13[%dma_start3A] : memref<10000xi32, #tpu.memory_space<vmem>> -> memref<80xi32, #tpu.memory_space<vmem>>
      %dma_start3A_22 = arith.constant 0 : i32
      %dma_start3A_23 = arith.constant 0 : i32
      %dma_start3A_24 = tpu.memref_slice %arg5[%dma_start3A_22, %dma_start3A_23] : memref<10000x128xf32, #tpu.memory_space<hbm>> -> memref<10000x128xf32, #tpu.memory_space<hbm>>
      tpu.enqueue_indirect_dma source(%dma_start3A_24 : memref<10000x128xf32, #tpu.memory_space<hbm>>) target(%arg15 : memref<80x128xf32, #tpu.memory_space<vmem>>) offsets(%dma_start3A_21 : memref<80xi32, #tpu.memory_space<vmem>>) semaphore(%arg18 : memref<!tpu.dma_semaphore, #tpu.memory_space<semaphore_mem>>)
      %scan3A = arith.constant 0 : i32
      %scan3A_25 = arith.constant 63 : i32
      %scan3A_26 = arith.addi %scan3A, %scan3A_25 : i32
      %scan3A_27 = arith.constant 1 : i32
      scf.for %scan3A_35 = %scan3A to %scan3A_26 step %scan3A_27  : i32 {
        %mul3A_36 = arith.constant 2 : i32
        %mul3A_37 = arith.muli %mul3A_36, %scan3A_35 : i32
        %add3A_38 = arith.constant 1 : i32
        %add3A_39 = arith.addi %mul3A_37, %add3A_38 : i32
        %lt3A = arith.constant 125 : i32
        %lt3A_40 = arith.cmpi slt, %add3A_39, %lt3A : i32
        %convert_element_type3A_41 = arith.extui %lt3A_40 : i1 to i32
        %cond3A_42 = arith.constant 0 : i32
        %cond3A_43 = arith.cmpi ne, %convert_element_type3A_41, %cond3A_42 : i32
        scf.if %cond3A_43 {
          %add3A_65 = arith.constant 1 : i32
          %add3A_66 = arith.addi %mul3A_37, %add3A_65 : i32
          %mul3A_67 = arith.constant 80 : i32
          %mul3A_68 = arith.muli %add3A_66, %mul3A_67 : i32
          %dma_start3A_69 = tpu.memref_slice %arg13[%mul3A_68] : memref<10000xi32, #tpu.memory_space<vmem>> -> memref<80xi32, #tpu.memory_space<vmem>>
          %dma_start3A_70 = arith.constant 0 : i32
          %dma_start3A_71 = arith.constant 0 : i32
          %dma_start3A_72 = tpu.memref_slice %arg5[%dma_start3A_70, %dma_start3A_71] : memref<10000x128xf32, #tpu.memory_space<hbm>> -> memref<10000x128xf32, #tpu.memory_space<hbm>>
          tpu.enqueue_indirect_dma source(%dma_start3A_72 : memref<10000x128xf32, #tpu.memory_space<hbm>>) target(%arg16 : memref<80x128xf32, #tpu.memory_space<vmem>>) offsets(%dma_start3A_69 : memref<80xi32, #tpu.memory_space<vmem>>) semaphore(%arg19 : memref<!tpu.dma_semaphore, #tpu.memory_space<semaphore_mem>>)
        } else {
        }
        %mul3A_44 = arith.constant 80 : i32
        %mul3A_45 = arith.muli %mul3A_37, %mul3A_44 : i32
        %dma_wait3A = tpu.memref_slice %arg13[%mul3A_45] : memref<10000xi32, #tpu.memory_space<vmem>> -> memref<80xi32, #tpu.memory_space<vmem>>
        %dma_wait3A_46 = arith.constant 0 : i32
        %dma_wait3A_47 = arith.constant 0 : i32
        %dma_wait3A_48 = tpu.memref_slice %arg5[%dma_wait3A_46, %dma_wait3A_47] : memref<10000x128xf32, #tpu.memory_space<hbm>> -> memref<10000x128xf32, #tpu.memory_space<hbm>>
        tpu.wait_indirect_dma semaphore(%arg18 : memref<!tpu.dma_semaphore, #tpu.memory_space<semaphore_mem>>) src(%dma_wait3A_48 : memref<10000x128xf32, #tpu.memory_space<hbm>>) dst(%arg15 : memref<80x128xf32, #tpu.memory_space<vmem>>)
        %add3A_49 = arith.constant 0 : i32
        %add3A_50 = arith.addi %add3A_49, %mul3A_37 : i32
        "tpu.region"() ({
          %run_scoped3A = tpu.sem_alloc : memref<!tpu.dma_semaphore, #tpu.memory_space<semaphore_mem>>
          %dma_start3A_65 = arith.constant 0 : i32
          %dma_start3A_66 = tpu.memref_slice %arg14[%add3A_50, %dma_start3A_65] : memref<125x80xi32, #tpu.memory_space<vmem>> -> memref<1x80xi32, #tpu.memory_space<vmem>>
          %dma_start3A_67 = tpu.memref_squeeze %dma_start3A_66 : memref<1x80xi32, #tpu.memory_space<vmem>> -> memref<80xi32, #tpu.memory_space<vmem>>
          %dma_start3A_68 = arith.constant 0 : i32
          %dma_start3A_69 = arith.constant 0 : i32
          %dma_start3A_70 = tpu.memref_slice %arg17[%dma_start3A_68, %dma_start3A_69] : memref<10112x128xf32, #tpu.memory_space<vmem_shared>> -> memref<10112x128xf32, #tpu.memory_space<vmem_shared>>
          tpu.enqueue_indirect_dma source(%arg15 : memref<80x128xf32, #tpu.memory_space<vmem>>) target(%dma_start3A_70 : memref<10112x128xf32, #tpu.memory_space<vmem_shared>>) offsets(%dma_start3A_67 : memref<80xi32, #tpu.memory_space<vmem>>) semaphore(%run_scoped3A : memref<!tpu.dma_semaphore, #tpu.memory_space<semaphore_mem>>) {add = true}
          %dma_wait3A_71 = arith.constant 0 : i32
          %dma_wait3A_72 = tpu.memref_slice %arg14[%add3A_50, %dma_wait3A_71] : memref<125x80xi32, #tpu.memory_space<vmem>> -> memref<1x80xi32, #tpu.memory_space<vmem>>
          %dma_wait3A_73 = tpu.memref_squeeze %dma_wait3A_72 : memref<1x80xi32, #tpu.memory_space<vmem>> -> memref<80xi32, #tpu.memory_space<vmem>>
          %dma_wait3A_74 = arith.constant 0 : i32
          %dma_wait3A_75 = arith.constant 0 : i32
          %dma_wait3A_76 = tpu.memref_slice %arg17[%dma_wait3A_74, %dma_wait3A_75] : memref<10112x128xf32, #tpu.memory_space<vmem_shared>> -> memref<10112x128xf32, #tpu.memory_space<vmem_shared>>
          tpu.wait_indirect_dma semaphore(%run_scoped3A : memref<!tpu.dma_semaphore, #tpu.memory_space<semaphore_mem>>) src(%arg15 : memref<80x128xf32, #tpu.memory_space<vmem>>) dst(%dma_wait3A_76 : memref<10112x128xf32, #tpu.memory_space<vmem_shared>>)
          tpu.yield
        }) : () -> ()
        %add3A_51 = arith.constant 2 : i32
        %add3A_52 = arith.addi %mul3A_37, %add3A_51 : i32
        %lt3A_53 = arith.constant 125 : i32
        %lt3A_54 = arith.cmpi slt, %add3A_52, %lt3A_53 : i32
        %convert_element_type3A_55 = arith.extui %lt3A_54 : i1 to i32
        %cond3A_56 = arith.constant 0 : i32
        %cond3A_57 = arith.cmpi ne, %convert_element_type3A_55, %cond3A_56 : i32
        scf.if %cond3A_57 {
          %add3A_65 = arith.constant 2 : i32
          %add3A_66 = arith.addi %mul3A_37, %add3A_65 : i32
          %mul3A_67 = arith.constant 80 : i32
          %mul3A_68 = arith.muli %add3A_66, %mul3A_67 : i32
          %dma_start3A_69 = tpu.memref_slice %arg13[%mul3A_68] : memref<10000xi32, #tpu.memory_space<vmem>> -> memref<80xi32, #tpu.memory_space<vmem>>
          %dma_start3A_70 = arith.constant 0 : i32
          %dma_start3A_71 = arith.constant 0 : i32
          %dma_start3A_72 = tpu.memref_slice %arg5[%dma_start3A_70, %dma_start3A_71] : memref<10000x128xf32, #tpu.memory_space<hbm>> -> memref<10000x128xf32, #tpu.memory_space<hbm>>
          tpu.enqueue_indirect_dma source(%dma_start3A_72 : memref<10000x128xf32, #tpu.memory_space<hbm>>) target(%arg15 : memref<80x128xf32, #tpu.memory_space<vmem>>) offsets(%dma_start3A_69 : memref<80xi32, #tpu.memory_space<vmem>>) semaphore(%arg18 : memref<!tpu.dma_semaphore, #tpu.memory_space<semaphore_mem>>)
        } else {
        }
        %add3A_58 = arith.constant 1 : i32
        %add3A_59 = arith.addi %mul3A_37, %add3A_58 : i32
        %lt3A_60 = arith.constant 125 : i32
        %lt3A_61 = arith.cmpi slt, %add3A_59, %lt3A_60 : i32
        %convert_element_type3A_62 = arith.extui %lt3A_61 : i1 to i32
        %cond3A_63 = arith.constant 0 : i32
        %cond3A_64 = arith.cmpi ne, %convert_element_type3A_62, %cond3A_63 : i32
        scf.if %cond3A_64 {
          %add3A_65 = arith.constant 1 : i32
          %add3A_66 = arith.addi %mul3A_37, %add3A_65 : i32
          %mul3A_67 = arith.constant 80 : i32
          %mul3A_68 = arith.muli %add3A_66, %mul3A_67 : i32
          %dma_wait3A_69 = tpu.memref_slice %arg13[%mul3A_68] : memref<10000xi32, #tpu.memory_space<vmem>> -> memref<80xi32, #tpu.memory_space<vmem>>
          %dma_wait3A_70 = arith.constant 0 : i32
          %dma_wait3A_71 = arith.constant 0 : i32
          %dma_wait3A_72 = tpu.memref_slice %arg5[%dma_wait3A_70, %dma_wait3A_71] : memref<10000x128xf32, #tpu.memory_space<hbm>> -> memref<10000x128xf32, #tpu.memory_space<hbm>>
          tpu.wait_indirect_dma semaphore(%arg19 : memref<!tpu.dma_semaphore, #tpu.memory_space<semaphore_mem>>) src(%dma_wait3A_72 : memref<10000x128xf32, #tpu.memory_space<hbm>>) dst(%arg16 : memref<80x128xf32, #tpu.memory_space<vmem>>)
          %add3A_73 = arith.constant 0 : i32
          %add3A_74 = arith.addi %add3A_73, %mul3A_37 : i32
          %add3A_75 = arith.constant 1 : i32
          %add3A_76 = arith.addi %add3A_74, %add3A_75 : i32
          "tpu.region"() ({
            %run_scoped3A = tpu.sem_alloc : memref<!tpu.dma_semaphore, #tpu.memory_space<semaphore_mem>>
            %dma_start3A_77 = arith.constant 0 : i32
            %dma_start3A_78 = tpu.memref_slice %arg14[%add3A_76, %dma_start3A_77] : memref<125x80xi32, #tpu.memory_space<vmem>> -> memref<1x80xi32, #tpu.memory_space<vmem>>
            %dma_start3A_79 = tpu.memref_squeeze %dma_start3A_78 : memref<1x80xi32, #tpu.memory_space<vmem>> -> memref<80xi32, #tpu.memory_space<vmem>>
            %dma_start3A_80 = arith.constant 0 : i32
            %dma_start3A_81 = arith.constant 0 : i32
            %dma_start3A_82 = tpu.memref_slice %arg17[%dma_start3A_80, %dma_start3A_81] : memref<10112x128xf32, #tpu.memory_space<vmem_shared>> -> memref<10112x128xf32, #tpu.memory_space<vmem_shared>>
            tpu.enqueue_indirect_dma source(%arg16 : memref<80x128xf32, #tpu.memory_space<vmem>>) target(%dma_start3A_82 : memref<10112x128xf32, #tpu.memory_space<vmem_shared>>) offsets(%dma_start3A_79 : memref<80xi32, #tpu.memory_space<vmem>>) semaphore(%run_scoped3A : memref<!tpu.dma_semaphore, #tpu.memory_space<semaphore_mem>>) {add = true}
            %dma_wait3A_83 = arith.constant 0 : i32
            %dma_wait3A_84 = tpu.memref_slice %arg14[%add3A_76, %dma_wait3A_83] : memref<125x80xi32, #tpu.memory_space<vmem>> -> memref<1x80xi32, #tpu.memory_space<vmem>>
            %dma_wait3A_85 = tpu.memref_squeeze %dma_wait3A_84 : memref<1x80xi32, #tpu.memory_space<vmem>> -> memref<80xi32, #tpu.memory_space<vmem>>
            %dma_wait3A_86 = arith.constant 0 : i32
            %dma_wait3A_87 = arith.constant 0 : i32
            %dma_wait3A_88 = tpu.memref_slice %arg17[%dma_wait3A_86, %dma_wait3A_87] : memref<10112x128xf32, #tpu.memory_space<vmem_shared>> -> memref<10112x128xf32, #tpu.memory_space<vmem_shared>>
            tpu.wait_indirect_dma semaphore(%run_scoped3A : memref<!tpu.dma_semaphore, #tpu.memory_space<semaphore_mem>>) src(%arg16 : memref<80x128xf32, #tpu.memory_space<vmem>>) dst(%dma_wait3A_88 : memref<10112x128xf32, #tpu.memory_space<vmem_shared>>)
            tpu.yield
          }) : () -> ()
        } else {
        }
      }
      %scan3A_28 = arith.constant 63 : i32
      %barrier3A_29 = arith.constant 0 : index
      tpu.barrier barrier_id(%barrier3A_29)
      %mul3A_30 = arith.constant 632 : i32
      %mul3A_31 = arith.muli %arg1, %mul3A_30 : i32
      %mul3A_32 = arith.constant 632 : i32
      %mul3A_33 = arith.muli %arg1, %mul3A_32 : i32
      "tpu.region"() ({
        %run_scoped3A = tpu.sem_alloc : memref<!tpu.dma_semaphore, #tpu.memory_space<semaphore_mem>>
        %dma_start3A_35 = arith.constant 0 : i32
        %dma_start3A_36 = tpu.memref_slice %arg12[%mul3A_33, %dma_start3A_35] : memref<10112x128xf32, #tpu.memory_space<hbm>> -> memref<632x128xf32, #tpu.memory_space<hbm>>
        %dma_start3A_37 = arith.constant 0 : i32
        %dma_start3A_38 = tpu.memref_slice %arg17[%mul3A_31, %dma_start3A_37] : memref<10112x128xf32, #tpu.memory_space<vmem_shared>> -> memref<632x128xf32, #tpu.memory_space<vmem_shared>>
        tpu.enqueue_dma source(%dma_start3A_38 : memref<632x128xf32, #tpu.memory_space<vmem_shared>>) target(%dma_start3A_36 : memref<632x128xf32, #tpu.memory_space<hbm>>) target_semaphore(%run_scoped3A : memref<!tpu.dma_semaphore, #tpu.memory_space<semaphore_mem>>)
        %dma_wait3A = arith.constant 0 : i32
        %dma_wait3A_39 = tpu.memref_slice %arg12[%mul3A_33, %dma_wait3A] : memref<10112x128xf32, #tpu.memory_space<hbm>> -> memref<632x128xf32, #tpu.memory_space<hbm>>
        %dma_wait3A_40 = arith.constant 0 : i32
        %dma_wait3A_41 = tpu.memref_slice %arg17[%mul3A_31, %dma_wait3A_40] : memref<10112x128xf32, #tpu.memory_space<vmem_shared>> -> memref<632x128xf32, #tpu.memory_space<vmem_shared>>
        tpu.wait_dma2 semaphore(%run_scoped3A : memref<!tpu.dma_semaphore, #tpu.memory_space<semaphore_mem>>) src(%dma_wait3A_41 : memref<632x128xf32, #tpu.memory_space<vmem_shared>>) dst(%dma_wait3A_39 : memref<632x128xf32, #tpu.memory_space<hbm>>)
        tpu.yield
      }) : () -> ()
      %barrier3A_34 = arith.constant 0 : index
      tpu.barrier barrier_id(%barrier3A_34)
    } else {
    }
    return
  }
}

module attributes {stable_mosaic.version = 14 : i64} {
  func.func @_mm0_body(%arg0: i32, %arg1: memref<2000x256xf32, #tpu.memory_space<vmem>>, %arg2: memref<256x512xf32, #tpu.memory_space<vmem>>, %arg3: memref<2000x16xf32, #tpu.memory_space<vmem>>, %arg4: memref<2000x16xf32, #tpu.memory_space<vmem>>, %arg5: memref<2000x128xf32, #tpu.memory_space<vmem>>, %arg6: memref<2000x128xf32, #tpu.memory_space<vmem>>, %arg7: memref<2000x128xf32, #tpu.memory_space<vmem>>, %arg8: memref<2000x128xf32, #tpu.memory_space<vmem>>) attributes {dimension_semantics = [#tpu.dimension_semantics<arbitrary>], iteration_bounds = array<i64: 5>, scalar_prefetch = 0 : i64, scratch_operands = 0 : i64, tpu.core_type = #tpu.core_type<tc>, window_params = [{transform_indices = @transform_0, window_bounds = array<i64: 2000, 256>}, {pipeline_mode = #tpu.pipeline_mode<synchronous>, transform_indices = @transform_1, window_bounds = array<i64: 256, 512>}, {transform_indices = @transform_2, window_bounds = array<i64: 2000, 16>}, {transform_indices = @transform_3, window_bounds = array<i64: 2000, 16>}, {transform_indices = @transform_4, window_bounds = array<i64: 2000, 128>}, {transform_indices = @transform_5, window_bounds = array<i64: 2000, 128>}, {transform_indices = @transform_6, window_bounds = array<i64: 2000, 128>}, {transform_indices = @transform_7, window_bounds = array<i64: 2000, 128>}]} {
    %get3A = arith.constant 0 : index
    %get3A_0 = arith.constant 0 : index
    %get3A_1 = vector.load %arg3[%get3A, %get3A_0] : memref<2000x16xf32, #tpu.memory_space<vmem>>, vector<2000x16xf32>
    %get3A_2 = arith.constant 0 : index
    %get3A_3 = arith.constant 0 : index
    %get3A_4 = vector.load %arg4[%get3A_2, %get3A_3] : memref<2000x16xf32, #tpu.memory_space<vmem>>, vector<2000x16xf32>
    %slice3A = vector.extract_strided_slice %get3A_1 {offsets = [0, 0], sizes = [2000, 1], strides = [1, 1]} : vector<2000x16xf32> to vector<2000x1xf32>
    %squeeze3A = vector.shape_cast %slice3A : vector<2000x1xf32> to vector<2000xf32>
    %slice3A_5 = vector.extract_strided_slice %get3A_4 {offsets = [0, 0], sizes = [2000, 1], strides = [1, 1]} : vector<2000x16xf32> to vector<2000x1xf32>
    %squeeze3A_6 = vector.shape_cast %slice3A_5 : vector<2000x1xf32> to vector<2000xf32>
    %add3A = arith.addf %squeeze3A, %squeeze3A_6 : vector<2000xf32>
    %add3A_7 = arith.constant 1.000000e+00 : f32
    %add3A_8 = vector.broadcast %add3A_7 : f32 to vector<2000xf32>
    %add3A_9 = arith.addf %add3A, %add3A_8 : vector<2000xf32>
    %rsqrt3A = math.rsqrt %add3A_9 : vector<2000xf32>
    %broadcast_in_dim3A = vector.shape_cast %rsqrt3A : vector<2000xf32> to vector<2000x1xf32>
    %get3A_10 = arith.constant 0 : index
    %get3A_11 = arith.constant 0 : index
    %get3A_12 = vector.load %arg1[%get3A_10, %get3A_11] : memref<2000x256xf32, #tpu.memory_space<vmem>>, vector<2000x256xf32>
    %get3A_13 = arith.constant 0 : index
    %get3A_14 = arith.constant 0 : index
    %get3A_15 = vector.load %arg2[%get3A_13, %get3A_14] : memref<256x512xf32, #tpu.memory_space<vmem>>, vector<256x512xf32>
    %dot_general3A = arith.constant dense<0.000000e+00> : vector<2000x512xf32>
    %dot_general3A_16 = tpu.matmul %get3A_12, %get3A_15, %dot_general3A {dimension_numbers = #tpu.dot_dimension_numbers<[1], [0], [0], [1], [0, 0, 1, 1], [], []>, transpose_lhs_hint = false} : vector<2000x256xf32>, vector<256x512xf32>, vector<2000x512xf32> -> vector<2000x512xf32>
    %mul3A = vector.broadcast %broadcast_in_dim3A : vector<2000x1xf32> to vector<2000x512xf32>
    %mul3A_17 = arith.mulf %dot_general3A_16, %mul3A : vector<2000x512xf32>
    %slice3A_18 = vector.extract_strided_slice %mul3A_17 {offsets = [0, 0], sizes = [2000, 128], strides = [1, 1]} : vector<2000x512xf32> to vector<2000x128xf32>
    %swap3A = arith.constant 0 : index
    %swap3A_19 = arith.constant 0 : index
    %swap3A_20 = vector.load %arg5[%swap3A, %swap3A_19] : memref<2000x128xf32, #tpu.memory_space<vmem>>, vector<2000x128xf32>
    tpu.vector_store %arg5[%swap3A, %swap3A_19], %slice3A_18 {strides = array<i32>} : memref<2000x128xf32, #tpu.memory_space<vmem>>, vector<2000x128xf32>,
    %slice3A_21 = vector.extract_strided_slice %mul3A_17 {offsets = [0, 128], sizes = [2000, 128], strides = [1, 1]} : vector<2000x512xf32> to vector<2000x128xf32>
    %swap3A_22 = arith.constant 0 : index
    %swap3A_23 = arith.constant 0 : index
    %swap3A_24 = vector.load %arg6[%swap3A_22, %swap3A_23] : memref<2000x128xf32, #tpu.memory_space<vmem>>, vector<2000x128xf32>
    tpu.vector_store %arg6[%swap3A_22, %swap3A_23], %slice3A_21 {strides = array<i32>} : memref<2000x128xf32, #tpu.memory_space<vmem>>, vector<2000x128xf32>,
    %slice3A_25 = vector.extract_strided_slice %mul3A_17 {offsets = [0, 256], sizes = [2000, 128], strides = [1, 1]} : vector<2000x512xf32> to vector<2000x128xf32>
    %swap3A_26 = arith.constant 0 : index
    %swap3A_27 = arith.constant 0 : index
    %swap3A_28 = vector.load %arg7[%swap3A_26, %swap3A_27] : memref<2000x128xf32, #tpu.memory_space<vmem>>, vector<2000x128xf32>
    tpu.vector_store %arg7[%swap3A_26, %swap3A_27], %slice3A_25 {strides = array<i32>} : memref<2000x128xf32, #tpu.memory_space<vmem>>, vector<2000x128xf32>,
    %slice3A_29 = vector.extract_strided_slice %mul3A_17 {offsets = [0, 384], sizes = [2000, 128], strides = [1, 1]} : vector<2000x512xf32> to vector<2000x128xf32>
    %swap3A_30 = arith.constant 0 : index
    %swap3A_31 = arith.constant 0 : index
    %swap3A_32 = vector.load %arg8[%swap3A_30, %swap3A_31] : memref<2000x128xf32, #tpu.memory_space<vmem>>, vector<2000x128xf32>
    tpu.vector_store %arg8[%swap3A_30, %swap3A_31], %slice3A_29 {strides = array<i32>} : memref<2000x128xf32, #tpu.memory_space<vmem>>, vector<2000x128xf32>,
    return
  }
  func.func @transform_0(%arg0: i32) -> (i32, i32) {
    %c0_i32 = arith.constant 0 : i32
    %c0_i32_0 = arith.constant 0 : i32
    return %arg0, %c0_i32 : i32, i32
  }
  func.func @transform_1(%arg0: i32) -> (i32, i32) {
    %c0_i32 = arith.constant 0 : i32
    %c0_i32_0 = arith.constant 0 : i32
    %c0_i32_1 = arith.constant 0 : i32
    return %c0_i32, %c0_i32_0 : i32, i32
  }
  func.func @transform_2(%arg0: i32) -> (i32, i32) {
    %c0_i32 = arith.constant 0 : i32
    %c0_i32_0 = arith.constant 0 : i32
    return %arg0, %c0_i32 : i32, i32
  }
  func.func @transform_3(%arg0: i32) -> (i32, i32) {
    %c0_i32 = arith.constant 0 : i32
    %c0_i32_0 = arith.constant 0 : i32
    return %arg0, %c0_i32 : i32, i32
  }
  func.func @transform_4(%arg0: i32) -> (i32, i32) {
    %c0_i32 = arith.constant 0 : i32
    %c0_i32_0 = arith.constant 0 : i32
    return %arg0, %c0_i32 : i32, i32
  }
  func.func @transform_5(%arg0: i32) -> (i32, i32) {
    %c0_i32 = arith.constant 0 : i32
    %c0_i32_0 = arith.constant 0 : i32
    return %arg0, %c0_i32 : i32, i32
  }
  func.func @transform_6(%arg0: i32) -> (i32, i32) {
    %c0_i32 = arith.constant 0 : i32
    %c0_i32_0 = arith.constant 0 : i32
    return %arg0, %c0_i32 : i32, i32
  }
  func.func @transform_7(%arg0: i32) -> (i32, i32) {
    %c0_i32 = arith.constant 0 : i32
    %c0_i32_0 = arith.constant 0 : i32
    return %arg0, %c0_i32 : i32, i32
  }
}

module attributes {stable_mosaic.version = 14 : i64} {
  func.func @_mm1_body(%arg0: i32, %arg1: memref<2000x128xf32, #tpu.memory_space<vmem>>, %arg2: memref<2000x128xf32, #tpu.memory_space<vmem>>, %arg3: memref<2000x128xf32, #tpu.memory_space<vmem>>, %arg4: memref<2000x128xf32, #tpu.memory_space<vmem>>, %arg5: memref<2000x128xf32, #tpu.memory_space<vmem>>, %arg6: memref<2000x128xf32, #tpu.memory_space<vmem>>, %arg7: memref<2000x128xf32, #tpu.memory_space<vmem>>, %arg8: memref<2000x128xf32, #tpu.memory_space<vmem>>, %arg9: memref<2000x16xf32, #tpu.memory_space<vmem>>, %arg10: memref<2000x16xf32, #tpu.memory_space<vmem>>, %arg11: memref<1x512xf32, #tpu.memory_space<vmem>>, %arg12: memref<512x256xf32, #tpu.memory_space<vmem>>, %arg13: memref<2000x128xf32, #tpu.memory_space<vmem>>, %arg14: memref<2000x128xf32, #tpu.memory_space<vmem>>) attributes {dimension_semantics = [#tpu.dimension_semantics<arbitrary>], iteration_bounds = array<i64: 5>, scalar_prefetch = 0 : i64, scratch_operands = 0 : i64, tpu.core_type = #tpu.core_type<tc>, window_params = [{transform_indices = @transform_0, window_bounds = array<i64: 2000, 128>}, {transform_indices = @transform_1, window_bounds = array<i64: 2000, 128>}, {transform_indices = @transform_2, window_bounds = array<i64: 2000, 128>}, {transform_indices = @transform_3, window_bounds = array<i64: 2000, 128>}, {transform_indices = @transform_4, window_bounds = array<i64: 2000, 128>}, {transform_indices = @transform_5, window_bounds = array<i64: 2000, 128>}, {transform_indices = @transform_6, window_bounds = array<i64: 2000, 128>}, {transform_indices = @transform_7, window_bounds = array<i64: 2000, 128>}, {transform_indices = @transform_8, window_bounds = array<i64: 2000, 16>}, {transform_indices = @transform_9, window_bounds = array<i64: 2000, 16>}, {pipeline_mode = #tpu.pipeline_mode<synchronous>, transform_indices = @transform_10, window_bounds = array<i64: 1, 512>}, {pipeline_mode = #tpu.pipeline_mode<synchronous>, transform_indices = @transform_11, window_bounds = array<i64: 512, 256>}, {transform_indices = @transform_12, window_bounds = array<i64: 2000, 128>}, {transform_indices = @transform_13, window_bounds = array<i64: 2000, 128>}]} {
    %get3A = arith.constant 0 : index
    %get3A_0 = arith.constant 0 : index
    %get3A_1 = vector.load %arg9[%get3A, %get3A_0] : memref<2000x16xf32, #tpu.memory_space<vmem>>, vector<2000x16xf32>
    %get3A_2 = arith.constant 0 : index
    %get3A_3 = arith.constant 0 : index
    %get3A_4 = vector.load %arg10[%get3A_2, %get3A_3] : memref<2000x16xf32, #tpu.memory_space<vmem>>, vector<2000x16xf32>
    %slice3A = vector.extract_strided_slice %get3A_1 {offsets = [0, 0], sizes = [2000, 1], strides = [1, 1]} : vector<2000x16xf32> to vector<2000x1xf32>
    %squeeze3A = vector.shape_cast %slice3A : vector<2000x1xf32> to vector<2000xf32>
    %slice3A_5 = vector.extract_strided_slice %get3A_4 {offsets = [0, 0], sizes = [2000, 1], strides = [1, 1]} : vector<2000x16xf32> to vector<2000x1xf32>
    %squeeze3A_6 = vector.shape_cast %slice3A_5 : vector<2000x1xf32> to vector<2000xf32>
    %add3A = arith.addf %squeeze3A, %squeeze3A_6 : vector<2000xf32>
    %add3A_7 = arith.constant 1.000000e+00 : f32
    %add3A_8 = vector.broadcast %add3A_7 : f32 to vector<2000xf32>
    %add3A_9 = arith.addf %add3A, %add3A_8 : vector<2000xf32>
    %rsqrt3A = math.rsqrt %add3A_9 : vector<2000xf32>
    %broadcast_in_dim3A = vector.shape_cast %rsqrt3A : vector<2000xf32> to vector<2000x1xf32>
    %get3A_10 = arith.constant 0 : index
    %get3A_11 = arith.constant 0 : index
    %get3A_12 = vector.load %arg11[%get3A_10, %get3A_11] : memref<1x512xf32, #tpu.memory_space<vmem>>, vector<1x512xf32>
    %get3A_13 = arith.constant 0 : index
    %get3A_14 = arith.constant 0 : index
    %get3A_15 = vector.load %arg1[%get3A_13, %get3A_14] : memref<2000x128xf32, #tpu.memory_space<vmem>>, vector<2000x128xf32>
    %get3A_16 = arith.constant 0 : index
    %get3A_17 = arith.constant 0 : index
    %get3A_18 = vector.load %arg5[%get3A_16, %get3A_17] : memref<2000x128xf32, #tpu.memory_space<vmem>>, vector<2000x128xf32>
    %add3A_19 = arith.addf %get3A_15, %get3A_18 : vector<2000x128xf32>
    %mul3A = vector.broadcast %broadcast_in_dim3A : vector<2000x1xf32> to vector<2000x128xf32>
    %mul3A_20 = arith.mulf %mul3A, %add3A_19 : vector<2000x128xf32>
    %slice3A_21 = vector.extract_strided_slice %get3A_12 {offsets = [0, 0], sizes = [1, 128], strides = [1, 1]} : vector<1x512xf32> to vector<1x128xf32>
    %add3A_22 = vector.broadcast %slice3A_21 : vector<1x128xf32> to vector<2000x128xf32>
    %add3A_23 = arith.addf %mul3A_20, %add3A_22 : vector<2000x128xf32>
    %max3A = arith.constant 0.000000e+00 : f32
    %max3A_24 = vector.broadcast %max3A : f32 to vector<2000x128xf32>
    %max3A_25 = arith.maximumf %add3A_23, %max3A_24 : vector<2000x128xf32>
    %get3A_26 = arith.constant 0 : index
    %get3A_27 = arith.constant 0 : index
    %get3A_28 = vector.load %arg2[%get3A_26, %get3A_27] : memref<2000x128xf32, #tpu.memory_space<vmem>>, vector<2000x128xf32>
    %get3A_29 = arith.constant 0 : index
    %get3A_30 = arith.constant 0 : index
    %get3A_31 = vector.load %arg6[%get3A_29, %get3A_30] : memref<2000x128xf32, #tpu.memory_space<vmem>>, vector<2000x128xf32>
    %add3A_32 = arith.addf %get3A_28, %get3A_31 : vector<2000x128xf32>
    %mul3A_33 = vector.broadcast %broadcast_in_dim3A : vector<2000x1xf32> to vector<2000x128xf32>
    %mul3A_34 = arith.mulf %mul3A_33, %add3A_32 : vector<2000x128xf32>
    %slice3A_35 = vector.extract_strided_slice %get3A_12 {offsets = [0, 128], sizes = [1, 128], strides = [1, 1]} : vector<1x512xf32> to vector<1x128xf32>
    %add3A_36 = vector.broadcast %slice3A_35 : vector<1x128xf32> to vector<2000x128xf32>
    %add3A_37 = arith.addf %mul3A_34, %add3A_36 : vector<2000x128xf32>
    %max3A_38 = arith.constant 0.000000e+00 : f32
    %max3A_39 = vector.broadcast %max3A_38 : f32 to vector<2000x128xf32>
    %max3A_40 = arith.maximumf %add3A_37, %max3A_39 : vector<2000x128xf32>
    %get3A_41 = arith.constant 0 : index
    %get3A_42 = arith.constant 0 : index
    %get3A_43 = vector.load %arg3[%get3A_41, %get3A_42] : memref<2000x128xf32, #tpu.memory_space<vmem>>, vector<2000x128xf32>
    %get3A_44 = arith.constant 0 : index
    %get3A_45 = arith.constant 0 : index
    %get3A_46 = vector.load %arg7[%get3A_44, %get3A_45] : memref<2000x128xf32, #tpu.memory_space<vmem>>, vector<2000x128xf32>
    %add3A_47 = arith.addf %get3A_43, %get3A_46 : vector<2000x128xf32>
    %mul3A_48 = vector.broadcast %broadcast_in_dim3A : vector<2000x1xf32> to vector<2000x128xf32>
    %mul3A_49 = arith.mulf %mul3A_48, %add3A_47 : vector<2000x128xf32>
    %slice3A_50 = vector.extract_strided_slice %get3A_12 {offsets = [0, 256], sizes = [1, 128], strides = [1, 1]} : vector<1x512xf32> to vector<1x128xf32>
    %add3A_51 = vector.broadcast %slice3A_50 : vector<1x128xf32> to vector<2000x128xf32>
    %add3A_52 = arith.addf %mul3A_49, %add3A_51 : vector<2000x128xf32>
    %max3A_53 = arith.constant 0.000000e+00 : f32
    %max3A_54 = vector.broadcast %max3A_53 : f32 to vector<2000x128xf32>
    %max3A_55 = arith.maximumf %add3A_52, %max3A_54 : vector<2000x128xf32>
    %get3A_56 = arith.constant 0 : index
    %get3A_57 = arith.constant 0 : index
    %get3A_58 = vector.load %arg4[%get3A_56, %get3A_57] : memref<2000x128xf32, #tpu.memory_space<vmem>>, vector<2000x128xf32>
    %get3A_59 = arith.constant 0 : index
    %get3A_60 = arith.constant 0 : index
    %get3A_61 = vector.load %arg8[%get3A_59, %get3A_60] : memref<2000x128xf32, #tpu.memory_space<vmem>>, vector<2000x128xf32>
    %add3A_62 = arith.addf %get3A_58, %get3A_61 : vector<2000x128xf32>
    %mul3A_63 = vector.broadcast %broadcast_in_dim3A : vector<2000x1xf32> to vector<2000x128xf32>
    %mul3A_64 = arith.mulf %mul3A_63, %add3A_62 : vector<2000x128xf32>
    %slice3A_65 = vector.extract_strided_slice %get3A_12 {offsets = [0, 384], sizes = [1, 128], strides = [1, 1]} : vector<1x512xf32> to vector<1x128xf32>
    %add3A_66 = vector.broadcast %slice3A_65 : vector<1x128xf32> to vector<2000x128xf32>
    %add3A_67 = arith.addf %mul3A_64, %add3A_66 : vector<2000x128xf32>
    %max3A_68 = arith.constant 0.000000e+00 : f32
    %max3A_69 = vector.broadcast %max3A_68 : f32 to vector<2000x128xf32>
    %max3A_70 = arith.maximumf %add3A_67, %max3A_69 : vector<2000x128xf32>
    %concatenate3A = tpu.concatenate %max3A_25, %max3A_40, %max3A_55, %max3A_70 in 1 : vector<2000x128xf32>, vector<2000x128xf32>, vector<2000x128xf32>, vector<2000x128xf32> -> vector<2000x512xf32>
    %get3A_71 = arith.constant 0 : index
    %get3A_72 = arith.constant 0 : index
    %get3A_73 = vector.load %arg12[%get3A_71, %get3A_72] : memref<512x256xf32, #tpu.memory_space<vmem>>, vector<512x256xf32>
    %dot_general3A = arith.constant dense<0.000000e+00> : vector<2000x256xf32>
    %dot_general3A_74 = tpu.matmul %concatenate3A, %get3A_73, %dot_general3A {dimension_numbers = #tpu.dot_dimension_numbers<[1], [0], [0], [1], [0, 0, 1, 1], [], []>, transpose_lhs_hint = false} : vector<2000x512xf32>, vector<512x256xf32>, vector<2000x256xf32> -> vector<2000x256xf32>
    %mul3A_75 = vector.broadcast %broadcast_in_dim3A : vector<2000x1xf32> to vector<2000x256xf32>
    %mul3A_76 = arith.mulf %dot_general3A_74, %mul3A_75 : vector<2000x256xf32>
    %slice3A_77 = vector.extract_strided_slice %mul3A_76 {offsets = [0, 0], sizes = [2000, 128], strides = [1, 1]} : vector<2000x256xf32> to vector<2000x128xf32>
    %swap3A = arith.constant 0 : index
    %swap3A_78 = arith.constant 0 : index
    %swap3A_79 = vector.load %arg13[%swap3A, %swap3A_78] : memref<2000x128xf32, #tpu.memory_space<vmem>>, vector<2000x128xf32>
    tpu.vector_store %arg13[%swap3A, %swap3A_78], %slice3A_77 {strides = array<i32>} : memref<2000x128xf32, #tpu.memory_space<vmem>>, vector<2000x128xf32>,
    %slice3A_80 = vector.extract_strided_slice %mul3A_76 {offsets = [0, 128], sizes = [2000, 128], strides = [1, 1]} : vector<2000x256xf32> to vector<2000x128xf32>
    %swap3A_81 = arith.constant 0 : index
    %swap3A_82 = arith.constant 0 : index
    %swap3A_83 = vector.load %arg14[%swap3A_81, %swap3A_82] : memref<2000x128xf32, #tpu.memory_space<vmem>>, vector<2000x128xf32>
    tpu.vector_store %arg14[%swap3A_81, %swap3A_82], %slice3A_80 {strides = array<i32>} : memref<2000x128xf32, #tpu.memory_space<vmem>>, vector<2000x128xf32>,
    return
  }
  func.func @transform_0(%arg0: i32) -> (i32, i32) {
    %c0_i32 = arith.constant 0 : i32
    %c0_i32_0 = arith.constant 0 : i32
    return %arg0, %c0_i32 : i32, i32
  }
  func.func @transform_1(%arg0: i32) -> (i32, i32) {
    %c0_i32 = arith.constant 0 : i32
    %c0_i32_0 = arith.constant 0 : i32
    return %arg0, %c0_i32 : i32, i32
  }
  func.func @transform_2(%arg0: i32) -> (i32, i32) {
    %c0_i32 = arith.constant 0 : i32
    %c0_i32_0 = arith.constant 0 : i32
    return %arg0, %c0_i32 : i32, i32
  }
  func.func @transform_3(%arg0: i32) -> (i32, i32) {
    %c0_i32 = arith.constant 0 : i32
    %c0_i32_0 = arith.constant 0 : i32
    return %arg0, %c0_i32 : i32, i32
  }
  func.func @transform_4(%arg0: i32) -> (i32, i32) {
    %c0_i32 = arith.constant 0 : i32
    %c0_i32_0 = arith.constant 0 : i32
    return %arg0, %c0_i32 : i32, i32
  }
  func.func @transform_5(%arg0: i32) -> (i32, i32) {
    %c0_i32 = arith.constant 0 : i32
    %c0_i32_0 = arith.constant 0 : i32
    return %arg0, %c0_i32 : i32, i32
  }
  func.func @transform_6(%arg0: i32) -> (i32, i32) {
    %c0_i32 = arith.constant 0 : i32
    %c0_i32_0 = arith.constant 0 : i32
    return %arg0, %c0_i32 : i32, i32
  }
  func.func @transform_7(%arg0: i32) -> (i32, i32) {
    %c0_i32 = arith.constant 0 : i32
    %c0_i32_0 = arith.constant 0 : i32
    return %arg0, %c0_i32 : i32, i32
  }
  func.func @transform_8(%arg0: i32) -> (i32, i32) {
    %c0_i32 = arith.constant 0 : i32
    %c0_i32_0 = arith.constant 0 : i32
    return %arg0, %c0_i32 : i32, i32
  }
  func.func @transform_9(%arg0: i32) -> (i32, i32) {
    %c0_i32 = arith.constant 0 : i32
    %c0_i32_0 = arith.constant 0 : i32
    return %arg0, %c0_i32 : i32, i32
  }
  func.func @transform_10(%arg0: i32) -> (i32, i32) {
    %c0_i32 = arith.constant 0 : i32
    %c0_i32_0 = arith.constant 0 : i32
    %c0_i32_1 = arith.constant 0 : i32
    return %c0_i32, %c0_i32_0 : i32, i32
  }
  func.func @transform_11(%arg0: i32) -> (i32, i32) {
    %c0_i32 = arith.constant 0 : i32
    %c0_i32_0 = arith.constant 0 : i32
    %c0_i32_1 = arith.constant 0 : i32
    return %c0_i32, %c0_i32_0 : i32, i32
  }
  func.func @transform_12(%arg0: i32) -> (i32, i32) {
    %c0_i32 = arith.constant 0 : i32
    %c0_i32_0 = arith.constant 0 : i32
    return %arg0, %c0_i32 : i32, i32
  }
  func.func @transform_13(%arg0: i32) -> (i32, i32) {
    %c0_i32 = arith.constant 0 : i32
    %c0_i32_0 = arith.constant 0 : i32
    return %arg0, %c0_i32 : i32, i32
  }
}

module attributes {stable_mosaic.version = 14 : i64} {
  func.func @_fin_body(%arg0: i32, %arg1: memref<2000x128xf32, #tpu.memory_space<vmem>>, %arg2: memref<2000x128xf32, #tpu.memory_space<vmem>>, %arg3: memref<2000x128xf32, #tpu.memory_space<vmem>>, %arg4: memref<2000x128xf32, #tpu.memory_space<vmem>>, %arg5: memref<2000x16xf32, #tpu.memory_space<vmem>>, %arg6: memref<2000x16xf32, #tpu.memory_space<vmem>>, %arg7: memref<1x256xf32, #tpu.memory_space<vmem>>, %arg8: memref<2000x256xf32, #tpu.memory_space<vmem>>) attributes {dimension_semantics = [#tpu.dimension_semantics<arbitrary>], iteration_bounds = array<i64: 5>, scalar_prefetch = 0 : i64, scratch_operands = 0 : i64, tpu.core_type = #tpu.core_type<tc>, window_params = [{transform_indices = @transform_0, window_bounds = array<i64: 2000, 128>}, {transform_indices = @transform_1, window_bounds = array<i64: 2000, 128>}, {transform_indices = @transform_2, window_bounds = array<i64: 2000, 128>}, {transform_indices = @transform_3, window_bounds = array<i64: 2000, 128>}, {transform_indices = @transform_4, window_bounds = array<i64: 2000, 16>}, {transform_indices = @transform_5, window_bounds = array<i64: 2000, 16>}, {pipeline_mode = #tpu.pipeline_mode<synchronous>, transform_indices = @transform_6, window_bounds = array<i64: 1, 256>}, {transform_indices = @transform_7, window_bounds = array<i64: 2000, 256>}]} {
    %get3A = arith.constant 0 : index
    %get3A_0 = arith.constant 0 : index
    %get3A_1 = vector.load %arg5[%get3A, %get3A_0] : memref<2000x16xf32, #tpu.memory_space<vmem>>, vector<2000x16xf32>
    %get3A_2 = arith.constant 0 : index
    %get3A_3 = arith.constant 0 : index
    %get3A_4 = vector.load %arg6[%get3A_2, %get3A_3] : memref<2000x16xf32, #tpu.memory_space<vmem>>, vector<2000x16xf32>
    %slice3A = vector.extract_strided_slice %get3A_1 {offsets = [0, 0], sizes = [2000, 1], strides = [1, 1]} : vector<2000x16xf32> to vector<2000x1xf32>
    %squeeze3A = vector.shape_cast %slice3A : vector<2000x1xf32> to vector<2000xf32>
    %slice3A_5 = vector.extract_strided_slice %get3A_4 {offsets = [0, 0], sizes = [2000, 1], strides = [1, 1]} : vector<2000x16xf32> to vector<2000x1xf32>
    %squeeze3A_6 = vector.shape_cast %slice3A_5 : vector<2000x1xf32> to vector<2000xf32>
    %add3A = arith.addf %squeeze3A, %squeeze3A_6 : vector<2000xf32>
    %add3A_7 = arith.constant 1.000000e+00 : f32
    %add3A_8 = vector.broadcast %add3A_7 : f32 to vector<2000xf32>
    %add3A_9 = arith.addf %add3A, %add3A_8 : vector<2000xf32>
    %rsqrt3A = math.rsqrt %add3A_9 : vector<2000xf32>
    %broadcast_in_dim3A = vector.shape_cast %rsqrt3A : vector<2000xf32> to vector<2000x1xf32>
    %get3A_10 = arith.constant 0 : index
    %get3A_11 = arith.constant 0 : index
    %get3A_12 = vector.load %arg7[%get3A_10, %get3A_11] : memref<1x256xf32, #tpu.memory_space<vmem>>, vector<1x256xf32>
    %get3A_13 = arith.constant 0 : index
    %get3A_14 = arith.constant 0 : index
    %get3A_15 = vector.load %arg1[%get3A_13, %get3A_14] : memref<2000x128xf32, #tpu.memory_space<vmem>>, vector<2000x128xf32>
    %get3A_16 = arith.constant 0 : index
    %get3A_17 = arith.constant 0 : index
    %get3A_18 = vector.load %arg3[%get3A_16, %get3A_17] : memref<2000x128xf32, #tpu.memory_space<vmem>>, vector<2000x128xf32>
    %add3A_19 = arith.addf %get3A_15, %get3A_18 : vector<2000x128xf32>
    %mul3A = vector.broadcast %broadcast_in_dim3A : vector<2000x1xf32> to vector<2000x128xf32>
    %mul3A_20 = arith.mulf %mul3A, %add3A_19 : vector<2000x128xf32>
    %slice3A_21 = vector.extract_strided_slice %get3A_12 {offsets = [0, 0], sizes = [1, 128], strides = [1, 1]} : vector<1x256xf32> to vector<1x128xf32>
    %add3A_22 = vector.broadcast %slice3A_21 : vector<1x128xf32> to vector<2000x128xf32>
    %add3A_23 = arith.addf %mul3A_20, %add3A_22 : vector<2000x128xf32>
    %max3A = arith.constant 0.000000e+00 : f32
    %max3A_24 = vector.broadcast %max3A : f32 to vector<2000x128xf32>
    %max3A_25 = arith.maximumf %add3A_23, %max3A_24 : vector<2000x128xf32>
    %get3A_26 = arith.constant 0 : index
    %get3A_27 = arith.constant 0 : index
    %get3A_28 = vector.load %arg2[%get3A_26, %get3A_27] : memref<2000x128xf32, #tpu.memory_space<vmem>>, vector<2000x128xf32>
    %get3A_29 = arith.constant 0 : index
    %get3A_30 = arith.constant 0 : index
    %get3A_31 = vector.load %arg4[%get3A_29, %get3A_30] : memref<2000x128xf32, #tpu.memory_space<vmem>>, vector<2000x128xf32>
    %add3A_32 = arith.addf %get3A_28, %get3A_31 : vector<2000x128xf32>
    %mul3A_33 = vector.broadcast %broadcast_in_dim3A : vector<2000x1xf32> to vector<2000x128xf32>
    %mul3A_34 = arith.mulf %mul3A_33, %add3A_32 : vector<2000x128xf32>
    %slice3A_35 = vector.extract_strided_slice %get3A_12 {offsets = [0, 128], sizes = [1, 128], strides = [1, 1]} : vector<1x256xf32> to vector<1x128xf32>
    %add3A_36 = vector.broadcast %slice3A_35 : vector<1x128xf32> to vector<2000x128xf32>
    %add3A_37 = arith.addf %mul3A_34, %add3A_36 : vector<2000x128xf32>
    %max3A_38 = arith.constant 0.000000e+00 : f32
    %max3A_39 = vector.broadcast %max3A_38 : f32 to vector<2000x128xf32>
    %max3A_40 = arith.maximumf %add3A_37, %max3A_39 : vector<2000x128xf32>
    %concatenate3A = tpu.concatenate %max3A_25, %max3A_40 in 1 : vector<2000x128xf32>, vector<2000x128xf32> -> vector<2000x256xf32>
    %swap3A = arith.constant 0 : index
    %swap3A_41 = arith.constant 0 : index
    %swap3A_42 = vector.load %arg8[%swap3A, %swap3A_41] : memref<2000x256xf32, #tpu.memory_space<vmem>>, vector<2000x256xf32>
    tpu.vector_store %arg8[%swap3A, %swap3A_41], %concatenate3A {strides = array<i32>} : memref<2000x256xf32, #tpu.memory_space<vmem>>, vector<2000x256xf32>,
    return
  }
  func.func @transform_0(%arg0: i32) -> (i32, i32) {
    %c0_i32 = arith.constant 0 : i32
    %c0_i32_0 = arith.constant 0 : i32
    return %arg0, %c0_i32 : i32, i32
  }
  func.func @transform_1(%arg0: i32) -> (i32, i32) {
    %c0_i32 = arith.constant 0 : i32
    %c0_i32_0 = arith.constant 0 : i32
    return %arg0, %c0_i32 : i32, i32
  }
  func.func @transform_2(%arg0: i32) -> (i32, i32) {
    %c0_i32 = arith.constant 0 : i32
    %c0_i32_0 = arith.constant 0 : i32
    return %arg0, %c0_i32 : i32, i32
  }
  func.func @transform_3(%arg0: i32) -> (i32, i32) {
    %c0_i32 = arith.constant 0 : i32
    %c0_i32_0 = arith.constant 0 : i32
    return %arg0, %c0_i32 : i32, i32
  }
  func.func @transform_4(%arg0: i32) -> (i32, i32) {
    %c0_i32 = arith.constant 0 : i32
    %c0_i32_0 = arith.constant 0 : i32
    return %arg0, %c0_i32 : i32, i32
  }
  func.func @transform_5(%arg0: i32) -> (i32, i32) {
    %c0_i32 = arith.constant 0 : i32
    %c0_i32_0 = arith.constant 0 : i32
    return %arg0, %c0_i32 : i32, i32
  }
  func.func @transform_6(%arg0: i32) -> (i32, i32) {
    %c0_i32 = arith.constant 0 : i32
    %c0_i32_0 = arith.constant 0 : i32
    %c0_i32_1 = arith.constant 0 : i32
    return %c0_i32, %c0_i32_0 : i32, i32
  }
  func.func @transform_7(%arg0: i32) -> (i32, i32) {
    %c0_i32 = arith.constant 0 : i32
    %c0_i32_0 = arith.constant 0 : i32
    return %arg0, %c0_i32 : i32, i32
  }
}

</mosaic_0001>

<sc_bundles>
// kernel: kernel.11.cloned.1.call-start
scs
__scs_entry_jumppad:
0x0: {  	(pc) =	sbr.rel $0x88, $3  }
0x1: {  	(tag) =	ssettag $0x0;
	lr =	simm.s32 $0x1  }
0x2: {  	[smem:$0x3F9B] =	sst lr;
	_ =	strace $0xD0000000  }
0x3: {  	_ = 	snop  }
0x4: {  	_ = 	snop  }
0x5: {  	_ = 	snop  }
0x6: {  	_ = 	snop  }
0x7: {  	_ = 	snop  }
__scs_overlays_trampoline_lowered:
0x8: {  	[smem:$0x3FAA] =	sst s0  }
0x9: {  	[smem:$0x3FAB] =	sst s1  }
0xa: {  	[smem:$0x3FAC] =	sst s2  }
0xb: {  	[smem:$0x3FAD] =	sst s3  }
0xc: {  	[smem:$0x3FAE] =	sst s4  }
0xd: {  	[smem:$0x3FAF] =	sst s5  }
0xe: {  	[smem:$0x3FB0] =	sst s6  }
0xf: {  	[smem:$0x3FB1] =	sst s7  }
0x10: {  	[smem:$0x3FB2] =	sst s8  }
0x11: {  	[smem:$0x3FB3] =	sst s9;
	s0 =	simm.s32 @!p0 $0x0  }
0x12: {  	s1 =	sld [smem:$0x3F99];
	s0 =	simm.s32 @p0 $0x1  }
0x13: {  	[smem:$0x3FB4] =	sst s0;
	s0 =	simm.s32 @!p1 $0x0  }
0x14: {  	s2 =	sld [smem:$0x3F98];
	s0 =	simm.s32 @p1 $0x1  }
0x15: {  	[smem:$0x3FB5] =	sst s0;
	s0 =	simm.s32 @!p2 $0x0  }
0x16: {  	s3 =	sld [smem:$0x3FDB];
	s0 =	simm.s32 @p2 $0x1  }
0x17: {  	s4 =	simm.s32 $0x1BF5;
	[smem:$0x3FB7] =	sst s0  }
0x18: {  	s0 =	sld [smem:$0x3F9A];
	_ =	swait.ge [sflag:s4], $0x0  }
0x19: {  	s7 =	sld [smem:$0x3F9B]  }
0x1a: {  	s8 =	sadd.s32 $0xFFFFE003, lr  }
0x1b: {  	s9 =	sadd.s32 $0xFFFFFEF7, lr;
	s5 =	simm.s32 $0xFFFFFFFF;
	p2 =	slt.u32 s8, $0xFFFFF086  }
0x1c: {  	p1 =	slt.u32 s9, $0xF7A;
	s5 =	simm.s32 @!p2 $0x0  }
0x1d: {  	s5 =	simm.s32 @p1 $0x1;
	p0 =	seq.s32 s7, s2  }
0x1e: {  	s7 =	smul.u32 @!p0 $0xF7A, s2;
	p2 =	seq.s32 @!p0 s5, $0x0  }
0x1f: {  	s9 =	smul.u32 $0xF7A, s1;
	s8 =	simm.s32 @!p0 $0x1BF5;
	p2 =	por !p2, p0  }
0x20: {  	[sflag:s8] =	ssyncset.s32 @!p0 $0xFFFFF086;
	s6 =	sadd.s32 @!p0 s3, s7;
	s7 =	simm.s32 @!p0 $0x108  }
0x21: {  	s3 =	sadd.s32 s3, s9;
	s6 =	sadd.s32 @!p0 $0x88, s6;
	s7 =	simm.s32 @p2 $0x1082  }
0x22: {  	[simem:s7], [sflag:s8] =	dma.local @!p0 [hbm:s6], $0xF7A  }
0x23: {  	s9 =	sor.u32 $0xD0000000, s2;
	s6 =	simm.s32 $0x108;
	_ =	swait.ge @!p0 [sflag:s8], $0x0  }
0x24: {  	s3 =	sadd.s32 $0x88, s3;
	s6 =	simm.s32 @!p1 $0x1082;
	[sflag:s4] =	ssyncset.s32 $0xFFFFF086  }
0x25: {  	[simem:s6], [sflag:s4] =	dma.local [hbm:s3], $0xF7A  }
0x26: {  	[smem:$0x3F9B] =	sst s1;
	(tag) =	ssettag s2;
	_ =	strace s9  }
0x27: {  	s1 =	sld [smem:$0x3FAB]  }
0x28: {  	s2 =	sld [smem:$0x3FAC]  }
0x29: {  	s4 =	sld [smem:$0x3FAE]  }
0x2a: {  	p0 =	seq.s32 s5, $0x0;
	s5 =	sld [smem:$0x3FAF]  }
0x2b: {  	s6 =	sld [smem:$0x3FB0]  }
0x2c: {  	s7 =	sld [smem:$0x3FB1]  }
0x2d: {  	s3 =	simm.s32 $0x108;
	s8 =	sld [smem:$0x3FB2]  }
0x2e: {  	s3 =	simm.s32 @!p0 $0x1082;
	s9 =	sld [smem:$0x3FB3]  }
0x2f: {  	lr =	sadd.s32 s0, s3;
	s0 =	sld [smem:$0x3FAA]  }
0x30: {  	s3 =	sld [smem:$0x3FAD]  }
0x31: {  	[smem:$0x3FB6] =	sst s10  }
0x32: {  	s10 =	sld [smem:$0x3FB4];
	_ =	sdelay $0x3  }
0x33: {  	p0 =	seq.s32 s10, $0x1;
	s10 =	sld [smem:$0x3FB6];
	_ =	sdelay $0x3  }
0x34: {  	[smem:$0x3FB6] =	sst s10  }
0x35: {  	s10 =	sld [smem:$0x3FB5];
	_ =	sdelay $0x3  }
0x36: {  	p1 =	seq.s32 s10, $0x1;
	s10 =	sld [smem:$0x3FB6];
	_ =	sdelay $0x3  }
0x37: {  	[smem:$0x3FB6] =	sst s10  }
0x38: {  	s10 =	sld [smem:$0x3FB7]  }
0x39: {  	_ = 	snop;
	(pc) =	sbr.ind lr, $3  }
0x3a: {  	_ = 	snop  }
0x3b: {  	_ = 	snop  }
0x3c: {  	p2 =	seq.s32 s10, $0x1;
	s10 =	sld [smem:$0x3FB6]  }
0x3d: {  	_ =	shalt  }
0x3e: {  	_ =	shalt  }
0x3f: {  	_ =	shalt  }
0x40: {  	_ =	shalt  }
0x41: {  	_ =	shalt  }
0x42: {  	_ =	shalt  }
0x43: {  	_ =	shalt  }
0x44: {  	_ =	shalt  }
0x45: {  	_ =	shalt  }
0x46: {  	_ =	shalt  }
0x47: {  	_ =	shalt  }
0x48: {  	_ =	shalt  }
0x49: {  	_ =	shalt  }
0x4a: {  	_ =	shalt  }
0x4b: {  	_ =	shalt  }
0x4c: {  	_ =	shalt  }
0x4d: {  	_ =	shalt  }
0x4e: {  	_ =	shalt  }
0x4f: {  	_ =	shalt  }
0x50: {  	_ =	shalt  }
0x51: {  	_ =	shalt  }
0x52: {  	_ =	shalt  }
0x53: {  	_ =	shalt  }
0x54: {  	_ =	shalt  }
0x55: {  	_ =	shalt  }
0x56: {  	_ =	shalt  }
0x57: {  	_ =	shalt  }
0x58: {  	_ =	shalt  }
0x59: {  	_ =	shalt  }
0x5a: {  	_ =	shalt  }
0x5b: {  	_ =	shalt  }
0x5c: {  	_ =	shalt  }
0x5d: {  	_ =	shalt  }
0x5e: {  	_ =	shalt  }
0x5f: {  	_ =	shalt  }
0x60: {  	_ =	shalt  }
0x61: {  	_ =	shalt  }
0x62: {  	_ =	shalt  }
0x63: {  	_ =	shalt  }
0x64: {  	_ =	shalt  }
0x65: {  	_ =	shalt  }
0x66: {  	_ =	shalt  }
0x67: {  	_ =	shalt  }
0x68: {  	_ =	shalt  }
0x69: {  	_ =	shalt  }
0x6a: {  	_ =	shalt  }
0x6b: {  	_ =	shalt  }
0x6c: {  	_ =	shalt  }
0x6d: {  	_ =	shalt  }
0x6e: {  	_ =	shalt  }
0x6f: {  	_ =	shalt  }
0x70: {  	_ =	shalt  }
0x71: {  	_ =	shalt  }
0x72: {  	_ =	shalt  }
0x73: {  	_ =	shalt  }
0x74: {  	_ =	shalt  }
0x75: {  	_ =	shalt  }
0x76: {  	_ =	shalt  }
0x77: {  	_ =	shalt  }
0x78: {  	_ =	shalt  }
0x79: {  	_ =	shalt  }
0x7a: {  	_ =	shalt  }
0x7b: {  	_ =	shalt  }
0x7c: {  	_ =	shalt  }
0x7d: {  	_ =	shalt  }
0x7e: {  	_ =	shalt  }
0x7f: {  	_ =	shalt  }
0x80: {  	_ =	shalt  }
0x81: {  	_ =	shalt  }
0x82: {  	_ =	shalt  }
0x83: {  	_ =	shalt  }
0x84: {  	_ =	shalt  }
0x85: {  	_ =	shalt  }
0x86: {  	_ =	shalt  }
0x87: {  	_ =	shalt  }
.Lfunc_end0:
.L_simem_size_0:
called_computation.1_lowered:
.L_overlay_start_0:
0x88: {  	s2 =	sld [smem:$0x3FD9]  }
0x89: {  	s3 =	sld [smem:$0x3FFE];
	_ =	sdelay $0x1  }
0x8a: {  	s1 =	srdreg.scid  }
0x8b: {  	s0 =	sand.u32 $0x1, s1  }
0x8c: {  	s17 =	sshll.u32 s0, $0xA;
	s2 =	sadd.s32 s3, s2  }
0x8d: {  	s2 =	sadd.s32 s2, s17  }
0x8e: {  	[smem:$0x3FC2] =	sst s2  }
0x8f: {  	_ = 	snop  }
0x90: {  	s2 =	sld [smem:$0x3FD0];
	(tm) =	ssettm $0x1  }
0x91: {  	s18 =	sld [smem:$0x3FFB];
	_ =	sdelay $0x3  }
0x92: {  	_ =	strace s18  }
0x93: {  	s3 =	sld [smem:$0x3FFC];
	_ =	sdelay $0x3  }
0x94: {  	_ =	strace s3  }
0x95: {  	s3 =	sld [smem:$0x3FFD];
	_ =	sdelay $0x3  }
0x96: {  	_ =	strace s3  }
0x97: {  	_ =	strace $0x8FFFFFFF  }
0x98: {  	s19 =	sld [smem:$0x3FDB];
	_ =	sdelay $0x1  }
0x99: {  	s4 =	simm.s32 $_scs_section_size  }
0x9a: {  	s5 =	simm.s32 $_size__tile_overlayer_lowered;
	s6 =	simm.s32 $_tile_overlayer_lowered  }
0x9b: {  	s22 =	simm.s32 $0x1BFF;
	s21 =	sshll.u32 s6, $0x1;
	s3 =	sadd.s32 s4, s19  }
0x9c: {  	s7 =	simm.s32 $0x0;
	s20 =	sshll.u32 s5, $0x1;
	s5 =	sadd.s32 s21, s3  }
0x9d: {  	[timem:s7], [sflag:s22] =	dma.local [hbm:s5], s20  }
0x9e: {  	_ =	swait.ge [sflag:s22], s20  }
0x9f: {  	s4 =	ssub.s32 $0x0, s20;
	[sflag:s22] =	ssyncset.done $0x0  }
0xa0: {  	[sflag:s22] =	ssyncadd.s32 s4;
	_ =	sdelay $0x1  }
0xa1: {  	s23 =	simm.s32 $0x1B8B  }
0xa2: {  	_ =	swait.ge [sflag:s23], $0x1  }
0xa3: {  	[sflag:s23] =	ssyncset.done $0x0  }
0xa4: {  	s25 =	simm.s32 $0x1B8E;
	s24 =	sld [smem:$0x3FFE];
	[sflag:s23] =	ssyncadd.s32 $0xFFFFFFFF  }
0xa5: {  	s26 =	simm.s32 $execute0_lowered;
	[smem:$0x3FD2] =	sst s25  }
0xa6: {  	s5 =	sshll.u32 s26, $0x1;
	_ =	strace $0x80000049;
	[dreg:$0x1] =	wrdreg $0xFFFFFFFF  }
0xa7: {  	s28 =	simm.s32 $_size_execute0_lowered;
	s3 =	sadd.s32 s3, s5;
	[dreg:$0x0] =	wrdreg $0x0  }
0xa8: {  	s5 =	sshll.u32 s28, $0x1;
	[dreg:$0x2] =	wrdreg s3  }
0xa9: {  	[dreg:$0x3] =	wrdreg s5  }
0xaa: {  	[dreg:$0x4] =	wrdreg $0xC0  }
0xab: {  	_ =	task [dreg:s7], $0x5FFFF  }
0xac: {  	[dreg:$0x1] =	wrdreg $0xFFFFFFFF  }
0xad: {  	[dreg:$0x0] =	wrdreg $0x60  }
0xae: {  	[dreg:$0x2] =	wrdreg s24  }
0xaf: {  	[dreg:$0x3] =	wrdreg s2  }
0xb0: {  	[dreg:$0x4] =	wrdreg $0xB7800  }
0xb1: {  	[dreg:$0x5] =	wrdreg $0x9  }
0xb2: {  	_ =	task.clear_ibuf [dreg:s7], $0x6FFFF;
	_ =	strace $0x90000049  }
0xb3: {  	s29 =	simm.s32 $0x9;
	_ =	strace $0x8000004B  }
0xb4: {  	_ =	swait.ge [sflag:s29], $0x1  }
0xb5: {  	[sflag:s29] =	ssyncadd.s32 $0xFFFFFFFF  }
0xb6: {  	_ =	strace $0x9000004B  }
0xb7: {  	_ =	sfence  }
0xb8: {  	s30 =	sld [smem:$0x0];
	_ =	sdelay $0x2  }
0xb9: {  	s31 =	sshll.u32 s1, $0xD;
	s1 =	sshrl.u32 s1, $0x2  }
0xba: {  	s3 =	sand.u32 $0x4000, s31;
	s1 =	sadd.s32 s1, s30  }
0xbb: {  	s0 =	sor.u32 s3, s0;
	s1 =	sshll.u32 s1, $0x11  }
0xbc: {  	s0 =	sor.u32 s1, s0  }
0xbd: {  	s0 =	sadd.s32 $0x8F2B, s0  }
0xbe: {  	[sflag:s0] =	ssyncadd.remote.s32 $0x1  }
0xbf: {  	_ =	sfence.sel $0xFFFF  }
0xc0: {  	[dreg:$0x0] =	wrdreg $0xFFFFFFFF;
	(pc) =	sbr.abs _section_cstart, $3  }
0xc1: {  	[dreg:$0x1] =	wrdreg $0xFFFFFFFF  }
0xc2: {  	_ =	task.clear_ibuf [dreg:s7], $0x2FFFF;
	_ =	strace $0x9FFFFFFF  }
0xc3: {  	(tm) =	ssettm $0x7FFFFFFF  }
tec
execute0_lowered:
.L_overlay_start_1:
0x0: {  	(tag) =	ssettag $0x1  }
0x1: {  	s11 =	rddreg [dreg:$0x0]  }
0x2: {  	s14 =	rddreg [dreg:$0x1]  }
0x3: {  	s1 =	rddreg [dreg:$0x2]  }
0x4: {  	s3 =	simm.s32 $0x0;
	s0 =	stileid.u32;
	s10 =	srdreg.scid  }
0x5: {  	s21 =	simm.s32 $0x6780;
	s22 =	simm.s32 $0x50;
	s23 =	simm.s32 $0x8F80  }
0x6: {  	s24 =	simm.s32 $0x1;
	s25 =	simm.s32 $0x4;
	s26 =	simm.s32 $0x2  }
0x7: {  	s28 =	simm.s32 $0x6580;
	s29 =	simm.s32 $0x0;
	[smem:$0x7FF] =	sst s3  }
0x8: {  	s4 =	sadd.s32 $0x61C00, s11;
	s5 =	sadd.s32 $0x88E00, s11;
	s6 =	sadd.s32 $0xB0000, s11  }
0x9: {  	s8 =	smul.u32 $0x4E2, s0;
	s7 =	sadd.s32 $0xD7200, s11;
	s9 =	sshll.u32 s0, $0xB  }
0xa: {  	s15 =	sand.u32 $0x1, s10;
	s10 =	sadd.s32 $0xFE400, s11;
	s18 =	smul.u32 $0x4F000, s0  }
0xb: {  	s31 =	sshll.u32 s0, $0x6;
	_ =	strace $0x8000004A;
	s12 =	sadd.s32 s9, s11  }
0xc: {  	s9 =	smul.u32 $0x2780, s0;
	s16 =	ssub.s32 $0x2, s15;
	p0 =	seq.s32 s15, $0x1  }
0xd: {  	s13 =	sadd.s32 s8, s11;
	s8 =	sadd.s32 $0x8400, s11;
	s17 =	sshrl.u32 s16, $0x1  }
.Ltmp0:
0xe: {  	s12 =	sadd.s32 $0x59C00, s12;
	s30 =	sshrl.u32 s18, $0x2;
	(pc) =	sbr.rel .LBB2_1-.Ltmp0, $4  }
0xf: {  	s18 =	simm.s32 $0x3;
	s19 =	sadd.s32 s9, s11;
	s11 =	sadd.s32 $0x14D400, s11  }
0x10: {  	s16 =	ssub.s32 s16, s17;
	s20 =	sadd.s32 s30, s1;
	s13 =	sadd.s32 $0x3400, s13  }
0x11: {  	s14 =	sadd.s32 s14, s9;
	s17 =	simm.s32 $0x2780;
	s15 =	sadd.s32 $0x125C00, s19  }
0x12: {  	s16 =	smax.u32 s16, $0x1;
	s19 =	sor.u32 $0x1C03, s31;
	s20 =	sshrl.u32 s20, $0x3  }
.LBB2_11:
0x13: {  	[sflag:s18] =	ssyncadd.s32 $0xFFFFD800  }
0x14: {  	_ =	swait.ge [sflag:s24], $0x2800  }
0x15: {  	[sflag:s24] =	ssyncset.done $0x0  }
0x16: {  	s30 =	smov.u32 s11;
	[sflag:s24] =	ssyncadd.s32 $0xFFFFD800  }
0x17: {  	[spmem:s1] =	stream.indirect.scatter.add.f32 [tilespmem:s21], [sflag:$0x4], $0x80, s28, s22, $0xb8;
	[tilespmem:$0x1F380] =	vst v63  }
.LBB2_12:
0x18: {  	_ =	swait.ge [sflag:s25], $0x2800  }
0x19: {  	[sflag:s25] =	ssyncset.done $0x0  }
0x1a: {  	s29 =	sadd.s32 $0x1, s29;
	[sflag:s25] =	ssyncadd.s32 $0xFFFFD800  }
0x1b: {  	s0 =	sadd.s32 s30, s9;
	p1 =	sne.s32 s29, s16;
	[bflag:$0x0] =	sbarrier.arrive $0xFFFF  }
0x1c: {  	[hbm:s0], [sflag:s19] =	dma.local [spmem:s20], $0x2780  }
.Ltmp1:
0x1d: {  	_ =	swait.ge [sflag:s18], $0x2780;
	(pc) =	sbr.rel @!p1 .LBB2_13-.Ltmp1, $3  }
0x1e: {  	[sflag:s18] =	ssyncset.done $0x0  }
0x1f: {  	[sflag:s18] =	ssyncadd.s32 $0xFFFFD880  }
0x20: {  	[bflag:$0x0] =	sbarrier.arrive $0xFFFF;
	_ =	sdelay $0x1  }
.LBB2_1:
0x21: {  	[tilespmem:s17], [sflag:$0x3] =	stream.linear.gather [hbm4b:s12+s3], $0x3E80, $0x38;
	[tilespmem:$0x1F380] =	vst v63  }
0x22: {  	_ =	swait.ge [sflag:s18], $0x3E80  }
0x23: {  	[sflag:s18] =	ssyncset.done $0x0  }
0x24: {  	[sflag:s18] =	ssyncadd.s32 $0xFFFFC180  }
0x25: {  	[spmem:s20], [sflag:s19] =	dma.local [hbm:s8], $0x2780  }
0x26: {  	_ =	swait.ge [sflag:s18], $0x2780  }
0x27: {  	[sflag:s18] =	ssyncset.done $0x0  }
0x28: {  	[sflag:s18] =	ssyncadd.s32 $0xFFFFD880  }
.Ltmp2:
0x29: {  	[bflag:$0x0] =	sbarrier.arrive $0xFFFF;
	(pc) =	sbr.rel @!p0 .LBB2_2-.Ltmp2, $4  }
0x2a: {  	[tilespmem:s3], [sflag:$0x3] =	stream.linear.gather [hbm4b:s13+s3], $0x2710, $0x38;
	[tilespmem:$0x1F380] =	vst v63  }
0x2b: {  	_ =	swait.ge [sflag:s18], $0x2710  }
0x2c: {  	[sflag:s18] =	ssyncset.done $0x0  }
0x2d: {  	s30 =	simm.s32 $0x50;
	[sflag:s18] =	ssyncadd.s32 $0xFFFFD8F0  }
0x2e: {  	s0 =	simm.s32 $0x0  }
0x2f: {  	[tilespmem:s21], [sflag:$0x1] =	stream.indirect.gather [hbm4b:s6+s30], $0x80, s0, s30, $0xb8;
	[tilespmem:$0x1F380] =	vst v63  }
0x30: {  	_ = 	snop  }
0x31: {  	[tilespmem:s23], [sflag:$0x2] =	stream.indirect.gather [hbm4b:s6+s22], $0x80, s30, s22, $0xb8;
	[tilespmem:$0x1F380] =	vst v63  }
0x32: {  	_ =	swait.ge [sflag:s24], $0x2800  }
0x33: {  	[sflag:s24] =	ssyncset.done $0x0  }
0x34: {  	s2 =	simm.s32 $0x2780;
	[sflag:s24] =	ssyncadd.s32 $0xFFFFD800  }
0x35: {  	[spmem:s1] =	stream.indirect.scatter.add.f32 [tilespmem:s21], [sflag:$0x4], $0x80, s2, s22, $0xb8;
	[tilespmem:$0x1F380] =	vst v63  }
0x36: {  	_ =	swait.ge [sflag:s25], $0x2800  }
0x37: {  	[sflag:s25] =	ssyncset.done $0x0  }
0x38: {  	s2 =	simm.s32 $0xA0;
	[sflag:s25] =	ssyncadd.s32 $0xFFFFD800  }
0x39: {  	[tilespmem:s21], [sflag:$0x1] =	stream.indirect.gather [hbm4b:s6+s22], $0x80, s2, s22, $0xb8;
	[tilespmem:$0x1F380] =	vst v63  }
0x3a: {  	_ =	swait.ge [sflag:s26], $0x2800  }
0x3b: {  	[sflag:s26] =	ssyncset.done $0x0  }
0x3c: {  	s2 =	simm.s32 $0x2800;
	[sflag:s26] =	ssyncadd.s32 $0xFFFFD800  }
0x3d: {  	[spmem:s1] =	stream.indirect.scatter.add.f32 [tilespmem:s23], [sflag:$0x3], $0x80, s2, s22, $0xb8;
	[tilespmem:$0x1F380] =	vst v63  }
0x3e: {  	_ =	swait.ge [sflag:s18], $0x2800  }
0x3f: {  	s31 =	simm.s32 $0x400;
	[sflag:s18] =	ssyncset.done $0x0  }
.LBB2_8:
0x40: {  	p1 =	sne.s32 s31, $0xF400;
	[sflag:s18] =	ssyncadd.s32 $0xFFFFD800;
	s30 =	sadd.s32 $0xA0, s30  }
0x41: {  	[tilespmem:s23], [sflag:$0x2] =	stream.indirect.gather [hbm4b:s6+s22], $0x80, s30, s22, $0xb8;
	[tilespmem:$0x1F380] =	vst v63  }
0x42: {  	s0 =	smov.u32 s31;
	s31 =	sadd.s32 $0x400, s31;
	_ =	swait.ge [sflag:s24], $0x2800  }
0x43: {  	s0 =	sshra.s32 s0, $0x2;
	[sflag:s24] =	ssyncset.done $0x0  }
0x44: {  	s2 =	sadd.s32 $0x2780, s0;
	[sflag:s24] =	ssyncadd.s32 $0xFFFFD800  }
0x45: {  	[spmem:s1] =	stream.indirect.scatter.add.f32 [tilespmem:s21], [sflag:$0x4], $0x80, s2, s22, $0xb8;
	[tilespmem:$0x1F380] =	vst v63  }
0x46: {  	_ =	swait.ge [sflag:s25], $0x2800  }
0x47: {  	[sflag:s25] =	ssyncset.done $0x0  }
0x48: {  	s2 =	sadd.s32 $0x50, s30;
	[sflag:s25] =	ssyncadd.s32 $0xFFFFD800  }
0x49: {  	[tilespmem:s21], [sflag:$0x1] =	stream.indirect.gather [hbm4b:s6+s22], $0x80, s2, s22, $0xb8;
	[tilespmem:$0x1F380] =	vst v63  }
0x4a: {  	_ =	swait.ge [sflag:s26], $0x2800  }
.Ltmp3:
0x4b: {  	[sflag:s26] =	ssyncset.done $0x0;
	(pc) =	sbr.rel @p1 .LBB2_8-.Ltmp3, $4  }
0x4c: {  	s0 =	sadd.s32 $0x2800, s0;
	[sflag:s26] =	ssyncadd.s32 $0xFFFFD800  }
0x4d: {  	[spmem:s1] =	stream.indirect.scatter.add.f32 [tilespmem:s23], [sflag:$0x3], $0x80, s0, s22, $0xb8;
	[tilespmem:$0x1F380] =	vst v63  }
0x4e: {  	_ =	swait.ge [sflag:s18], $0x2800  }
0x4f: {  	[sflag:s18] =	ssyncset.done $0x0  }
0x50: {  	[sflag:s18] =	ssyncadd.s32 $0xFFFFD800  }
0x51: {  	_ =	swait.ge [sflag:s24], $0x2800  }
0x52: {  	[sflag:s24] =	ssyncset.done $0x0  }
0x53: {  	s30 =	simm.s32 $0x50;
	[sflag:s24] =	ssyncadd.s32 $0xFFFFD800  }
0x54: {  	[spmem:s1] =	stream.indirect.scatter.add.f32 [tilespmem:s21], [sflag:$0x4], $0x80, s28, s30, $0xb8;
	[tilespmem:$0x1F380] =	vst v63  }
0x55: {  	_ =	swait.ge [sflag:s25], $0x2800  }
0x56: {  	[sflag:s25] =	ssyncset.done $0x0  }
0x57: {  	[sflag:s25] =	ssyncadd.s32 $0xFFFFD800  }
0x58: {  	[bflag:$0x0] =	sbarrier.arrive $0xFFFF  }
0x59: {  	[hbm:s15], [sflag:s19] =	dma.local [spmem:s20], $0x2780  }
0x5a: {  	_ =	swait.ge [sflag:s18], $0x2780  }
0x5b: {  	[sflag:s18] =	ssyncset.done $0x0  }
0x5c: {  	[sflag:s18] =	ssyncadd.s32 $0xFFFFD880  }
0x5d: {  	[bflag:$0x0] =	sbarrier.arrive $0xFFFF  }
0x5e: {  	[spmem:s20], [sflag:s19] =	dma.local [hbm:s8], $0x2780  }
0x5f: {  	_ =	swait.ge [sflag:s18], $0x2780  }
0x60: {  	[sflag:s18] =	ssyncset.done $0x0  }
0x61: {  	[sflag:s18] =	ssyncadd.s32 $0xFFFFD880  }
0x62: {  	s0 =	simm.s32 $0x0;
	[bflag:$0x0] =	sbarrier.arrive $0xFFFF  }
0x63: {  	[tilespmem:s0], [sflag:$0x3] =	stream.linear.gather [hbm4b:s13+s0], $0x2710, $0x38;
	[tilespmem:$0x1F380] =	vst v63  }
0x64: {  	_ =	swait.ge [sflag:s18], $0x2710  }
0x65: {  	[sflag:s18] =	ssyncset.done $0x0  }
0x66: {  	[sflag:s18] =	ssyncadd.s32 $0xFFFFD8F0  }
0x67: {  	[tilespmem:s21], [sflag:$0x1] =	stream.indirect.gather [hbm4b:s7+s30], $0x80, s0, s30, $0xb8;
	[tilespmem:$0x1F380] =	vst v63  }
0x68: {  	_ = 	snop  }
0x69: {  	[tilespmem:s23], [sflag:$0x2] =	stream.indirect.gather [hbm4b:s7+s22], $0x80, s30, s22, $0xb8;
	[tilespmem:$0x1F380] =	vst v63  }
0x6a: {  	_ =	swait.ge [sflag:s24], $0x2800  }
0x6b: {  	[sflag:s24] =	ssyncset.done $0x0  }
0x6c: {  	s2 =	simm.s32 $0x2780;
	[sflag:s24] =	ssyncadd.s32 $0xFFFFD800  }
0x6d: {  	[spmem:s1] =	stream.indirect.scatter.add.f32 [tilespmem:s21], [sflag:$0x4], $0x80, s2, s22, $0xb8;
	[tilespmem:$0x1F380] =	vst v63  }
0x6e: {  	_ =	swait.ge [sflag:s25], $0x2800  }
0x6f: {  	[sflag:s25] =	ssyncset.done $0x0  }
0x70: {  	s2 =	simm.s32 $0xA0;
	[sflag:s25] =	ssyncadd.s32 $0xFFFFD800  }
0x71: {  	[tilespmem:s21], [sflag:$0x1] =	stream.indirect.gather [hbm4b:s7+s22], $0x80, s2, s22, $0xb8;
	[tilespmem:$0x1F380] =	vst v63  }
0x72: {  	_ =	swait.ge [sflag:s26], $0x2800  }
0x73: {  	[sflag:s26] =	ssyncset.done $0x0  }
0x74: {  	s2 =	simm.s32 $0x2800;
	[sflag:s26] =	ssyncadd.s32 $0xFFFFD800  }
0x75: {  	[spmem:s1] =	stream.indirect.scatter.add.f32 [tilespmem:s23], [sflag:$0x3], $0x80, s2, s22, $0xb8;
	[tilespmem:$0x1F380] =	vst v63  }
0x76: {  	_ =	swait.ge [sflag:s18], $0x2800  }
0x77: {  	s31 =	simm.s32 $0x400;
	[sflag:s18] =	ssyncset.done $0x0  }
.LBB2_10:
0x78: {  	p1 =	sne.s32 s31, $0xF400;
	[sflag:s18] =	ssyncadd.s32 $0xFFFFD800;
	s30 =	sadd.s32 $0xA0, s30  }
0x79: {  	[tilespmem:s23], [sflag:$0x2] =	stream.indirect.gather [hbm4b:s7+s22], $0x80, s30, s22, $0xb8;
	[tilespmem:$0x1F380] =	vst v63  }
0x7a: {  	s0 =	smov.u32 s31;
	s31 =	sadd.s32 $0x400, s31;
	_ =	swait.ge [sflag:s24], $0x2800  }
0x7b: {  	s0 =	sshra.s32 s0, $0x2;
	[sflag:s24] =	ssyncset.done $0x0  }
0x7c: {  	s2 =	sadd.s32 $0x2780, s0;
	[sflag:s24] =	ssyncadd.s32 $0xFFFFD800  }
0x7d: {  	[spmem:s1] =	stream.indirect.scatter.add.f32 [tilespmem:s21], [sflag:$0x4], $0x80, s2, s22, $0xb8;
	[tilespmem:$0x1F380] =	vst v63  }
0x7e: {  	_ =	swait.ge [sflag:s25], $0x2800  }
0x7f: {  	[sflag:s25] =	ssyncset.done $0x0  }
0x80: {  	s2 =	sadd.s32 $0x50, s30;
	[sflag:s25] =	ssyncadd.s32 $0xFFFFD800  }
0x81: {  	[tilespmem:s21], [sflag:$0x1] =	stream.indirect.gather [hbm4b:s7+s22], $0x80, s2, s22, $0xb8;
	[tilespmem:$0x1F380] =	vst v63  }
0x82: {  	_ =	swait.ge [sflag:s26], $0x2800  }
.Ltmp4:
0x83: {  	[sflag:s26] =	ssyncset.done $0x0;
	(pc) =	sbr.rel @p1 .LBB2_10-.Ltmp4, $4  }
0x84: {  	s0 =	sadd.s32 $0x2800, s0;
	[sflag:s26] =	ssyncadd.s32 $0xFFFFD800  }
0x85: {  	[spmem:s1] =	stream.indirect.scatter.add.f32 [tilespmem:s23], [sflag:$0x3], $0x80, s0, s22, $0xb8;
	[tilespmem:$0x1F380] =	vst v63  }
0x86: {  	_ =	swait.ge [sflag:s18], $0x2800  }
0x87: {  	[sflag:s18] =	ssyncset.done $0x0  }
.Ltmp5:
0x88: {  	_ = 	snop;
	(pc) =	sbr.rel .LBB2_11-.Ltmp5, $1  }
0x89: {  	_ =	sdelay $0x3  }
.LBB2_2:
0x8a: {  	s31 =	simm.s32 $0x0  }
0x8b: {  	[tilespmem:s21], [sflag:$0x1] =	stream.indirect.gather [hbm4b:s4+s30], $0x80, s31, s30, $0xb8;
	[tilespmem:$0x1F380] =	vst v63  }
0x8c: {  	_ = 	snop  }
0x8d: {  	[tilespmem:s23], [sflag:$0x2] =	stream.indirect.gather [hbm4b:s4+s22], $0x80, s30, s22, $0xb8;
	[tilespmem:$0x1F380] =	vst v63  }
0x8e: {  	_ =	swait.ge [sflag:s24], $0x2800  }
0x8f: {  	[sflag:s24] =	ssyncset.done $0x0  }
0x90: {  	s31 =	simm.s32 $0x2780;
	[sflag:s24] =	ssyncadd.s32 $0xFFFFD800  }
0x91: {  	[spmem:s1] =	stream.indirect.scatter.add.f32 [tilespmem:s21], [sflag:$0x4], $0x80, s31, s22, $0xb8;
	[tilespmem:$0x1F380] =	vst v63  }
0x92: {  	_ =	swait.ge [sflag:s25], $0x2800  }
0x93: {  	[sflag:s25] =	ssyncset.done $0x0  }
0x94: {  	s31 =	simm.s32 $0xA0;
	[sflag:s25] =	ssyncadd.s32 $0xFFFFD800  }
0x95: {  	[tilespmem:s21], [sflag:$0x1] =	stream.indirect.gather [hbm4b:s4+s22], $0x80, s31, s22, $0xb8;
	[tilespmem:$0x1F380] =	vst v63  }
0x96: {  	_ =	swait.ge [sflag:s26], $0x2800  }
0x97: {  	[sflag:s26] =	ssyncset.done $0x0  }
0x98: {  	s31 =	simm.s32 $0x2800;
	[sflag:s26] =	ssyncadd.s32 $0xFFFFD800  }
0x99: {  	[spmem:s1] =	stream.indirect.scatter.add.f32 [tilespmem:s23], [sflag:$0x3], $0x80, s31, s22, $0xb8;
	[tilespmem:$0x1F380] =	vst v63  }
0x9a: {  	_ =	swait.ge [sflag:s18], $0x2800  }
0x9b: {  	s31 =	simm.s32 $0x400;
	[sflag:s18] =	ssyncset.done $0x0  }
.LBB2_3:
0x9c: {  	p1 =	sne.s32 s31, $0xF400;
	[sflag:s18] =	ssyncadd.s32 $0xFFFFD800;
	s30 =	sadd.s32 $0xA0, s30  }
0x9d: {  	[tilespmem:s23], [sflag:$0x2] =	stream.indirect.gather [hbm4b:s4+s22], $0x80, s30, s22, $0xb8;
	[tilespmem:$0x1F380] =	vst v63  }
0x9e: {  	s0 =	smov.u32 s31;
	s31 =	sadd.s32 $0x400, s31;
	_ =	swait.ge [sflag:s24], $0x2800  }
0x9f: {  	s0 =	sshra.s32 s0, $0x2;
	[sflag:s24] =	ssyncset.done $0x0  }
0xa0: {  	s2 =	sadd.s32 $0x2780, s0;
	[sflag:s24] =	ssyncadd.s32 $0xFFFFD800  }
0xa1: {  	[spmem:s1] =	stream.indirect.scatter.add.f32 [tilespmem:s21], [sflag:$0x4], $0x80, s2, s22, $0xb8;
	[tilespmem:$0x1F380] =	vst v63  }
0xa2: {  	_ =	swait.ge [sflag:s25], $0x2800  }
0xa3: {  	[sflag:s25] =	ssyncset.done $0x0  }
0xa4: {  	s2 =	sadd.s32 $0x50, s30;
	[sflag:s25] =	ssyncadd.s32 $0xFFFFD800  }
0xa5: {  	[tilespmem:s21], [sflag:$0x1] =	stream.indirect.gather [hbm4b:s4+s22], $0x80, s2, s22, $0xb8;
	[tilespmem:$0x1F380] =	vst v63  }
0xa6: {  	_ =	swait.ge [sflag:s26], $0x2800  }
.Ltmp6:
0xa7: {  	[sflag:s26] =	ssyncset.done $0x0;
	(pc) =	sbr.rel @p1 .LBB2_3-.Ltmp6, $4  }
0xa8: {  	s0 =	sadd.s32 $0x2800, s0;
	[sflag:s26] =	ssyncadd.s32 $0xFFFFD800  }
0xa9: {  	[spmem:s1] =	stream.indirect.scatter.add.f32 [tilespmem:s23], [sflag:$0x3], $0x80, s0, s22, $0xb8;
	[tilespmem:$0x1F380] =	vst v63  }
0xaa: {  	_ =	swait.ge [sflag:s18], $0x2800  }
0xab: {  	[sflag:s18] =	ssyncset.done $0x0  }
0xac: {  	[sflag:s18] =	ssyncadd.s32 $0xFFFFD800  }
0xad: {  	_ =	swait.ge [sflag:s24], $0x2800  }
0xae: {  	[sflag:s24] =	ssyncset.done $0x0  }
0xaf: {  	s30 =	simm.s32 $0x50;
	[sflag:s24] =	ssyncadd.s32 $0xFFFFD800  }
0xb0: {  	[spmem:s1] =	stream.indirect.scatter.add.f32 [tilespmem:s21], [sflag:$0x4], $0x80, s28, s30, $0xb8;
	[tilespmem:$0x1F380] =	vst v63  }
0xb1: {  	_ =	swait.ge [sflag:s25], $0x2800  }
0xb2: {  	[sflag:s25] =	ssyncset.done $0x0  }
0xb3: {  	[sflag:s25] =	ssyncadd.s32 $0xFFFFD800  }
0xb4: {  	[bflag:$0x0] =	sbarrier.arrive $0xFFFF  }
0xb5: {  	[hbm:s14], [sflag:s19] =	dma.local [spmem:s20], $0x2780  }
0xb6: {  	_ =	swait.ge [sflag:s18], $0x2780  }
0xb7: {  	[sflag:s18] =	ssyncset.done $0x0  }
0xb8: {  	[sflag:s18] =	ssyncadd.s32 $0xFFFFD880  }
0xb9: {  	[bflag:$0x0] =	sbarrier.arrive $0xFFFF  }
0xba: {  	[spmem:s20], [sflag:s19] =	dma.local [hbm:s8], $0x2780  }
0xbb: {  	_ =	swait.ge [sflag:s18], $0x2780  }
0xbc: {  	[sflag:s18] =	ssyncset.done $0x0  }
0xbd: {  	[sflag:s18] =	ssyncadd.s32 $0xFFFFD880  }
0xbe: {  	s0 =	simm.s32 $0x0;
	[bflag:$0x0] =	sbarrier.arrive $0xFFFF  }
0xbf: {  	[tilespmem:s0], [sflag:$0x3] =	stream.linear.gather [hbm4b:s13+s0], $0x2710, $0x38;
	[tilespmem:$0x1F380] =	vst v63  }
0xc0: {  	_ =	swait.ge [sflag:s18], $0x2710  }
0xc1: {  	[sflag:s18] =	ssyncset.done $0x0  }
0xc2: {  	[sflag:s18] =	ssyncadd.s32 $0xFFFFD8F0  }
0xc3: {  	[tilespmem:s21], [sflag:$0x1] =	stream.indirect.gather [hbm4b:s5+s30], $0x80, s0, s30, $0xb8;
	[tilespmem:$0x1F380] =	vst v63  }
0xc4: {  	_ = 	snop  }
0xc5: {  	[tilespmem:s23], [sflag:$0x2] =	stream.indirect.gather [hbm4b:s5+s22], $0x80, s30, s22, $0xb8;
	[tilespmem:$0x1F380] =	vst v63  }
0xc6: {  	_ =	swait.ge [sflag:s24], $0x2800  }
0xc7: {  	[sflag:s24] =	ssyncset.done $0x0  }
0xc8: {  	s2 =	simm.s32 $0x2780;
	[sflag:s24] =	ssyncadd.s32 $0xFFFFD800  }
0xc9: {  	[spmem:s1] =	stream.indirect.scatter.add.f32 [tilespmem:s21], [sflag:$0x4], $0x80, s2, s22, $0xb8;
	[tilespmem:$0x1F380] =	vst v63  }
0xca: {  	_ =	swait.ge [sflag:s25], $0x2800  }
0xcb: {  	[sflag:s25] =	ssyncset.done $0x0  }
0xcc: {  	s2 =	simm.s32 $0xA0;
	[sflag:s25] =	ssyncadd.s32 $0xFFFFD800  }
0xcd: {  	[tilespmem:s21], [sflag:$0x1] =	stream.indirect.gather [hbm4b:s5+s22], $0x80, s2, s22, $0xb8;
	[tilespmem:$0x1F380] =	vst v63  }
0xce: {  	_ =	swait.ge [sflag:s26], $0x2800  }
0xcf: {  	[sflag:s26] =	ssyncset.done $0x0  }
0xd0: {  	s2 =	simm.s32 $0x2800;
	[sflag:s26] =	ssyncadd.s32 $0xFFFFD800  }
0xd1: {  	[spmem:s1] =	stream.indirect.scatter.add.f32 [tilespmem:s23], [sflag:$0x3], $0x80, s2, s22, $0xb8;
	[tilespmem:$0x1F380] =	vst v63  }
0xd2: {  	_ =	swait.ge [sflag:s18], $0x2800  }
0xd3: {  	s31 =	simm.s32 $0x400;
	[sflag:s18] =	ssyncset.done $0x0  }
.LBB2_5:
0xd4: {  	p1 =	sne.s32 s31, $0xF400;
	[sflag:s18] =	ssyncadd.s32 $0xFFFFD800;
	s30 =	sadd.s32 $0xA0, s30  }
0xd5: {  	[tilespmem:s23], [sflag:$0x2] =	stream.indirect.gather [hbm4b:s5+s22], $0x80, s30, s22, $0xb8;
	[tilespmem:$0x1F380] =	vst v63  }
0xd6: {  	s0 =	smov.u32 s31;
	s31 =	sadd.s32 $0x400, s31;
	_ =	swait.ge [sflag:s24], $0x2800  }
0xd7: {  	s0 =	sshra.s32 s0, $0x2;
	[sflag:s24] =	ssyncset.done $0x0  }
0xd8: {  	s2 =	sadd.s32 $0x2780, s0;
	[sflag:s24] =	ssyncadd.s32 $0xFFFFD800  }
0xd9: {  	[spmem:s1] =	stream.indirect.scatter.add.f32 [tilespmem:s21], [sflag:$0x4], $0x80, s2, s22, $0xb8;
	[tilespmem:$0x1F380] =	vst v63  }
0xda: {  	_ =	swait.ge [sflag:s25], $0x2800  }
0xdb: {  	[sflag:s25] =	ssyncset.done $0x0  }
0xdc: {  	s2 =	sadd.s32 $0x50, s30;
	[sflag:s25] =	ssyncadd.s32 $0xFFFFD800  }
0xdd: {  	[tilespmem:s21], [sflag:$0x1] =	stream.indirect.gather [hbm4b:s5+s22], $0x80, s2, s22, $0xb8;
	[tilespmem:$0x1F380] =	vst v63  }
0xde: {  	_ =	swait.ge [sflag:s26], $0x2800  }
.Ltmp7:
0xdf: {  	[sflag:s26] =	ssyncset.done $0x0;
	(pc) =	sbr.rel @p1 .LBB2_5-.Ltmp7, $4  }
0xe0: {  	s0 =	sadd.s32 $0x2800, s0;
	[sflag:s26] =	ssyncadd.s32 $0xFFFFD800  }
0xe1: {  	[spmem:s1] =	stream.indirect.scatter.add.f32 [tilespmem:s23], [sflag:$0x3], $0x80, s0, s22, $0xb8;
	[tilespmem:$0x1F380] =	vst v63  }
0xe2: {  	_ =	swait.ge [sflag:s18], $0x2800  }
0xe3: {  	[sflag:s18] =	ssyncset.done $0x0  }
.Ltmp8:
0xe4: {  	[sflag:s18] =	ssyncadd.s32 $0xFFFFD800;
	(pc) =	sbr.rel .LBB2_12-.Ltmp8, $4  }
0xe5: {  	_ =	swait.ge [sflag:s24], $0x2800  }
0xe6: {  	[sflag:s24] =	ssyncset.done $0x0  }
0xe7: {  	s30 =	smov.u32 s10;
	[sflag:s24] =	ssyncadd.s32 $0xFFFFD800  }
0xe8: {  	[spmem:s1] =	stream.indirect.scatter.add.f32 [tilespmem:s21], [sflag:$0x4], $0x80, s28, s22, $0xb8;
	[tilespmem:$0x1F380] =	vst v63  }
.LBB2_13:
0xe9: {  	_ =	sfence.sel $0x180000  }
0xea: {  	[bflag:$0x0] =	sbarrier.arrive $0xFFFF  }
0xeb: {  	_ =	strace $0x9000004A  }
0xec: {  	s0 =	stileid.u32;
	[bflag:$0x2] =	sbarrier.arrive $0xFFFF  }
0xed: {  	p0 =	sne.s32 s0, $0x0;
	s0 =	rddreg [dreg:$0x3]  }
0xee: {  	s0 =	sadd.s32 @!p0 $0x100000, s0  }
0xef: {  	[sflag:s0] =	ssyncadd.tile.s32 @!p0 $0x1;
	_ =	shalt  }
.Lfunc_end2:
_tile_overlayer_lowered:
.L_overlay_start_2:
0xf0: {  	(tag) =	ssettag $0x2  }
0xf1: {  	s0 =	rddreg [dreg:$0x0];
	s2 =	stileid.u32  }
0xf2: {  	s1 =	rddreg [dreg:$0x1];
	p0 =	sne.s32 s2, $0x0  }
0xf3: {  	s3 =	rddreg [dreg:$0x2];
	[bflag:$0x3] =	sbarrier.arrive $0xFFFF;
	s2 =	simm.s32 @!p0 $0x1C03  }
0xf4: {  	[timem:s3], [sflag:s2] =	dma.local @!p0 [hbm:s0], s1  }
0xf5: {  	s0 =	simm.s32 @!p0 $0x3  }
0xf6: {  	_ =	swait.ge @!p0 [sflag:s0], s1  }
0xf7: {  	s1 =	ssub.s32 @!p0 $0x0, s1;
	[sflag:s0] =	ssyncset.done @!p0 $0x0  }
0xf8: {  	[sflag:s0] =	ssyncadd.s32 @!p0 s1  }
0xf9: {  	[bflag:$0x3] =	sbarrier.arrive $0xFFFF  }
0xfa: {  	_ =	shalt  }

// kernel: kernel.14.cloned.1.call-start
scs
__scs_entry_jumppad:
0x0: {  	(pc) =	sbr.rel $0x88, $3  }
0x1: {  	(tag) =	ssettag $0x0;
	lr =	simm.s32 $0x1  }
0x2: {  	[smem:$0x3F9B] =	sst lr;
	_ =	strace $0xD0000000  }
0x3: {  	_ = 	snop  }
0x4: {  	_ = 	snop  }
0x5: {  	_ = 	snop  }
0x6: {  	_ = 	snop  }
0x7: {  	_ = 	snop  }
__scs_overlays_trampoline_lowered:
0x8: {  	[smem:$0x3FAA] =	sst s0  }
0x9: {  	[smem:$0x3FAB] =	sst s1  }
0xa: {  	[smem:$0x3FAC] =	sst s2  }
0xb: {  	[smem:$0x3FAD] =	sst s3  }
0xc: {  	[smem:$0x3FAE] =	sst s4  }
0xd: {  	[smem:$0x3FAF] =	sst s5  }
0xe: {  	[smem:$0x3FB0] =	sst s6  }
0xf: {  	[smem:$0x3FB1] =	sst s7  }
0x10: {  	[smem:$0x3FB2] =	sst s8  }
0x11: {  	[smem:$0x3FB3] =	sst s9;
	s0 =	simm.s32 @!p0 $0x0  }
0x12: {  	s1 =	sld [smem:$0x3F99];
	s0 =	simm.s32 @p0 $0x1  }
0x13: {  	[smem:$0x3FB4] =	sst s0;
	s0 =	simm.s32 @!p1 $0x0  }
0x14: {  	s2 =	sld [smem:$0x3F98];
	s0 =	simm.s32 @p1 $0x1  }
0x15: {  	[smem:$0x3FB5] =	sst s0;
	s0 =	simm.s32 @!p2 $0x0  }
0x16: {  	s3 =	sld [smem:$0x3FDB];
	s0 =	simm.s32 @p2 $0x1  }
0x17: {  	s4 =	simm.s32 $0x1BF5;
	[smem:$0x3FB7] =	sst s0  }
0x18: {  	s0 =	sld [smem:$0x3F9A];
	_ =	swait.ge [sflag:s4], $0x0  }
0x19: {  	s7 =	sld [smem:$0x3F9B]  }
0x1a: {  	s8 =	sadd.s32 $0xFFFFE003, lr  }
0x1b: {  	s9 =	sadd.s32 $0xFFFFFEF7, lr;
	s5 =	simm.s32 $0xFFFFFFFF;
	p2 =	slt.u32 s8, $0xFFFFF086  }
0x1c: {  	p1 =	slt.u32 s9, $0xF7A;
	s5 =	simm.s32 @!p2 $0x0  }
0x1d: {  	s5 =	simm.s32 @p1 $0x1;
	p0 =	seq.s32 s7, s2  }
0x1e: {  	s7 =	smul.u32 @!p0 $0xF7A, s2;
	p2 =	seq.s32 @!p0 s5, $0x0  }
0x1f: {  	s9 =	smul.u32 $0xF7A, s1;
	s8 =	simm.s32 @!p0 $0x1BF5;
	p2 =	por !p2, p0  }
0x20: {  	[sflag:s8] =	ssyncset.s32 @!p0 $0xFFFFF086;
	s6 =	sadd.s32 @!p0 s3, s7;
	s7 =	simm.s32 @!p0 $0x108  }
0x21: {  	s3 =	sadd.s32 s3, s9;
	s6 =	sadd.s32 @!p0 $0x88, s6;
	s7 =	simm.s32 @p2 $0x1082  }
0x22: {  	[simem:s7], [sflag:s8] =	dma.local @!p0 [hbm:s6], $0xF7A  }
0x23: {  	s9 =	sor.u32 $0xD0000000, s2;
	s6 =	simm.s32 $0x108;
	_ =	swait.ge @!p0 [sflag:s8], $0x0  }
0x24: {  	s3 =	sadd.s32 $0x88, s3;
	s6 =	simm.s32 @!p1 $0x1082;
	[sflag:s4] =	ssyncset.s32 $0xFFFFF086  }
0x25: {  	[simem:s6], [sflag:s4] =	dma.local [hbm:s3], $0xF7A  }
0x26: {  	[smem:$0x3F9B] =	sst s1;
	(tag) =	ssettag s2;
	_ =	strace s9  }
0x27: {  	s1 =	sld [smem:$0x3FAB]  }
0x28: {  	s2 =	sld [smem:$0x3FAC]  }
0x29: {  	s4 =	sld [smem:$0x3FAE]  }
0x2a: {  	p0 =	seq.s32 s5, $0x0;
	s5 =	sld [smem:$0x3FAF]  }
0x2b: {  	s6 =	sld [smem:$0x3FB0]  }
0x2c: {  	s7 =	sld [smem:$0x3FB1]  }
0x2d: {  	s3 =	simm.s32 $0x108;
	s8 =	sld [smem:$0x3FB2]  }
0x2e: {  	s3 =	simm.s32 @!p0 $0x1082;
	s9 =	sld [smem:$0x3FB3]  }
0x2f: {  	lr =	sadd.s32 s0, s3;
	s0 =	sld [smem:$0x3FAA]  }
0x30: {  	s3 =	sld [smem:$0x3FAD]  }
0x31: {  	[smem:$0x3FB6] =	sst s10  }
0x32: {  	s10 =	sld [smem:$0x3FB4];
	_ =	sdelay $0x3  }
0x33: {  	p0 =	seq.s32 s10, $0x1;
	s10 =	sld [smem:$0x3FB6];
	_ =	sdelay $0x3  }
0x34: {  	[smem:$0x3FB6] =	sst s10  }
0x35: {  	s10 =	sld [smem:$0x3FB5];
	_ =	sdelay $0x3  }
0x36: {  	p1 =	seq.s32 s10, $0x1;
	s10 =	sld [smem:$0x3FB6];
	_ =	sdelay $0x3  }
0x37: {  	[smem:$0x3FB6] =	sst s10  }
0x38: {  	s10 =	sld [smem:$0x3FB7]  }
0x39: {  	_ = 	snop;
	(pc) =	sbr.ind lr, $3  }
0x3a: {  	_ = 	snop  }
0x3b: {  	_ = 	snop  }
0x3c: {  	p2 =	seq.s32 s10, $0x1;
	s10 =	sld [smem:$0x3FB6]  }
0x3d: {  	_ =	shalt  }
0x3e: {  	_ =	shalt  }
0x3f: {  	_ =	shalt  }
0x40: {  	_ =	shalt  }
0x41: {  	_ =	shalt  }
0x42: {  	_ =	shalt  }
0x43: {  	_ =	shalt  }
0x44: {  	_ =	shalt  }
0x45: {  	_ =	shalt  }
0x46: {  	_ =	shalt  }
0x47: {  	_ =	shalt  }
0x48: {  	_ =	shalt  }
0x49: {  	_ =	shalt  }
0x4a: {  	_ =	shalt  }
0x4b: {  	_ =	shalt  }
0x4c: {  	_ =	shalt  }
0x4d: {  	_ =	shalt  }
0x4e: {  	_ =	shalt  }
0x4f: {  	_ =	shalt  }
0x50: {  	_ =	shalt  }
0x51: {  	_ =	shalt  }
0x52: {  	_ =	shalt  }
0x53: {  	_ =	shalt  }
0x54: {  	_ =	shalt  }
0x55: {  	_ =	shalt  }
0x56: {  	_ =	shalt  }
0x57: {  	_ =	shalt  }
0x58: {  	_ =	shalt  }
0x59: {  	_ =	shalt  }
0x5a: {  	_ =	shalt  }
0x5b: {  	_ =	shalt  }
0x5c: {  	_ =	shalt  }
0x5d: {  	_ =	shalt  }
0x5e: {  	_ =	shalt  }
0x5f: {  	_ =	shalt  }
0x60: {  	_ =	shalt  }
0x61: {  	_ =	shalt  }
0x62: {  	_ =	shalt  }
0x63: {  	_ =	shalt  }
0x64: {  	_ =	shalt  }
0x65: {  	_ =	shalt  }
0x66: {  	_ =	shalt  }
0x67: {  	_ =	shalt  }
0x68: {  	_ =	shalt  }
0x69: {  	_ =	shalt  }
0x6a: {  	_ =	shalt  }
0x6b: {  	_ =	shalt  }
0x6c: {  	_ =	shalt  }
0x6d: {  	_ =	shalt  }
0x6e: {  	_ =	shalt  }
0x6f: {  	_ =	shalt  }
0x70: {  	_ =	shalt  }
0x71: {  	_ =	shalt  }
0x72: {  	_ =	shalt  }
0x73: {  	_ =	shalt  }
0x74: {  	_ =	shalt  }
0x75: {  	_ =	shalt  }
0x76: {  	_ =	shalt  }
0x77: {  	_ =	shalt  }
0x78: {  	_ =	shalt  }
0x79: {  	_ =	shalt  }
0x7a: {  	_ =	shalt  }
0x7b: {  	_ =	shalt  }
0x7c: {  	_ =	shalt  }
0x7d: {  	_ =	shalt  }
0x7e: {  	_ =	shalt  }
0x7f: {  	_ =	shalt  }
0x80: {  	_ =	shalt  }
0x81: {  	_ =	shalt  }
0x82: {  	_ =	shalt  }
0x83: {  	_ =	shalt  }
0x84: {  	_ =	shalt  }
0x85: {  	_ =	shalt  }
0x86: {  	_ =	shalt  }
0x87: {  	_ =	shalt  }
.Lfunc_end0:
.L_simem_size_0:
called_computation.2_lowered:
.L_overlay_start_0:
0x88: {  	s2 =	sld [smem:$0x3FD9]  }
0x89: {  	s3 =	sld [smem:$0x3FFE];
	_ =	sdelay $0x1  }
0x8a: {  	s1 =	srdreg.scid  }
0x8b: {  	s0 =	sand.u32 $0x1, s1  }
0x8c: {  	s17 =	sshll.u32 s0, $0xA;
	s2 =	sadd.s32 s3, s2  }
0x8d: {  	s2 =	sadd.s32 s2, s17  }
0x8e: {  	[smem:$0x3FC2] =	sst s2  }
0x8f: {  	_ = 	snop  }
0x90: {  	s2 =	sld [smem:$0x3FD0];
	(tm) =	ssettm $0x1  }
0x91: {  	s18 =	sld [smem:$0x3FFB];
	_ =	sdelay $0x3  }
0x92: {  	_ =	strace s18  }
0x93: {  	s3 =	sld [smem:$0x3FFC];
	_ =	sdelay $0x3  }
0x94: {  	_ =	strace s3  }
0x95: {  	s3 =	sld [smem:$0x3FFD];
	_ =	sdelay $0x3  }
0x96: {  	_ =	strace s3  }
0x97: {  	_ =	strace $0x8FFFFFFF  }
0x98: {  	s19 =	sld [smem:$0x3FDB];
	_ =	sdelay $0x1  }
0x99: {  	s4 =	simm.s32 $_scs_section_size  }
0x9a: {  	s5 =	simm.s32 $_size__tile_overlayer_lowered;
	s6 =	simm.s32 $_tile_overlayer_lowered  }
0x9b: {  	s22 =	simm.s32 $0x1BFF;
	s21 =	sshll.u32 s6, $0x1;
	s3 =	sadd.s32 s4, s19  }
0x9c: {  	s7 =	simm.s32 $0x0;
	s20 =	sshll.u32 s5, $0x1;
	s5 =	sadd.s32 s21, s3  }
0x9d: {  	[timem:s7], [sflag:s22] =	dma.local [hbm:s5], s20  }
0x9e: {  	_ =	swait.ge [sflag:s22], s20  }
0x9f: {  	s4 =	ssub.s32 $0x0, s20;
	[sflag:s22] =	ssyncset.done $0x0  }
0xa0: {  	[sflag:s22] =	ssyncadd.s32 s4;
	_ =	sdelay $0x1  }
0xa1: {  	s23 =	simm.s32 $0x1B8B  }
0xa2: {  	_ =	swait.ge [sflag:s23], $0x1  }
0xa3: {  	[sflag:s23] =	ssyncset.done $0x0  }
0xa4: {  	s25 =	simm.s32 $0x1B8E;
	s24 =	sld [smem:$0x3FFE];
	[sflag:s23] =	ssyncadd.s32 $0xFFFFFFFF  }
0xa5: {  	s26 =	simm.s32 $execute0_lowered;
	[smem:$0x3FD2] =	sst s25  }
0xa6: {  	s5 =	sshll.u32 s26, $0x1;
	_ =	strace $0x8000004C;
	[dreg:$0x1] =	wrdreg $0xFFFFFFFF  }
0xa7: {  	s28 =	simm.s32 $_size_execute0_lowered;
	s3 =	sadd.s32 s3, s5;
	[dreg:$0x0] =	wrdreg $0x0  }
0xa8: {  	s5 =	sshll.u32 s28, $0x1;
	[dreg:$0x2] =	wrdreg s3  }
0xa9: {  	[dreg:$0x3] =	wrdreg s5  }
0xaa: {  	[dreg:$0x4] =	wrdreg $0xC0  }
0xab: {  	_ =	task [dreg:s7], $0x5FFFF  }
0xac: {  	[dreg:$0x1] =	wrdreg $0xFFFFFFFF  }
0xad: {  	[dreg:$0x0] =	wrdreg $0x60  }
0xae: {  	[dreg:$0x2] =	wrdreg s24  }
0xaf: {  	[dreg:$0x3] =	wrdreg s2  }
0xb0: {  	[dreg:$0x4] =	wrdreg $0xB7800  }
0xb1: {  	[dreg:$0x5] =	wrdreg $0x9  }
0xb2: {  	_ =	task.clear_ibuf [dreg:s7], $0x6FFFF;
	_ =	strace $0x9000004C  }
0xb3: {  	s29 =	simm.s32 $0x9;
	_ =	strace $0x8000004E  }
0xb4: {  	_ =	swait.ge [sflag:s29], $0x1  }
0xb5: {  	[sflag:s29] =	ssyncadd.s32 $0xFFFFFFFF  }
0xb6: {  	_ =	strace $0x9000004E  }
0xb7: {  	_ =	sfence  }
0xb8: {  	s30 =	sld [smem:$0x0];
	_ =	sdelay $0x2  }
0xb9: {  	s31 =	sshll.u32 s1, $0xD;
	s1 =	sshrl.u32 s1, $0x2  }
0xba: {  	s3 =	sand.u32 $0x4000, s31;
	s1 =	sadd.s32 s1, s30  }
0xbb: {  	s0 =	sor.u32 s3, s0;
	s1 =	sshll.u32 s1, $0x11  }
0xbc: {  	s0 =	sor.u32 s1, s0  }
0xbd: {  	s0 =	sadd.s32 $0x8F2B, s0  }
0xbe: {  	[sflag:s0] =	ssyncadd.remote.s32 $0x1  }
0xbf: {  	_ =	sfence.sel $0xFFFF  }
0xc0: {  	[dreg:$0x0] =	wrdreg $0xFFFFFFFF;
	(pc) =	sbr.abs _section_cstart, $3  }
0xc1: {  	[dreg:$0x1] =	wrdreg $0xFFFFFFFF  }
0xc2: {  	_ =	task.clear_ibuf [dreg:s7], $0x2FFFF;
	_ =	strace $0x9FFFFFFF  }
0xc3: {  	(tm) =	ssettm $0x7FFFFFFF  }
tec
execute0_lowered:
.L_overlay_start_1:
0x0: {  	(tag) =	ssettag $0x1  }
0x1: {  	s8 =	rddreg [dreg:$0x0]  }
0x2: {  	s1 =	rddreg [dreg:$0x1]  }
0x3: {  	s3 =	rddreg [dreg:$0x2]  }
0x4: {  	s0 =	rddreg [dreg:$0x3]  }
0x5: {  	s4 =	simm.s32 $0x0;
	s2 =	stileid.u32;
	s9 =	srdreg.scid  }
0x6: {  	s17 =	simm.s32 $0x6780;
	s18 =	simm.s32 $0x50;
	s19 =	simm.s32 $0x8F80  }
0x7: {  	s20 =	simm.s32 $0x1;
	s21 =	simm.s32 $0x4;
	s22 =	simm.s32 $0x2  }
0x8: {  	s23 =	simm.s32 $0x6580;
	s24 =	simm.s32 $0x0;
	[smem:$0x7FF] =	sst s4  }
0x9: {  	s7 =	smul.u32 $0x4E2, s2;
	s5 =	sadd.s32 $0x61C00, s8;
	s6 =	sadd.s32 $0x88E00, s8  }
0xa: {  	s30 =	sshll.u32 s2, $0xB;
	s11 =	sand.u32 $0x1, s9;
	s13 =	smul.u32 $0x4F000, s2  }
0xb: {  	s15 =	sshll.u32 s2, $0x6;
	_ =	strace $0x8000004D;
	s31 =	sadd.s32 s30, s8  }
0xc: {  	s12 =	ssub.s32 $0x2, s11;
	p0 =	seq.s32 s11, $0x1;
	s11 =	smul.u32 $0x2780, s2  }
.Ltmp0:
0xd: {  	s15 =	sor.u32 $0x1C03, s15;
	s10 =	sadd.s32 s7, s8;
	(pc) =	sbr.rel .LBB2_1-.Ltmp0, $4  }
0xe: {  	s7 =	sadd.s32 $0x8400, s8;
	s8 =	sadd.s32 $0xB0000, s8;
	s14 =	sshrl.u32 s12, $0x1  }
0xf: {  	s9 =	sadd.s32 $0x59C00, s31;
	s13 =	sshrl.u32 s13, $0x2;
	s12 =	ssub.s32 s12, s14  }
0x10: {  	s16 =	sadd.s32 s13, s3;
	s10 =	sadd.s32 $0x3400, s10;
	s13 =	simm.s32 $0x2780  }
0x11: {  	s14 =	simm.s32 $0x3;
	s12 =	smax.u32 s12, $0x1;
	s16 =	sshrl.u32 s16, $0x3  }
.LBB2_7:
0x12: {  	[sflag:s14] =	ssyncadd.s32 $0xFFFFD800  }
0x13: {  	_ =	swait.ge [sflag:s20], $0x2800  }
0x14: {  	[sflag:s20] =	ssyncset.done $0x0  }
0x15: {  	s25 =	smov.u32 s8;
	[sflag:s20] =	ssyncadd.s32 $0xFFFFD800  }
0x16: {  	[spmem:s3] =	stream.indirect.scatter.add.f32 [tilespmem:s17], [sflag:$0x4], $0x80, s23, s18, $0xb8;
	[tilespmem:$0x1F380] =	vst v63  }
.LBB2_8:
0x17: {  	_ =	swait.ge [sflag:s21], $0x2800  }
0x18: {  	[sflag:s21] =	ssyncset.done $0x0  }
0x19: {  	s24 =	sadd.s32 $0x1, s24;
	[sflag:s21] =	ssyncadd.s32 $0xFFFFD800  }
0x1a: {  	s25 =	sadd.s32 s25, s11;
	p1 =	sne.s32 s24, s12;
	[bflag:$0x0] =	sbarrier.arrive $0xFFFF  }
0x1b: {  	[hbm:s25], [sflag:s15] =	dma.local [spmem:s16], $0x2780  }
.Ltmp1:
0x1c: {  	_ =	swait.ge [sflag:s14], $0x2780;
	(pc) =	sbr.rel @!p1 .LBB2_9-.Ltmp1, $3  }
0x1d: {  	[sflag:s14] =	ssyncset.done $0x0  }
0x1e: {  	[sflag:s14] =	ssyncadd.s32 $0xFFFFD880  }
0x1f: {  	[bflag:$0x0] =	sbarrier.arrive $0xFFFF;
	_ =	sdelay $0x1  }
.LBB2_1:
0x20: {  	[tilespmem:s13], [sflag:$0x3] =	stream.linear.gather [hbm4b:s9+s4], $0x3E80, $0x38;
	[tilespmem:$0x1F380] =	vst v63  }
0x21: {  	_ =	swait.ge [sflag:s14], $0x3E80  }
0x22: {  	[sflag:s14] =	ssyncset.done $0x0  }
0x23: {  	[sflag:s14] =	ssyncadd.s32 $0xFFFFC180  }
0x24: {  	[spmem:s16], [sflag:s15] =	dma.local [hbm:s7], $0x2780  }
0x25: {  	_ =	swait.ge [sflag:s14], $0x2780  }
0x26: {  	[sflag:s14] =	ssyncset.done $0x0  }
0x27: {  	[sflag:s14] =	ssyncadd.s32 $0xFFFFD880  }
.Ltmp2:
0x28: {  	[bflag:$0x0] =	sbarrier.arrive $0xFFFF;
	(pc) =	sbr.rel @!p0 .LBB2_2-.Ltmp2, $4  }
0x29: {  	[tilespmem:s4], [sflag:$0x3] =	stream.linear.gather [hbm4b:s10+s4], $0x2710, $0x38;
	[tilespmem:$0x1F380] =	vst v63  }
0x2a: {  	_ =	swait.ge [sflag:s14], $0x2710  }
0x2b: {  	[sflag:s14] =	ssyncset.done $0x0  }
0x2c: {  	s25 =	simm.s32 $0x50;
	s26 =	simm.s32 $0x0;
	[sflag:s14] =	ssyncadd.s32 $0xFFFFD8F0  }
0x2d: {  	[tilespmem:s17], [sflag:$0x1] =	stream.indirect.gather [hbm4b:s6+s25], $0x80, s26, s25, $0xb8;
	[tilespmem:$0x1F380] =	vst v63  }
0x2e: {  	_ = 	snop  }
0x2f: {  	[tilespmem:s19], [sflag:$0x2] =	stream.indirect.gather [hbm4b:s6+s18], $0x80, s25, s18, $0xb8;
	[tilespmem:$0x1F380] =	vst v63  }
0x30: {  	_ =	swait.ge [sflag:s20], $0x2800  }
0x31: {  	[sflag:s20] =	ssyncset.done $0x0  }
0x32: {  	s29 =	simm.s32 $0x2780;
	[sflag:s20] =	ssyncadd.s32 $0xFFFFD800  }
0x33: {  	[spmem:s3] =	stream.indirect.scatter.add.f32 [tilespmem:s17], [sflag:$0x4], $0x80, s29, s18, $0xb8;
	[tilespmem:$0x1F380] =	vst v63  }
0x34: {  	_ =	swait.ge [sflag:s21], $0x2800  }
0x35: {  	[sflag:s21] =	ssyncset.done $0x0  }
0x36: {  	s30 =	simm.s32 $0xA0;
	[sflag:s21] =	ssyncadd.s32 $0xFFFFD800  }
0x37: {  	[tilespmem:s17], [sflag:$0x1] =	stream.indirect.gather [hbm4b:s6+s18], $0x80, s30, s18, $0xb8;
	[tilespmem:$0x1F380] =	vst v63  }
0x38: {  	_ =	swait.ge [sflag:s22], $0x2800  }
0x39: {  	[sflag:s22] =	ssyncset.done $0x0  }
0x3a: {  	s31 =	simm.s32 $0x2800;
	[sflag:s22] =	ssyncadd.s32 $0xFFFFD800  }
0x3b: {  	[spmem:s3] =	stream.indirect.scatter.add.f32 [tilespmem:s19], [sflag:$0x3], $0x80, s31, s18, $0xb8;
	[tilespmem:$0x1F380] =	vst v63  }
0x3c: {  	_ =	swait.ge [sflag:s14], $0x2800  }
0x3d: {  	s26 =	simm.s32 $0x400;
	[sflag:s14] =	ssyncset.done $0x0  }
.LBB2_6:
0x3e: {  	p1 =	sne.s32 s26, $0xF400;
	[sflag:s14] =	ssyncadd.s32 $0xFFFFD800;
	s25 =	sadd.s32 $0xA0, s25  }
0x3f: {  	[tilespmem:s19], [sflag:$0x2] =	stream.indirect.gather [hbm4b:s6+s18], $0x80, s25, s18, $0xb8;
	[tilespmem:$0x1F380] =	vst v63  }
0x40: {  	s28 =	smov.u32 s26;
	s26 =	sadd.s32 $0x400, s26;
	_ =	swait.ge [sflag:s20], $0x2800  }
0x41: {  	s28 =	sshra.s32 s28, $0x2;
	[sflag:s20] =	ssyncset.done $0x0  }
0x42: {  	s29 =	sadd.s32 $0x2780, s28;
	[sflag:s20] =	ssyncadd.s32 $0xFFFFD800  }
0x43: {  	[spmem:s3] =	stream.indirect.scatter.add.f32 [tilespmem:s17], [sflag:$0x4], $0x80, s29, s18, $0xb8;
	[tilespmem:$0x1F380] =	vst v63  }
0x44: {  	_ =	swait.ge [sflag:s21], $0x2800  }
0x45: {  	[sflag:s21] =	ssyncset.done $0x0  }
0x46: {  	s29 =	sadd.s32 $0x50, s25;
	[sflag:s21] =	ssyncadd.s32 $0xFFFFD800  }
0x47: {  	[tilespmem:s17], [sflag:$0x1] =	stream.indirect.gather [hbm4b:s6+s18], $0x80, s29, s18, $0xb8;
	[tilespmem:$0x1F380] =	vst v63  }
0x48: {  	_ =	swait.ge [sflag:s22], $0x2800  }
.Ltmp3:
0x49: {  	[sflag:s22] =	ssyncset.done $0x0;
	(pc) =	sbr.rel @p1 .LBB2_6-.Ltmp3, $4  }
0x4a: {  	s28 =	sadd.s32 $0x2800, s28;
	[sflag:s22] =	ssyncadd.s32 $0xFFFFD800  }
0x4b: {  	[spmem:s3] =	stream.indirect.scatter.add.f32 [tilespmem:s19], [sflag:$0x3], $0x80, s28, s18, $0xb8;
	[tilespmem:$0x1F380] =	vst v63  }
0x4c: {  	_ =	swait.ge [sflag:s14], $0x2800  }
0x4d: {  	[sflag:s14] =	ssyncset.done $0x0  }
.Ltmp4:
0x4e: {  	_ = 	snop;
	(pc) =	sbr.rel .LBB2_7-.Ltmp4, $1  }
0x4f: {  	_ =	sdelay $0x3  }
.LBB2_2:
0x50: {  	[tilespmem:s17], [sflag:$0x1] =	stream.indirect.gather [hbm4b:s5+s25], $0x80, s26, s25, $0xb8;
	[tilespmem:$0x1F380] =	vst v63  }
0x51: {  	_ = 	snop  }
0x52: {  	[tilespmem:s19], [sflag:$0x2] =	stream.indirect.gather [hbm4b:s5+s18], $0x80, s25, s18, $0xb8;
	[tilespmem:$0x1F380] =	vst v63  }
0x53: {  	_ =	swait.ge [sflag:s20], $0x2800  }
0x54: {  	[sflag:s20] =	ssyncset.done $0x0  }
0x55: {  	s29 =	simm.s32 $0x2780;
	[sflag:s20] =	ssyncadd.s32 $0xFFFFD800  }
0x56: {  	[spmem:s3] =	stream.indirect.scatter.add.f32 [tilespmem:s17], [sflag:$0x4], $0x80, s29, s18, $0xb8;
	[tilespmem:$0x1F380] =	vst v63  }
0x57: {  	_ =	swait.ge [sflag:s21], $0x2800  }
0x58: {  	[sflag:s21] =	ssyncset.done $0x0  }
0x59: {  	s30 =	simm.s32 $0xA0;
	[sflag:s21] =	ssyncadd.s32 $0xFFFFD800  }
0x5a: {  	[tilespmem:s17], [sflag:$0x1] =	stream.indirect.gather [hbm4b:s5+s18], $0x80, s30, s18, $0xb8;
	[tilespmem:$0x1F380] =	vst v63  }
0x5b: {  	_ =	swait.ge [sflag:s22], $0x2800  }
0x5c: {  	[sflag:s22] =	ssyncset.done $0x0  }
0x5d: {  	s31 =	simm.s32 $0x2800;
	[sflag:s22] =	ssyncadd.s32 $0xFFFFD800  }
0x5e: {  	[spmem:s3] =	stream.indirect.scatter.add.f32 [tilespmem:s19], [sflag:$0x3], $0x80, s31, s18, $0xb8;
	[tilespmem:$0x1F380] =	vst v63  }
0x5f: {  	_ =	swait.ge [sflag:s14], $0x2800  }
0x60: {  	s26 =	simm.s32 $0x400;
	[sflag:s14] =	ssyncset.done $0x0  }
.LBB2_3:
0x61: {  	p1 =	sne.s32 s26, $0xF400;
	[sflag:s14] =	ssyncadd.s32 $0xFFFFD800;
	s25 =	sadd.s32 $0xA0, s25  }
0x62: {  	[tilespmem:s19], [sflag:$0x2] =	stream.indirect.gather [hbm4b:s5+s18], $0x80, s25, s18, $0xb8;
	[tilespmem:$0x1F380] =	vst v63  }
0x63: {  	s28 =	smov.u32 s26;
	s26 =	sadd.s32 $0x400, s26;
	_ =	swait.ge [sflag:s20], $0x2800  }
0x64: {  	s28 =	sshra.s32 s28, $0x2;
	[sflag:s20] =	ssyncset.done $0x0  }
0x65: {  	s29 =	sadd.s32 $0x2780, s28;
	[sflag:s20] =	ssyncadd.s32 $0xFFFFD800  }
0x66: {  	[spmem:s3] =	stream.indirect.scatter.add.f32 [tilespmem:s17], [sflag:$0x4], $0x80, s29, s18, $0xb8;
	[tilespmem:$0x1F380] =	vst v63  }
0x67: {  	_ =	swait.ge [sflag:s21], $0x2800  }
0x68: {  	[sflag:s21] =	ssyncset.done $0x0  }
0x69: {  	s29 =	sadd.s32 $0x50, s25;
	[sflag:s21] =	ssyncadd.s32 $0xFFFFD800  }
0x6a: {  	[tilespmem:s17], [sflag:$0x1] =	stream.indirect.gather [hbm4b:s5+s18], $0x80, s29, s18, $0xb8;
	[tilespmem:$0x1F380] =	vst v63  }
0x6b: {  	_ =	swait.ge [sflag:s22], $0x2800  }
.Ltmp5:
0x6c: {  	[sflag:s22] =	ssyncset.done $0x0;
	(pc) =	sbr.rel @p1 .LBB2_3-.Ltmp5, $4  }
0x6d: {  	s28 =	sadd.s32 $0x2800, s28;
	[sflag:s22] =	ssyncadd.s32 $0xFFFFD800  }
0x6e: {  	[spmem:s3] =	stream.indirect.scatter.add.f32 [tilespmem:s19], [sflag:$0x3], $0x80, s28, s18, $0xb8;
	[tilespmem:$0x1F380] =	vst v63  }
0x6f: {  	_ =	swait.ge [sflag:s14], $0x2800  }
0x70: {  	[sflag:s14] =	ssyncset.done $0x0  }
.Ltmp6:
0x71: {  	[sflag:s14] =	ssyncadd.s32 $0xFFFFD800;
	(pc) =	sbr.rel .LBB2_8-.Ltmp6, $4  }
0x72: {  	_ =	swait.ge [sflag:s20], $0x2800  }
0x73: {  	[sflag:s20] =	ssyncset.done $0x0  }
0x74: {  	s25 =	smov.u32 s1;
	[sflag:s20] =	ssyncadd.s32 $0xFFFFD800  }
0x75: {  	[spmem:s3] =	stream.indirect.scatter.add.f32 [tilespmem:s17], [sflag:$0x4], $0x80, s23, s18, $0xb8;
	[tilespmem:$0x1F380] =	vst v63  }
.LBB2_9:
0x76: {  	_ =	sfence.sel $0x180000  }
0x77: {  	[bflag:$0x0] =	sbarrier.arrive $0xFFFF  }
0x78: {  	p0 =	sne.s32 s2, $0x0;
	_ =	strace $0x9000004D  }
0x79: {  	s0 =	sadd.s32 @!p0 $0x100000, s0;
	[bflag:$0x2] =	sbarrier.arrive $0xFFFF  }
0x7a: {  	[sflag:s0] =	ssyncadd.tile.s32 @!p0 $0x1;
	_ =	shalt  }
.Lfunc_end2:
_tile_overlayer_lowered:
.L_overlay_start_2:
0x7b: {  	(tag) =	ssettag $0x2  }
0x7c: {  	s0 =	rddreg [dreg:$0x0];
	s2 =	stileid.u32  }
0x7d: {  	s1 =	rddreg [dreg:$0x1];
	p0 =	sne.s32 s2, $0x0  }
0x7e: {  	s3 =	rddreg [dreg:$0x2];
	[bflag:$0x3] =	sbarrier.arrive $0xFFFF;
	s2 =	simm.s32 @!p0 $0x1C03  }
0x7f: {  	[timem:s3], [sflag:s2] =	dma.local @!p0 [hbm:s0], s1  }
0x80: {  	s0 =	simm.s32 @!p0 $0x3  }
0x81: {  	_ =	swait.ge @!p0 [sflag:s0], s1  }
0x82: {  	s1 =	ssub.s32 @!p0 $0x0, s1;
	[sflag:s0] =	ssyncset.done @!p0 $0x0  }
0x83: {  	[sflag:s0] =	ssyncadd.s32 @!p0 s1  }
0x84: {  	[bflag:$0x3] =	sbarrier.arrive $0xFFFF  }
0x85: {  	_ =	shalt  }

// kernel: kernel.8.cloned.1.call-start
scs
__scs_entry_jumppad:
0x0: {  	(pc) =	sbr.rel $0x88, $3  }
0x1: {  	(tag) =	ssettag $0x0;
	lr =	simm.s32 $0x1  }
0x2: {  	[smem:$0x3F9B] =	sst lr;
	_ =	strace $0xD0000000  }
0x3: {  	_ = 	snop  }
0x4: {  	_ = 	snop  }
0x5: {  	_ = 	snop  }
0x6: {  	_ = 	snop  }
0x7: {  	_ = 	snop  }
__scs_overlays_trampoline_lowered:
0x8: {  	[smem:$0x3FAA] =	sst s0  }
0x9: {  	[smem:$0x3FAB] =	sst s1  }
0xa: {  	[smem:$0x3FAC] =	sst s2  }
0xb: {  	[smem:$0x3FAD] =	sst s3  }
0xc: {  	[smem:$0x3FAE] =	sst s4  }
0xd: {  	[smem:$0x3FAF] =	sst s5  }
0xe: {  	[smem:$0x3FB0] =	sst s6  }
0xf: {  	[smem:$0x3FB1] =	sst s7  }
0x10: {  	[smem:$0x3FB2] =	sst s8  }
0x11: {  	[smem:$0x3FB3] =	sst s9;
	s0 =	simm.s32 @!p0 $0x0  }
0x12: {  	s1 =	sld [smem:$0x3F99];
	s0 =	simm.s32 @p0 $0x1  }
0x13: {  	[smem:$0x3FB4] =	sst s0;
	s0 =	simm.s32 @!p1 $0x0  }
0x14: {  	s2 =	sld [smem:$0x3F98];
	s0 =	simm.s32 @p1 $0x1  }
0x15: {  	[smem:$0x3FB5] =	sst s0;
	s0 =	simm.s32 @!p2 $0x0  }
0x16: {  	s3 =	sld [smem:$0x3FDB];
	s0 =	simm.s32 @p2 $0x1  }
0x17: {  	s4 =	simm.s32 $0x1BF5;
	[smem:$0x3FB7] =	sst s0  }
0x18: {  	s0 =	sld [smem:$0x3F9A];
	_ =	swait.ge [sflag:s4], $0x0  }
0x19: {  	s7 =	sld [smem:$0x3F9B]  }
0x1a: {  	s8 =	sadd.s32 $0xFFFFE003, lr  }
0x1b: {  	s9 =	sadd.s32 $0xFFFFFEF7, lr;
	s5 =	simm.s32 $0xFFFFFFFF;
	p2 =	slt.u32 s8, $0xFFFFF086  }
0x1c: {  	p1 =	slt.u32 s9, $0xF7A;
	s5 =	simm.s32 @!p2 $0x0  }
0x1d: {  	s5 =	simm.s32 @p1 $0x1;
	p0 =	seq.s32 s7, s2  }
0x1e: {  	s7 =	smul.u32 @!p0 $0xF7A, s2;
	p2 =	seq.s32 @!p0 s5, $0x0  }
0x1f: {  	s9 =	smul.u32 $0xF7A, s1;
	s8 =	simm.s32 @!p0 $0x1BF5;
	p2 =	por !p2, p0  }
0x20: {  	[sflag:s8] =	ssyncset.s32 @!p0 $0xFFFFF086;
	s6 =	sadd.s32 @!p0 s3, s7;
	s7 =	simm.s32 @!p0 $0x108  }
0x21: {  	s3 =	sadd.s32 s3, s9;
	s6 =	sadd.s32 @!p0 $0x88, s6;
	s7 =	simm.s32 @p2 $0x1082  }
0x22: {  	[simem:s7], [sflag:s8] =	dma.local @!p0 [hbm:s6], $0xF7A  }
0x23: {  	s9 =	sor.u32 $0xD0000000, s2;
	s6 =	simm.s32 $0x108;
	_ =	swait.ge @!p0 [sflag:s8], $0x0  }
0x24: {  	s3 =	sadd.s32 $0x88, s3;
	s6 =	simm.s32 @!p1 $0x1082;
	[sflag:s4] =	ssyncset.s32 $0xFFFFF086  }
0x25: {  	[simem:s6], [sflag:s4] =	dma.local [hbm:s3], $0xF7A  }
0x26: {  	[smem:$0x3F9B] =	sst s1;
	(tag) =	ssettag s2;
	_ =	strace s9  }
0x27: {  	s1 =	sld [smem:$0x3FAB]  }
0x28: {  	s2 =	sld [smem:$0x3FAC]  }
0x29: {  	s4 =	sld [smem:$0x3FAE]  }
0x2a: {  	p0 =	seq.s32 s5, $0x0;
	s5 =	sld [smem:$0x3FAF]  }
0x2b: {  	s6 =	sld [smem:$0x3FB0]  }
0x2c: {  	s7 =	sld [smem:$0x3FB1]  }
0x2d: {  	s3 =	simm.s32 $0x108;
	s8 =	sld [smem:$0x3FB2]  }
0x2e: {  	s3 =	simm.s32 @!p0 $0x1082;
	s9 =	sld [smem:$0x3FB3]  }
0x2f: {  	lr =	sadd.s32 s0, s3;
	s0 =	sld [smem:$0x3FAA]  }
0x30: {  	s3 =	sld [smem:$0x3FAD]  }
0x31: {  	[smem:$0x3FB6] =	sst s10  }
0x32: {  	s10 =	sld [smem:$0x3FB4];
	_ =	sdelay $0x3  }
0x33: {  	p0 =	seq.s32 s10, $0x1;
	s10 =	sld [smem:$0x3FB6];
	_ =	sdelay $0x3  }
0x34: {  	[smem:$0x3FB6] =	sst s10  }
0x35: {  	s10 =	sld [smem:$0x3FB5];
	_ =	sdelay $0x3  }
0x36: {  	p1 =	seq.s32 s10, $0x1;
	s10 =	sld [smem:$0x3FB6];
	_ =	sdelay $0x3  }
0x37: {  	[smem:$0x3FB6] =	sst s10  }
0x38: {  	s10 =	sld [smem:$0x3FB7]  }
0x39: {  	_ = 	snop;
	(pc) =	sbr.ind lr, $3  }
0x3a: {  	_ = 	snop  }
0x3b: {  	_ = 	snop  }
0x3c: {  	p2 =	seq.s32 s10, $0x1;
	s10 =	sld [smem:$0x3FB6]  }
0x3d: {  	_ =	shalt  }
0x3e: {  	_ =	shalt  }
0x3f: {  	_ =	shalt  }
0x40: {  	_ =	shalt  }
0x41: {  	_ =	shalt  }
0x42: {  	_ =	shalt  }
0x43: {  	_ =	shalt  }
0x44: {  	_ =	shalt  }
0x45: {  	_ =	shalt  }
0x46: {  	_ =	shalt  }
0x47: {  	_ =	shalt  }
0x48: {  	_ =	shalt  }
0x49: {  	_ =	shalt  }
0x4a: {  	_ =	shalt  }
0x4b: {  	_ =	shalt  }
0x4c: {  	_ =	shalt  }
0x4d: {  	_ =	shalt  }
0x4e: {  	_ =	shalt  }
0x4f: {  	_ =	shalt  }
0x50: {  	_ =	shalt  }
0x51: {  	_ =	shalt  }
0x52: {  	_ =	shalt  }
0x53: {  	_ =	shalt  }
0x54: {  	_ =	shalt  }
0x55: {  	_ =	shalt  }
0x56: {  	_ =	shalt  }
0x57: {  	_ =	shalt  }
0x58: {  	_ =	shalt  }
0x59: {  	_ =	shalt  }
0x5a: {  	_ =	shalt  }
0x5b: {  	_ =	shalt  }
0x5c: {  	_ =	shalt  }
0x5d: {  	_ =	shalt  }
0x5e: {  	_ =	shalt  }
0x5f: {  	_ =	shalt  }
0x60: {  	_ =	shalt  }
0x61: {  	_ =	shalt  }
0x62: {  	_ =	shalt  }
0x63: {  	_ =	shalt  }
0x64: {  	_ =	shalt  }
0x65: {  	_ =	shalt  }
0x66: {  	_ =	shalt  }
0x67: {  	_ =	shalt  }
0x68: {  	_ =	shalt  }
0x69: {  	_ =	shalt  }
0x6a: {  	_ =	shalt  }
0x6b: {  	_ =	shalt  }
0x6c: {  	_ =	shalt  }
0x6d: {  	_ =	shalt  }
0x6e: {  	_ =	shalt  }
0x6f: {  	_ =	shalt  }
0x70: {  	_ =	shalt  }
0x71: {  	_ =	shalt  }
0x72: {  	_ =	shalt  }
0x73: {  	_ =	shalt  }
0x74: {  	_ =	shalt  }
0x75: {  	_ =	shalt  }
0x76: {  	_ =	shalt  }
0x77: {  	_ =	shalt  }
0x78: {  	_ =	shalt  }
0x79: {  	_ =	shalt  }
0x7a: {  	_ =	shalt  }
0x7b: {  	_ =	shalt  }
0x7c: {  	_ =	shalt  }
0x7d: {  	_ =	shalt  }
0x7e: {  	_ =	shalt  }
0x7f: {  	_ =	shalt  }
0x80: {  	_ =	shalt  }
0x81: {  	_ =	shalt  }
0x82: {  	_ =	shalt  }
0x83: {  	_ =	shalt  }
0x84: {  	_ =	shalt  }
0x85: {  	_ =	shalt  }
0x86: {  	_ =	shalt  }
0x87: {  	_ =	shalt  }
.Lfunc_end0:
.L_simem_size_0:
called_computation_lowered:
.L_overlay_start_0:
0x88: {  	s2 =	sld [smem:$0x3FD9]  }
0x89: {  	s3 =	sld [smem:$0x3FFE];
	_ =	sdelay $0x1  }
0x8a: {  	s1 =	srdreg.scid  }
0x8b: {  	s0 =	sand.u32 $0x1, s1  }
0x8c: {  	s17 =	sshll.u32 s0, $0xA;
	s2 =	sadd.s32 s3, s2  }
0x8d: {  	s2 =	sadd.s32 s2, s17  }
0x8e: {  	[smem:$0x3FC2] =	sst s2  }
0x8f: {  	_ = 	snop  }
0x90: {  	s2 =	sld [smem:$0x3FD0];
	(tm) =	ssettm $0x1  }
0x91: {  	s18 =	sld [smem:$0x3FFB];
	_ =	sdelay $0x3  }
0x92: {  	_ =	strace s18  }
0x93: {  	s3 =	sld [smem:$0x3FFC];
	_ =	sdelay $0x3  }
0x94: {  	_ =	strace s3  }
0x95: {  	s3 =	sld [smem:$0x3FFD];
	_ =	sdelay $0x3  }
0x96: {  	_ =	strace s3  }
0x97: {  	_ =	strace $0x8FFFFFFF  }
0x98: {  	s19 =	sld [smem:$0x3FDB];
	_ =	sdelay $0x1  }
0x99: {  	s4 =	simm.s32 $_scs_section_size  }
0x9a: {  	s5 =	simm.s32 $_size__tile_overlayer_lowered;
	s6 =	simm.s32 $_tile_overlayer_lowered  }
0x9b: {  	s22 =	simm.s32 $0x1BFF;
	s21 =	sshll.u32 s6, $0x1;
	s3 =	sadd.s32 s4, s19  }
0x9c: {  	s7 =	simm.s32 $0x0;
	s20 =	sshll.u32 s5, $0x1;
	s5 =	sadd.s32 s21, s3  }
0x9d: {  	[timem:s7], [sflag:s22] =	dma.local [hbm:s5], s20  }
0x9e: {  	_ =	swait.ge [sflag:s22], s20  }
0x9f: {  	s4 =	ssub.s32 $0x0, s20;
	[sflag:s22] =	ssyncset.done $0x0  }
0xa0: {  	[sflag:s22] =	ssyncadd.s32 s4;
	_ =	sdelay $0x1  }
0xa1: {  	s23 =	simm.s32 $0x1B8B  }
0xa2: {  	_ =	swait.ge [sflag:s23], $0x1  }
0xa3: {  	[sflag:s23] =	ssyncset.done $0x0  }
0xa4: {  	s25 =	simm.s32 $0x1B8E;
	s24 =	sld [smem:$0x3FFE];
	[sflag:s23] =	ssyncadd.s32 $0xFFFFFFFF  }
0xa5: {  	s26 =	simm.s32 $execute0_lowered;
	[smem:$0x3FD2] =	sst s25  }
0xa6: {  	s5 =	sshll.u32 s26, $0x1;
	_ =	strace $0x80000046;
	[dreg:$0x1] =	wrdreg $0xFFFFFFFF  }
0xa7: {  	s28 =	simm.s32 $_size_execute0_lowered;
	s3 =	sadd.s32 s3, s5;
	[dreg:$0x0] =	wrdreg $0x0  }
0xa8: {  	s5 =	sshll.u32 s28, $0x1;
	[dreg:$0x2] =	wrdreg s3  }
0xa9: {  	[dreg:$0x3] =	wrdreg s5  }
0xaa: {  	[dreg:$0x4] =	wrdreg $0xC0  }
0xab: {  	_ =	task [dreg:s7], $0x5FFFF  }
0xac: {  	[dreg:$0x1] =	wrdreg $0xFFFFFFFF  }
0xad: {  	[dreg:$0x0] =	wrdreg $0x60  }
0xae: {  	[dreg:$0x2] =	wrdreg s2  }
0xaf: {  	[dreg:$0x3] =	wrdreg s24  }
0xb0: {  	[dreg:$0x4] =	wrdreg $0x54000  }
0xb1: {  	[dreg:$0x5] =	wrdreg $0x9  }
0xb2: {  	_ =	task.clear_ibuf [dreg:s7], $0x6FFFF;
	_ =	strace $0x90000046  }
0xb3: {  	s29 =	simm.s32 $0x9;
	_ =	strace $0x80000048  }
0xb4: {  	_ =	swait.ge [sflag:s29], $0x1  }
0xb5: {  	[sflag:s29] =	ssyncadd.s32 $0xFFFFFFFF  }
0xb6: {  	_ =	strace $0x90000048  }
0xb7: {  	_ =	sfence  }
0xb8: {  	s30 =	sld [smem:$0x0];
	_ =	sdelay $0x2  }
0xb9: {  	s31 =	sshll.u32 s1, $0xD;
	s1 =	sshrl.u32 s1, $0x2  }
0xba: {  	s3 =	sand.u32 $0x4000, s31;
	s1 =	sadd.s32 s1, s30  }
0xbb: {  	s0 =	sor.u32 s3, s0;
	s1 =	sshll.u32 s1, $0x11  }
0xbc: {  	s0 =	sor.u32 s1, s0  }
0xbd: {  	s0 =	sadd.s32 $0x8F2B, s0  }
0xbe: {  	[sflag:s0] =	ssyncadd.remote.s32 $0x1  }
0xbf: {  	_ =	sfence.sel $0xFFFF  }
0xc0: {  	[dreg:$0x0] =	wrdreg $0xFFFFFFFF;
	(pc) =	sbr.abs _section_cstart, $3  }
0xc1: {  	[dreg:$0x1] =	wrdreg $0xFFFFFFFF  }
0xc2: {  	_ =	task.clear_ibuf [dreg:s7], $0x2FFFF;
	_ =	strace $0x9FFFFFFF  }
0xc3: {  	(tm) =	ssettm $0x7FFFFFFF  }
tec
execute0_lowered:
.L_overlay_start_1:
0x0: {  	(tag) =	ssettag $0x1  }
0x1: {  	s5 =	rddreg [dreg:$0x0]  }
0x2: {  	s6 =	rddreg [dreg:$0x1]  }
0x3: {  	s1 =	rddreg [dreg:$0x2]  }
0x4: {  	s3 =	srdreg.scid;
	s0 =	rddreg [dreg:$0x3]  }
0x5: {  	s2 =	simm.s32 $0x0;
	s12 =	simm.s32 $0x4000;
	s13 =	simm.s32 $0x0  }
0x6: {  	s7 =	sand.u32 $0x1, s3;
	[smem:$0x7FF] =	sst s2;
	s4 =	sadd.s32 $0x8400, s6  }
0x7: {  	s3 =	stileid.u32;
	s8 =	ssub.s32 $0x2, s7;
	_ =	strace $0x80000047  }
0x8: {  	s28 =	sshll.u32 s3, $0xC;
	s10 =	sshll.u32 s7, $0xB;
	s11 =	smul.u32 $0x4F000, s3  }
0x9: {  	p0 =	seq.s32 s7, $0x1;
	s7 =	simm.s32 $0x32400;
	s30 =	smul.u32 $0x2780, s3  }
0xa: {  	s31 =	sshll.u32 s3, $0x6;
	s9 =	sshrl.u32 s8, $0x1;
	s5 =	sadd.s32 s5, s10  }
0xb: {  	s7 =	simm.s32 @!p0 $0xAC00;
	s8 =	ssub.s32 s8, s9;
	s29 =	sshrl.u32 s11, $0x2  }
0xc: {  	s5 =	sadd.s32 s28, s5;
	s7 =	sadd.s32 s7, s6;
	s9 =	sor.u32 $0x1C01, s31  }
0xd: {  	s11 =	simm.s32 $0x28;
	s10 =	sadd.s32 s29, s1;
	s6 =	smax.u32 s8, $0x1  }
0xe: {  	v0 =	vimm.f32 $1.000000000e+00;
	s7 =	sadd.s32 s7, s30;
	s8 =	simm.s32 $0x1;
	s10 =	sshrl.u32 s10, $0x3  }
.LBB2_1:
0xf: {  	[tilespmem:s2], [sflag:$0x1] =	stream.linear.gather [hbm4b:s5+s2], $0x3E80, $0x38;
	[tilespmem:$0x7B80] =	vst v63  }
0x10: {  	_ =	swait.ge [sflag:s8], $0x3E80  }
0x11: {  	[sflag:s8] =	ssyncset.done $0x0  }
0x12: {  	[sflag:s8] =	ssyncadd.s32 $0xFFFFC180  }
0x13: {  	[tilespmem:$0x4000] =	vst v0  }
0x14: {  	[tilespmem:$0x4080] =	vst v0  }
0x15: {  	[tilespmem:$0x4100] =	vst v0  }
0x16: {  	[tilespmem:$0x4180] =	vst v0  }
0x17: {  	[tilespmem:$0x4200] =	vst v0  }
0x18: {  	[tilespmem:$0x4280] =	vst v0  }
0x19: {  	[tilespmem:$0x4300] =	vst v0  }
0x1a: {  	[tilespmem:$0x4380] =	vst v0  }
0x1b: {  	[tilespmem:$0x4400] =	vst v0  }
0x1c: {  	[tilespmem:$0x4480] =	vst v0  }
0x1d: {  	[tilespmem:$0x4500] =	vst v0  }
0x1e: {  	[tilespmem:$0x4580] =	vst v0  }
0x1f: {  	[tilespmem:$0x4600] =	vst v0  }
0x20: {  	[tilespmem:$0x4680] =	vst v0  }
0x21: {  	[tilespmem:$0x4700] =	vst v0  }
0x22: {  	[tilespmem:$0x4780] =	vst v0  }
0x23: {  	[tilespmem:$0x4800] =	vst v0  }
0x24: {  	[tilespmem:$0x4880] =	vst v0  }
0x25: {  	[tilespmem:$0x4900] =	vst v0  }
0x26: {  	[tilespmem:$0x4980] =	vst v0  }
0x27: {  	[tilespmem:$0x4A00] =	vst v0  }
0x28: {  	[tilespmem:$0x4A80] =	vst v0  }
0x29: {  	[tilespmem:$0x4B00] =	vst v0  }
0x2a: {  	[tilespmem:$0x4B80] =	vst v0  }
0x2b: {  	[tilespmem:$0x4C00] =	vst v0  }
0x2c: {  	[tilespmem:$0x4C80] =	vst v0  }
0x2d: {  	[tilespmem:$0x4D00] =	vst v0  }
0x2e: {  	[tilespmem:$0x4D80] =	vst v0  }
0x2f: {  	[tilespmem:$0x4E00] =	vst v0  }
0x30: {  	[tilespmem:$0x4E80] =	vst v0  }
0x31: {  	[tilespmem:$0x4F00] =	vst v0  }
0x32: {  	[tilespmem:$0x4F80] =	vst v0  }
0x33: {  	[tilespmem:$0x5000] =	vst v0  }
0x34: {  	[tilespmem:$0x5080] =	vst v0  }
0x35: {  	[tilespmem:$0x5100] =	vst v0  }
0x36: {  	[tilespmem:$0x5180] =	vst v0  }
0x37: {  	[tilespmem:$0x5200] =	vst v0  }
0x38: {  	[tilespmem:$0x5280] =	vst v0  }
0x39: {  	[tilespmem:$0x5300] =	vst v0  }
0x3a: {  	[tilespmem:$0x5380] =	vst v0  }
0x3b: {  	[spmem:s10], [sflag:s9] =	dma.local [hbm:s4], $0x2780  }
0x3c: {  	_ =	swait.ge [sflag:s8], $0x2780  }
0x3d: {  	[sflag:s8] =	ssyncset.done $0x0  }
0x3e: {  	[sflag:s8] =	ssyncadd.s32 $0xFFFFD880  }
0x3f: {  	s14 =	simm.s32 $0x0;
	[bflag:$0x0] =	sbarrier.arrive $0xFFFF  }
0x40: {  	[spmem:s1] =	stream.indirect.scatter.add.f32 [tilespmem:s12], [sflag:$0x1], $0x10, s14, s11, $0xb8;
	[tilespmem:$0x7B80] =	vst v63  }
0x41: {  	_ =	swait.ge [sflag:s8], $0x280  }
0x42: {  	s14 =	simm.s32 $0x200;
	[sflag:s8] =	ssyncset.done $0x0  }
.LBB2_2:
0x43: {  	s15 =	sshra.s32 s14, $0x2;
	[sflag:s8] =	ssyncadd.s32 $0xFFFFFD80;
	p0 =	sne.s32 s14, $0xF800  }
0x44: {  	[spmem:s1] =	stream.indirect.scatter.add.f32 [tilespmem:s12], [sflag:$0x1], $0x10, s15, s11, $0xb8;
	[tilespmem:$0x7B80] =	vst v63  }
.Ltmp0:
0x45: {  	_ = 	snop;
	(pc) =	sbr.rel @p0 .LBB2_2-.Ltmp0, $4  }
0x46: {  	_ = 	snop  }
0x47: {  	s14 =	sadd.s32 $0x200, s14  }
0x48: {  	_ =	swait.ge [sflag:s8], $0x280  }
0x49: {  	[sflag:s8] =	ssyncset.done $0x0  }
0x4a: {  	s13 =	sadd.s32 $0x1, s13  }
0x4b: {  	[sflag:s8] =	ssyncadd.s32 $0xFFFFFD80;
	p0 =	sne.s32 s13, s6  }
.Ltmp1:
0x4c: {  	[bflag:$0x0] =	sbarrier.arrive $0xFFFF;
	(pc) =	sbr.rel @p0 .LBB2_1-.Ltmp1, $4  }
0x4d: {  	[hbm:s7], [sflag:s9] =	dma.local [spmem:s10], $0x2780  }
0x4e: {  	_ =	swait.ge [sflag:s8], $0x2780  }
0x4f: {  	[sflag:s8] =	ssyncset.done $0x0  }
0x50: {  	[sflag:s8] =	ssyncadd.s32 $0xFFFFD880  }
0x51: {  	_ =	sfence.sel $0x180000  }
0x52: {  	[bflag:$0x0] =	sbarrier.arrive $0xFFFF  }
0x53: {  	p0 =	sne.s32 s3, $0x0;
	_ =	strace $0x90000047  }
0x54: {  	s0 =	sadd.s32 @!p0 $0x100000, s0;
	[bflag:$0x2] =	sbarrier.arrive $0xFFFF  }
0x55: {  	[sflag:s0] =	ssyncadd.tile.s32 @!p0 $0x1;
	_ =	shalt  }
.Lfunc_end2:
_tile_overlayer_lowered:
.L_overlay_start_2:
0x56: {  	(tag) =	ssettag $0x2  }
0x57: {  	s0 =	rddreg [dreg:$0x0];
	s2 =	stileid.u32  }
0x58: {  	s1 =	rddreg [dreg:$0x1];
	p0 =	sne.s32 s2, $0x0  }
0x59: {  	s3 =	rddreg [dreg:$0x2];
	[bflag:$0x3] =	sbarrier.arrive $0xFFFF;
	s2 =	simm.s32 @!p0 $0x1C01  }
0x5a: {  	[timem:s3], [sflag:s2] =	dma.local @!p0 [hbm:s0], s1  }
0x5b: {  	s0 =	simm.s32 @!p0 $0x1  }
0x5c: {  	_ =	swait.ge @!p0 [sflag:s0], s1  }
0x5d: {  	s1 =	ssub.s32 @!p0 $0x0, s1;
	[sflag:s0] =	ssyncset.done @!p0 $0x0  }
0x5e: {  	[sflag:s0] =	ssyncadd.s32 @!p0 s1  }
0x5f: {  	[bflag:$0x3] =	sbarrier.arrive $0xFFFF  }
0x60: {  	_ =	shalt  }

</sc_bundles>
